<compile_context>
chip_gen: v7x
topology: tpu7x:2x2x1
jax: 0.10.2.dev20260603
libtpu: 0.0.44.dev20260713+nightly
codegen_flags: <defaults>
</compile_context>

<pallas_src>
import functools

import jax
import jax.numpy as jnp
from jax import lax
from jax.experimental import pallas as pl
from jax.experimental.pallas import tpu as pltpu
from jax.experimental.pallas import tpu_sc as plsc

_NC = 2
_NS = 16
_NW = _NC * _NS
_L = 16

_D = 128
_HALF = 64
_NJ = 32
_CH = 128


def _body(rows_per_w, ids_hbm, chain_hbm, depth_hbm, jtc_hbm, jtd_hbm,
          out_hbm, jtc_v, jtd_v, ce_v, de_v, fused_v, fused_sh, ids_v,
          rows0, rows1, gsem0, gsem1, ssem0, ssem1):
    cid = lax.axis_index("c")
    sid = lax.axis_index("s")
    wid = sid * _NC + cid

    @pl.when(sid == 0)
    def _():
        pltpu.sync_copy(jtc_hbm, jtc_v)
        pltpu.sync_copy(jtd_hbm, jtd_v)
        pltpu.async_copy(chain_hbm.at[jtc_v], ce_v, gsem0).wait()
        pltpu.async_copy(depth_hbm.at[jtd_v], de_v, gsem0).wait()
        for j in range(_NJ):
            for v in range(_HALF // _L):
                fused_v[j, pl.ds(v * _L, _L)] = ce_v[j, pl.ds(v * _L, _L)]
                fused_v[j, pl.ds(_HALF + v * _L, _L)] = (
                    de_v[j, pl.ds(v * _L, _L)])
        pltpu.sync_copy(fused_v, fused_sh)

    rbase = pl.multiple_of(wid * rows_per_w, 8)
    pltpu.async_copy(ids_hbm.at[pl.ds(rbase, rows_per_w), :], ids_v,
                     gsem1).wait()
    plsc.subcore_barrier()

    slots = ((rows0, gsem0, ssem0), (rows1, gsem1, ssem1))

    def chunk_pair(k2, carry):
        for sl, (rows, gsem, ssem) in enumerate(slots):
            k = (k2 * 2 + sl) * 2

            @pl.when(k2 > 0)
            def _():
                pltpu.make_async_copy(
                    rows, out_hbm.at[pl.ds(0, 2 * _CH), :], ssem).wait()

            cp0 = pltpu.async_copy(
                fused_sh.at[ids_v.at[k]], rows.at[pl.ds(0, _CH), :], gsem)
            cp1 = pltpu.async_copy(
                fused_sh.at[ids_v.at[k + 1]], rows.at[pl.ds(_CH, _CH), :],
                gsem)
            cp0.wait()
            cp1.wait()
            off = pl.multiple_of((rbase + k) * _CH, _CH)
            pltpu.async_copy(rows, out_hbm.at[pl.ds(off, 2 * _CH), :], ssem)
        return carry

    lax.fori_loop(0, rows_per_w // 4, chunk_pair, 0)
    for rows, _, ssem in slots:
        pltpu.make_async_copy(rows, out_hbm.at[pl.ds(0, 2 * _CH), :],
                              ssem).wait()


@jax.jit
def _sc_encode(ids2d, chain_pad, depth_pad, jtc_pad, jtd_pad):
    n_rows = ids2d.shape[0]
    assert n_rows % (_NW * 4) == 0
    rows_per_w = n_rows // _NW

    mesh = plsc.VectorSubcoreMesh(core_axis_name="c", subcore_axis_name="s",
                                  num_cores=_NC, num_subcores=_NS)
    lookup = pl.kernel(
        functools.partial(_body, rows_per_w),
        out_type=jax.ShapeDtypeStruct((n_rows * _CH, _D), jnp.float32),
        mesh=mesh,
        compiler_params=pltpu.CompilerParams(needs_layout_passes=False),
        scratch_types=[
            pltpu.VMEM((_NJ,), jnp.int32),
            pltpu.VMEM((_NJ,), jnp.int32),
            pltpu.VMEM((_NJ, _D), jnp.float32),
            pltpu.VMEM((_NJ, _D), jnp.float32),
            pltpu.VMEM((_NJ, _D), jnp.float32),
            pltpu.VMEM_SHARED((_NJ, _D), jnp.float32),
            pltpu.VMEM((rows_per_w, _CH), jnp.int32),
            pltpu.VMEM((2 * _CH, _D), jnp.float32),
            pltpu.VMEM((2 * _CH, _D), jnp.float32),
            pltpu.SemaphoreType.DMA,
            pltpu.SemaphoreType.DMA,
            pltpu.SemaphoreType.DMA,
            pltpu.SemaphoreType.DMA,
        ],
    )
    return lookup(ids2d, chain_pad, depth_pad, jtc_pad, jtd_pad)


def kernel(joint_ids, chain_emb_weight, depth_emb_weight, joint_to_chain,
           joint_to_depth):
    b, t = joint_ids.shape
    ids2d = joint_ids.reshape(-1, _CH).astype(jnp.int32)
    jtc_pad = jnp.pad(joint_to_chain.astype(jnp.int32), (0, 10))
    jtd_pad = jnp.pad(joint_to_depth.astype(jnp.int32), (0, 10))
    ce_pad = jnp.pad(chain_emb_weight,
                     ((0, 8 - chain_emb_weight.shape[0]), (0, _D - _HALF)))
    de_pad = jnp.pad(depth_emb_weight,
                     ((0, 8 - depth_emb_weight.shape[0]), (0, _D - _HALF)))
    out = _sc_encode(ids2d, ce_pad, de_pad, jtc_pad, jtd_pad)
    return out.reshape(b, t, _D)

# --- scband reference (transcript-rebuilt; emitter-appended) ---
"""Pipeline reference for scband-kinematic-chain-encoder-29059748725629 (READ-ONLY COPY).

The authoritative reference and input builder live on the scoring server;
editing this copy changes nothing except your own understanding.
"""

import jax, jax.numpy as jnp
import numpy as np

MODEL_DIM = 128

def _build_maps():
    jtc = [0] * 22
    jtd = [0] * 22
    for d, j in enumerate([0, 2, 5, 8, 11]):
        jtc[j], jtd[j] = 0, d
    for d, j in enumerate([1, 4, 7, 10], 1):
        jtc[j], jtd[j] = 1, d
    for d, j in enumerate([3, 6, 9, 12, 15], 1):
        jtc[j], jtd[j] = 2, d
    for d, j in enumerate([14, 17, 19, 21], 4):
        jtc[j], jtd[j] = 3, d
    for d, j in enumerate([13, 16, 18, 20], 4):
        jtc[j], jtd[j] = 4, d
    return jnp.array(jtc, dtype=jnp.int32), jnp.array(jtd, dtype=jnp.int32)


def setup_inputs(seed: int = 0) -> dict:
    key = jax.random.key(seed)
    k1, k2, k3 = jax.random.split(key, 3)
    joint_ids = jax.random.randint(k1, (4096, 200), 0, 22, dtype=jnp.int32)
    half = MODEL_DIM // 2
    chain_emb_weight = jax.random.normal(k2, (5, half), dtype=jnp.float32) * 0.02
    depth_emb_weight = jax.random.normal(k3, (8, half), dtype=jnp.float32) * 0.02
    joint_to_chain, joint_to_depth = _build_maps()
    return {
        "joint_ids": joint_ids,
        "chain_emb_weight": chain_emb_weight,
        "depth_emb_weight": depth_emb_weight,
        "joint_to_chain": joint_to_chain,
        "joint_to_depth": joint_to_depth,
    }


def reference(joint_ids, chain_emb_weight, depth_emb_weight, joint_to_chain, joint_to_depth):
    chains = jnp.take(joint_to_chain, joint_ids, axis=0)
    depths = jnp.take(joint_to_depth, joint_ids, axis=0)
    ce = jnp.take(chain_emb_weight, chains, axis=0)
    de = jnp.take(depth_emb_weight, depths, axis=0)
    return jnp.concatenate([ce, de], axis=-1)

if __name__ == "__main__":
    import jax
    _d = setup_inputs()
    print(jax.jit(kernel)(*tuple(_d.values())))

</pallas_src>

<mosaic_0001>
#map = affine_map<(d0, d1) -> (0, 0)>
#map1 = affine_map<(d0, d1) -> (0)>
module attributes {stable_mosaic.version = 14 : i64} {
  func.func @_body(%arg0: i32, %arg1: i32, %arg2: memref<6400x128xi32, #tpu.memory_space<hbm>>, %arg3: memref<8x128xf32, #tpu.memory_space<hbm>>, %arg4: memref<8x128xf32, #tpu.memory_space<hbm>>, %arg5: memref<32xi32, #tpu.memory_space<hbm>>, %arg6: memref<32xi32, #tpu.memory_space<hbm>>, %arg7: memref<819200x128xf32, #tpu.memory_space<hbm>>, %arg8: memref<32xi32, #tpu.memory_space<vmem>>, %arg9: memref<32xi32, #tpu.memory_space<vmem>>, %arg10: memref<32x128xf32, #tpu.memory_space<vmem>>, %arg11: memref<32x128xf32, #tpu.memory_space<vmem>>, %arg12: memref<32x128xf32, #tpu.memory_space<vmem>>, %arg13: memref<32x128xf32, #tpu.memory_space<vmem_shared>>, %arg14: memref<200x128xi32, #tpu.memory_space<vmem>>, %arg15: memref<256x128xf32, #tpu.memory_space<vmem>>, %arg16: memref<256x128xf32, #tpu.memory_space<vmem>>, %arg17: memref<!tpu.dma_semaphore, #tpu.memory_space<semaphore_mem>>, %arg18: memref<!tpu.dma_semaphore, #tpu.memory_space<semaphore_mem>>, %arg19: memref<!tpu.dma_semaphore, #tpu.memory_space<semaphore_mem>>, %arg20: memref<!tpu.dma_semaphore, #tpu.memory_space<semaphore_mem>>) attributes {dimension_semantics = [#tpu.dimension_semantics<core_parallel>, #tpu.dimension_semantics<subcore_parallel>], iteration_bounds = array<i64: 2, 16>, scalar_prefetch = 0 : i64, scratch_operands = 13 : i64, tpu.core_type = #tpu.core_type<sc_vector_subcore>, window_params = [{transform_indices = #map}, {transform_indices = #map}, {transform_indices = #map}, {transform_indices = #map1}, {transform_indices = #map1}, {transform_indices = #map}]} {
    %mul3A = arith.constant 2 : i32
    %mul3A_0 = arith.muli %arg1, %mul3A : i32
    %add3A = arith.addi %mul3A_0, %arg0 : i32
    %eq3A = arith.constant 0 : i32
    %eq3A_1 = arith.cmpi eq, %arg1, %eq3A : i32
    %convert_element_type3A = arith.extui %eq3A_1 : i1 to i32
    %cond3A = arith.constant 0 : i32
    %cond3A_2 = arith.cmpi ne, %convert_element_type3A, %cond3A : i32
    scf.if %cond3A_2 {
      "tpu.region"() ({
        %run_scoped3A = tpu.sem_alloc : memref<!tpu.dma_semaphore, #tpu.memory_space<semaphore_mem>>
        tpu.enqueue_dma source(%arg5 : memref<32xi32, #tpu.memory_space<hbm>>) target(%arg8 : memref<32xi32, #tpu.memory_space<vmem>>) target_semaphore(%run_scoped3A : memref<!tpu.dma_semaphore, #tpu.memory_space<semaphore_mem>>)
        tpu.wait_dma2 semaphore(%run_scoped3A : memref<!tpu.dma_semaphore, #tpu.memory_space<semaphore_mem>>) src(%arg5 : memref<32xi32, #tpu.memory_space<hbm>>) dst(%arg8 : memref<32xi32, #tpu.memory_space<vmem>>)
        tpu.yield
      }) : () -> ()
      "tpu.region"() ({
        %run_scoped3A = tpu.sem_alloc : memref<!tpu.dma_semaphore, #tpu.memory_space<semaphore_mem>>
        tpu.enqueue_dma source(%arg6 : memref<32xi32, #tpu.memory_space<hbm>>) target(%arg9 : memref<32xi32, #tpu.memory_space<vmem>>) target_semaphore(%run_scoped3A : memref<!tpu.dma_semaphore, #tpu.memory_space<semaphore_mem>>)
        tpu.wait_dma2 semaphore(%run_scoped3A : memref<!tpu.dma_semaphore, #tpu.memory_space<semaphore_mem>>) src(%arg6 : memref<32xi32, #tpu.memory_space<hbm>>) dst(%arg9 : memref<32xi32, #tpu.memory_space<vmem>>)
        tpu.yield
      }) : () -> ()
      %dma_start3A_28 = arith.constant 0 : i32
      %dma_start3A_29 = arith.constant 0 : i32
      %dma_start3A_30 = tpu.memref_slice %arg3[%dma_start3A_28, %dma_start3A_29] : memref<8x128xf32, #tpu.memory_space<hbm>> -> memref<8x128xf32, #tpu.memory_space<hbm>>
      tpu.enqueue_indirect_dma source(%dma_start3A_30 : memref<8x128xf32, #tpu.memory_space<hbm>>) target(%arg10 : memref<32x128xf32, #tpu.memory_space<vmem>>) offsets(%arg8 : memref<32xi32, #tpu.memory_space<vmem>>) semaphore(%arg17 : memref<!tpu.dma_semaphore, #tpu.memory_space<semaphore_mem>>)
      %dma_wait3A_31 = arith.constant 0 : i32
      %dma_wait3A_32 = arith.constant 0 : i32
      %dma_wait3A_33 = tpu.memref_slice %arg3[%dma_wait3A_31, %dma_wait3A_32] : memref<8x128xf32, #tpu.memory_space<hbm>> -> memref<8x128xf32, #tpu.memory_space<hbm>>
      tpu.wait_indirect_dma semaphore(%arg17 : memref<!tpu.dma_semaphore, #tpu.memory_space<semaphore_mem>>) src(%dma_wait3A_33 : memref<8x128xf32, #tpu.memory_space<hbm>>) dst(%arg10 : memref<32x128xf32, #tpu.memory_space<vmem>>)
      %dma_start3A_34 = arith.constant 0 : i32
      %dma_start3A_35 = arith.constant 0 : i32
      %dma_start3A_36 = tpu.memref_slice %arg4[%dma_start3A_34, %dma_start3A_35] : memref<8x128xf32, #tpu.memory_space<hbm>> -> memref<8x128xf32, #tpu.memory_space<hbm>>
      tpu.enqueue_indirect_dma source(%dma_start3A_36 : memref<8x128xf32, #tpu.memory_space<hbm>>) target(%arg11 : memref<32x128xf32, #tpu.memory_space<vmem>>) offsets(%arg9 : memref<32xi32, #tpu.memory_space<vmem>>) semaphore(%arg17 : memref<!tpu.dma_semaphore, #tpu.memory_space<semaphore_mem>>)
      %dma_wait3A_37 = arith.constant 0 : i32
      %dma_wait3A_38 = arith.constant 0 : i32
      %dma_wait3A_39 = tpu.memref_slice %arg4[%dma_wait3A_37, %dma_wait3A_38] : memref<8x128xf32, #tpu.memory_space<hbm>> -> memref<8x128xf32, #tpu.memory_space<hbm>>
      tpu.wait_indirect_dma semaphore(%arg17 : memref<!tpu.dma_semaphore, #tpu.memory_space<semaphore_mem>>) src(%dma_wait3A_39 : memref<8x128xf32, #tpu.memory_space<hbm>>) dst(%arg11 : memref<32x128xf32, #tpu.memory_space<vmem>>)
      %get3A = arith.constant 0 : i32
      %get3A_40 = arith.index_cast %get3A : i32 to index
      %get3A_41 = arith.constant 0 : index
      %get3A_42 = tpu.vector_load %arg10[%get3A_40, %get3A_41] {strides = array<i32>} : memref<32x128xf32, #tpu.memory_space<vmem>>, vector<16xf32>,
      %swap3A = arith.constant 0 : i32
      %swap3A_43 = arith.index_cast %swap3A : i32 to index
      %swap3A_44 = arith.constant 0 : index
      %swap3A_45 = tpu.vector_load %arg12[%swap3A_43, %swap3A_44] {strides = array<i32>} : memref<32x128xf32, #tpu.memory_space<vmem>>, vector<16xf32>,
      tpu.vector_store %arg12[%swap3A_43, %swap3A_44], %get3A_42 {strides = array<i32>} : memref<32x128xf32, #tpu.memory_space<vmem>>, vector<16xf32>,
      %get3A_46 = arith.constant 0 : i32
      %get3A_47 = arith.index_cast %get3A_46 : i32 to index
      %get3A_48 = arith.constant 0 : index
      %get3A_49 = tpu.vector_load %arg11[%get3A_47, %get3A_48] {strides = array<i32>} : memref<32x128xf32, #tpu.memory_space<vmem>>, vector<16xf32>,
      %swap3A_50 = arith.constant 0 : i32
      %swap3A_51 = arith.index_cast %swap3A_50 : i32 to index
      %swap3A_52 = arith.constant 64 : index
      %swap3A_53 = tpu.vector_load %arg12[%swap3A_51, %swap3A_52] {strides = array<i32>} : memref<32x128xf32, #tpu.memory_space<vmem>>, vector<16xf32>,
      tpu.vector_store %arg12[%swap3A_51, %swap3A_52], %get3A_49 {strides = array<i32>} : memref<32x128xf32, #tpu.memory_space<vmem>>, vector<16xf32>,
      %get3A_54 = arith.constant 0 : i32
      %get3A_55 = arith.index_cast %get3A_54 : i32 to index
      %get3A_56 = arith.constant 16 : index
      %get3A_57 = tpu.vector_load %arg10[%get3A_55, %get3A_56] {strides = array<i32>} : memref<32x128xf32, #tpu.memory_space<vmem>>, vector<16xf32>,
      %swap3A_58 = arith.constant 0 : i32
      %swap3A_59 = arith.index_cast %swap3A_58 : i32 to index
      %swap3A_60 = arith.constant 16 : index
      %swap3A_61 = tpu.vector_load %arg12[%swap3A_59, %swap3A_60] {strides = array<i32>} : memref<32x128xf32, #tpu.memory_space<vmem>>, vector<16xf32>,
      tpu.vector_store %arg12[%swap3A_59, %swap3A_60], %get3A_57 {strides = array<i32>} : memref<32x128xf32, #tpu.memory_space<vmem>>, vector<16xf32>,
      %get3A_62 = arith.constant 0 : i32
      %get3A_63 = arith.index_cast %get3A_62 : i32 to index
      %get3A_64 = arith.constant 16 : index
      %get3A_65 = tpu.vector_load %arg11[%get3A_63, %get3A_64] {strides = array<i32>} : memref<32x128xf32, #tpu.memory_space<vmem>>, vector<16xf32>,
      %swap3A_66 = arith.constant 0 : i32
      %swap3A_67 = arith.index_cast %swap3A_66 : i32 to index
      %swap3A_68 = arith.constant 80 : index
      %swap3A_69 = tpu.vector_load %arg12[%swap3A_67, %swap3A_68] {strides = array<i32>} : memref<32x128xf32, #tpu.memory_space<vmem>>, vector<16xf32>,
      tpu.vector_store %arg12[%swap3A_67, %swap3A_68], %get3A_65 {strides = array<i32>} : memref<32x128xf32, #tpu.memory_space<vmem>>, vector<16xf32>,
      %get3A_70 = arith.constant 0 : i32
      %get3A_71 = arith.index_cast %get3A_70 : i32 to index
      %get3A_72 = arith.constant 32 : index
      %get3A_73 = tpu.vector_load %arg10[%get3A_71, %get3A_72] {strides = array<i32>} : memref<32x128xf32, #tpu.memory_space<vmem>>, vector<16xf32>,
      %swap3A_74 = arith.constant 0 : i32
      %swap3A_75 = arith.index_cast %swap3A_74 : i32 to index
      %swap3A_76 = arith.constant 32 : index
      %swap3A_77 = tpu.vector_load %arg12[%swap3A_75, %swap3A_76] {strides = array<i32>} : memref<32x128xf32, #tpu.memory_space<vmem>>, vector<16xf32>,
      tpu.vector_store %arg12[%swap3A_75, %swap3A_76], %get3A_73 {strides = array<i32>} : memref<32x128xf32, #tpu.memory_space<vmem>>, vector<16xf32>,
      %get3A_78 = arith.constant 0 : i32
      %get3A_79 = arith.index_cast %get3A_78 : i32 to index
      %get3A_80 = arith.constant 32 : index
      %get3A_81 = tpu.vector_load %arg11[%get3A_79, %get3A_80] {strides = array<i32>} : memref<32x128xf32, #tpu.memory_space<vmem>>, vector<16xf32>,
      %swap3A_82 = arith.constant 0 : i32
      %swap3A_83 = arith.index_cast %swap3A_82 : i32 to index
      %swap3A_84 = arith.constant 96 : index
      %swap3A_85 = tpu.vector_load %arg12[%swap3A_83, %swap3A_84] {strides = array<i32>} : memref<32x128xf32, #tpu.memory_space<vmem>>, vector<16xf32>,
      tpu.vector_store %arg12[%swap3A_83, %swap3A_84], %get3A_81 {strides = array<i32>} : memref<32x128xf32, #tpu.memory_space<vmem>>, vector<16xf32>,
      %get3A_86 = arith.constant 0 : i32
      %get3A_87 = arith.index_cast %get3A_86 : i32 to index
      %get3A_88 = arith.constant 48 : index
      %get3A_89 = tpu.vector_load %arg10[%get3A_87, %get3A_88] {strides = array<i32>} : memref<32x128xf32, #tpu.memory_space<vmem>>, vector<16xf32>,
      %swap3A_90 = arith.constant 0 : i32
      %swap3A_91 = arith.index_cast %swap3A_90 : i32 to index
      %swap3A_92 = arith.constant 48 : index
      %swap3A_93 = tpu.vector_load %arg12[%swap3A_91, %swap3A_92] {strides = array<i32>} : memref<32x128xf32, #tpu.memory_space<vmem>>, vector<16xf32>,
      tpu.vector_store %arg12[%swap3A_91, %swap3A_92], %get3A_89 {strides = array<i32>} : memref<32x128xf32, #tpu.memory_space<vmem>>, vector<16xf32>,
      %get3A_94 = arith.constant 0 : i32
      %get3A_95 = arith.index_cast %get3A_94 : i32 to index
      %get3A_96 = arith.constant 48 : index
      %get3A_97 = tpu.vector_load %arg11[%get3A_95, %get3A_96] {strides = array<i32>} : memref<32x128xf32, #tpu.memory_space<vmem>>, vector<16xf32>,
      %swap3A_98 = arith.constant 0 : i32
      %swap3A_99 = arith.index_cast %swap3A_98 : i32 to index
      %swap3A_100 = arith.constant 112 : index
      %swap3A_101 = tpu.vector_load %arg12[%swap3A_99, %swap3A_100] {strides = array<i32>} : memref<32x128xf32, #tpu.memory_space<vmem>>, vector<16xf32>,
      tpu.vector_store %arg12[%swap3A_99, %swap3A_100], %get3A_97 {strides = array<i32>} : memref<32x128xf32, #tpu.memory_space<vmem>>, vector<16xf32>,
      %get3A_102 = arith.constant 1 : i32
      %get3A_103 = arith.index_cast %get3A_102 : i32 to index
      %get3A_104 = arith.constant 0 : index
      %get3A_105 = tpu.vector_load %arg10[%get3A_103, %get3A_104] {strides = array<i32>} : memref<32x128xf32, #tpu.memory_space<vmem>>, vector<16xf32>,
      %swap3A_106 = arith.constant 1 : i32
      %swap3A_107 = arith.index_cast %swap3A_106 : i32 to index
      %swap3A_108 = arith.constant 0 : index
      %swap3A_109 = tpu.vector_load %arg12[%swap3A_107, %swap3A_108] {strides = array<i32>} : memref<32x128xf32, #tpu.memory_space<vmem>>, vector<16xf32>,
      tpu.vector_store %arg12[%swap3A_107, %swap3A_108], %get3A_105 {strides = array<i32>} : memref<32x128xf32, #tpu.memory_space<vmem>>, vector<16xf32>,
      %get3A_110 = arith.constant 1 : i32
      %get3A_111 = arith.index_cast %get3A_110 : i32 to index
      %get3A_112 = arith.constant 0 : index
      %get3A_113 = tpu.vector_load %arg11[%get3A_111, %get3A_112] {strides = array<i32>} : memref<32x128xf32, #tpu.memory_space<vmem>>, vector<16xf32>,
      %swap3A_114 = arith.constant 1 : i32
      %swap3A_115 = arith.index_cast %swap3A_114 : i32 to index
      %swap3A_116 = arith.constant 64 : index
      %swap3A_117 = tpu.vector_load %arg12[%swap3A_115, %swap3A_116] {strides = array<i32>} : memref<32x128xf32, #tpu.memory_space<vmem>>, vector<16xf32>,
      tpu.vector_store %arg12[%swap3A_115, %swap3A_116], %get3A_113 {strides = array<i32>} : memref<32x128xf32, #tpu.memory_space<vmem>>, vector<16xf32>,
      %get3A_118 = arith.constant 1 : i32
      %get3A_119 = arith.index_cast %get3A_118 : i32 to index
      %get3A_120 = arith.constant 16 : index
      %get3A_121 = tpu.vector_load %arg10[%get3A_119, %get3A_120] {strides = array<i32>} : memref<32x128xf32, #tpu.memory_space<vmem>>, vector<16xf32>,
      %swap3A_122 = arith.constant 1 : i32
      %swap3A_123 = arith.index_cast %swap3A_122 : i32 to index
      %swap3A_124 = arith.constant 16 : index
      %swap3A_125 = tpu.vector_load %arg12[%swap3A_123, %swap3A_124] {strides = array<i32>} : memref<32x128xf32, #tpu.memory_space<vmem>>, vector<16xf32>,
      tpu.vector_store %arg12[%swap3A_123, %swap3A_124], %get3A_121 {strides = array<i32>} : memref<32x128xf32, #tpu.memory_space<vmem>>, vector<16xf32>,
      %get3A_126 = arith.constant 1 : i32
      %get3A_127 = arith.index_cast %get3A_126 : i32 to index
      %get3A_128 = arith.constant 16 : index
      %get3A_129 = tpu.vector_load %arg11[%get3A_127, %get3A_128] {strides = array<i32>} : memref<32x128xf32, #tpu.memory_space<vmem>>, vector<16xf32>,
      %swap3A_130 = arith.constant 1 : i32
      %swap3A_131 = arith.index_cast %swap3A_130 : i32 to index
      %swap3A_132 = arith.constant 80 : index
      %swap3A_133 = tpu.vector_load %arg12[%swap3A_131, %swap3A_132] {strides = array<i32>} : memref<32x128xf32, #tpu.memory_space<vmem>>, vector<16xf32>,
      tpu.vector_store %arg12[%swap3A_131, %swap3A_132], %get3A_129 {strides = array<i32>} : memref<32x128xf32, #tpu.memory_space<vmem>>, vector<16xf32>,
      %get3A_134 = arith.constant 1 : i32
      %get3A_135 = arith.index_cast %get3A_134 : i32 to index
      %get3A_136 = arith.constant 32 : index
      %get3A_137 = tpu.vector_load %arg10[%get3A_135, %get3A_136] {strides = array<i32>} : memref<32x128xf32, #tpu.memory_space<vmem>>, vector<16xf32>,
      %swap3A_138 = arith.constant 1 : i32
      %swap3A_139 = arith.index_cast %swap3A_138 : i32 to index
      %swap3A_140 = arith.constant 32 : index
      %swap3A_141 = tpu.vector_load %arg12[%swap3A_139, %swap3A_140] {strides = array<i32>} : memref<32x128xf32, #tpu.memory_space<vmem>>, vector<16xf32>,
      tpu.vector_store %arg12[%swap3A_139, %swap3A_140], %get3A_137 {strides = array<i32>} : memref<32x128xf32, #tpu.memory_space<vmem>>, vector<16xf32>,
      %get3A_142 = arith.constant 1 : i32
      %get3A_143 = arith.index_cast %get3A_142 : i32 to index
      %get3A_144 = arith.constant 32 : index
      %get3A_145 = tpu.vector_load %arg11[%get3A_143, %get3A_144] {strides = array<i32>} : memref<32x128xf32, #tpu.memory_space<vmem>>, vector<16xf32>,
      %swap3A_146 = arith.constant 1 : i32
      %swap3A_147 = arith.index_cast %swap3A_146 : i32 to index
      %swap3A_148 = arith.constant 96 : index
      %swap3A_149 = tpu.vector_load %arg12[%swap3A_147, %swap3A_148] {strides = array<i32>} : memref<32x128xf32, #tpu.memory_space<vmem>>, vector<16xf32>,
      tpu.vector_store %arg12[%swap3A_147, %swap3A_148], %get3A_145 {strides = array<i32>} : memref<32x128xf32, #tpu.memory_space<vmem>>, vector<16xf32>,
      %get3A_150 = arith.constant 1 : i32
      %get3A_151 = arith.index_cast %get3A_150 : i32 to index
      %get3A_152 = arith.constant 48 : index
      %get3A_153 = tpu.vector_load %arg10[%get3A_151, %get3A_152] {strides = array<i32>} : memref<32x128xf32, #tpu.memory_space<vmem>>, vector<16xf32>,
      %swap3A_154 = arith.constant 1 : i32
      %swap3A_155 = arith.index_cast %swap3A_154 : i32 to index
      %swap3A_156 = arith.constant 48 : index
      %swap3A_157 = tpu.vector_load %arg12[%swap3A_155, %swap3A_156] {strides = array<i32>} : memref<32x128xf32, #tpu.memory_space<vmem>>, vector<16xf32>,
      tpu.vector_store %arg12[%swap3A_155, %swap3A_156], %get3A_153 {strides = array<i32>} : memref<32x128xf32, #tpu.memory_space<vmem>>, vector<16xf32>,
      %get3A_158 = arith.constant 1 : i32
      %get3A_159 = arith.index_cast %get3A_158 : i32 to index
      %get3A_160 = arith.constant 48 : index
      %get3A_161 = tpu.vector_load %arg11[%get3A_159, %get3A_160] {strides = array<i32>} : memref<32x128xf32, #tpu.memory_space<vmem>>, vector<16xf32>,
      %swap3A_162 = arith.constant 1 : i32
      %swap3A_163 = arith.index_cast %swap3A_162 : i32 to index
      %swap3A_164 = arith.constant 112 : index
      %swap3A_165 = tpu.vector_load %arg12[%swap3A_163, %swap3A_164] {strides = array<i32>} : memref<32x128xf32, #tpu.memory_space<vmem>>, vector<16xf32>,
      tpu.vector_store %arg12[%swap3A_163, %swap3A_164], %get3A_161 {strides = array<i32>} : memref<32x128xf32, #tpu.memory_space<vmem>>, vector<16xf32>,
      %get3A_166 = arith.constant 2 : i32
      %get3A_167 = arith.index_cast %get3A_166 : i32 to index
      %get3A_168 = arith.constant 0 : index
      %get3A_169 = tpu.vector_load %arg10[%get3A_167, %get3A_168] {strides = array<i32>} : memref<32x128xf32, #tpu.memory_space<vmem>>, vector<16xf32>,
      %swap3A_170 = arith.constant 2 : i32
      %swap3A_171 = arith.index_cast %swap3A_170 : i32 to index
      %swap3A_172 = arith.constant 0 : index
      %swap3A_173 = tpu.vector_load %arg12[%swap3A_171, %swap3A_172] {strides = array<i32>} : memref<32x128xf32, #tpu.memory_space<vmem>>, vector<16xf32>,
      tpu.vector_store %arg12[%swap3A_171, %swap3A_172], %get3A_169 {strides = array<i32>} : memref<32x128xf32, #tpu.memory_space<vmem>>, vector<16xf32>,
      %get3A_174 = arith.constant 2 : i32
      %get3A_175 = arith.index_cast %get3A_174 : i32 to index
      %get3A_176 = arith.constant 0 : index
      %get3A_177 = tpu.vector_load %arg11[%get3A_175, %get3A_176] {strides = array<i32>} : memref<32x128xf32, #tpu.memory_space<vmem>>, vector<16xf32>,
      %swap3A_178 = arith.constant 2 : i32
      %swap3A_179 = arith.index_cast %swap3A_178 : i32 to index
      %swap3A_180 = arith.constant 64 : index
      %swap3A_181 = tpu.vector_load %arg12[%swap3A_179, %swap3A_180] {strides = array<i32>} : memref<32x128xf32, #tpu.memory_space<vmem>>, vector<16xf32>,
      tpu.vector_store %arg12[%swap3A_179, %swap3A_180], %get3A_177 {strides = array<i32>} : memref<32x128xf32, #tpu.memory_space<vmem>>, vector<16xf32>,
      %get3A_182 = arith.constant 2 : i32
      %get3A_183 = arith.index_cast %get3A_182 : i32 to index
      %get3A_184 = arith.constant 16 : index
      %get3A_185 = tpu.vector_load %arg10[%get3A_183, %get3A_184] {strides = array<i32>} : memref<32x128xf32, #tpu.memory_space<vmem>>, vector<16xf32>,
      %swap3A_186 = arith.constant 2 : i32
      %swap3A_187 = arith.index_cast %swap3A_186 : i32 to index
      %swap3A_188 = arith.constant 16 : index
      %swap3A_189 = tpu.vector_load %arg12[%swap3A_187, %swap3A_188] {strides = array<i32>} : memref<32x128xf32, #tpu.memory_space<vmem>>, vector<16xf32>,
      tpu.vector_store %arg12[%swap3A_187, %swap3A_188], %get3A_185 {strides = array<i32>} : memref<32x128xf32, #tpu.memory_space<vmem>>, vector<16xf32>,
      %get3A_190 = arith.constant 2 : i32
      %get3A_191 = arith.index_cast %get3A_190 : i32 to index
      %get3A_192 = arith.constant 16 : index
      %get3A_193 = tpu.vector_load %arg11[%get3A_191, %get3A_192] {strides = array<i32>} : memref<32x128xf32, #tpu.memory_space<vmem>>, vector<16xf32>,
      %swap3A_194 = arith.constant 2 : i32
      %swap3A_195 = arith.index_cast %swap3A_194 : i32 to index
      %swap3A_196 = arith.constant 80 : index
      %swap3A_197 = tpu.vector_load %arg12[%swap3A_195, %swap3A_196] {strides = array<i32>} : memref<32x128xf32, #tpu.memory_space<vmem>>, vector<16xf32>,
      tpu.vector_store %arg12[%swap3A_195, %swap3A_196], %get3A_193 {strides = array<i32>} : memref<32x128xf32, #tpu.memory_space<vmem>>, vector<16xf32>,
      %get3A_198 = arith.constant 2 : i32
      %get3A_199 = arith.index_cast %get3A_198 : i32 to index
      %get3A_200 = arith.constant 32 : index
      %get3A_201 = tpu.vector_load %arg10[%get3A_199, %get3A_200] {strides = array<i32>} : memref<32x128xf32, #tpu.memory_space<vmem>>, vector<16xf32>,
      %swap3A_202 = arith.constant 2 : i32
      %swap3A_203 = arith.index_cast %swap3A_202 : i32 to index
      %swap3A_204 = arith.constant 32 : index
      %swap3A_205 = tpu.vector_load %arg12[%swap3A_203, %swap3A_204] {strides = array<i32>} : memref<32x128xf32, #tpu.memory_space<vmem>>, vector<16xf32>,
      tpu.vector_store %arg12[%swap3A_203, %swap3A_204], %get3A_201 {strides = array<i32>} : memref<32x128xf32, #tpu.memory_space<vmem>>, vector<16xf32>,
      %get3A_206 = arith.constant 2 : i32
      %get3A_207 = arith.index_cast %get3A_206 : i32 to index
      %get3A_208 = arith.constant 32 : index
      %get3A_209 = tpu.vector_load %arg11[%get3A_207, %get3A_208] {strides = array<i32>} : memref<32x128xf32, #tpu.memory_space<vmem>>, vector<16xf32>,
      %swap3A_210 = arith.constant 2 : i32
      %swap3A_211 = arith.index_cast %swap3A_210 : i32 to index
      %swap3A_212 = arith.constant 96 : index
      %swap3A_213 = tpu.vector_load %arg12[%swap3A_211, %swap3A_212] {strides = array<i32>} : memref<32x128xf32, #tpu.memory_space<vmem>>, vector<16xf32>,
      tpu.vector_store %arg12[%swap3A_211, %swap3A_212], %get3A_209 {strides = array<i32>} : memref<32x128xf32, #tpu.memory_space<vmem>>, vector<16xf32>,
      %get3A_214 = arith.constant 2 : i32
      %get3A_215 = arith.index_cast %get3A_214 : i32 to index
      %get3A_216 = arith.constant 48 : index
      %get3A_217 = tpu.vector_load %arg10[%get3A_215, %get3A_216] {strides = array<i32>} : memref<32x128xf32, #tpu.memory_space<vmem>>, vector<16xf32>,
      %swap3A_218 = arith.constant 2 : i32
      %swap3A_219 = arith.index_cast %swap3A_218 : i32 to index
      %swap3A_220 = arith.constant 48 : index
      %swap3A_221 = tpu.vector_load %arg12[%swap3A_219, %swap3A_220] {strides = array<i32>} : memref<32x128xf32, #tpu.memory_space<vmem>>, vector<16xf32>,
      tpu.vector_store %arg12[%swap3A_219, %swap3A_220], %get3A_217 {strides = array<i32>} : memref<32x128xf32, #tpu.memory_space<vmem>>, vector<16xf32>,
      %get3A_222 = arith.constant 2 : i32
      %get3A_223 = arith.index_cast %get3A_222 : i32 to index
      %get3A_224 = arith.constant 48 : index
      %get3A_225 = tpu.vector_load %arg11[%get3A_223, %get3A_224] {strides = array<i32>} : memref<32x128xf32, #tpu.memory_space<vmem>>, vector<16xf32>,
      %swap3A_226 = arith.constant 2 : i32
      %swap3A_227 = arith.index_cast %swap3A_226 : i32 to index
      %swap3A_228 = arith.constant 112 : index
      %swap3A_229 = tpu.vector_load %arg12[%swap3A_227, %swap3A_228] {strides = array<i32>} : memref<32x128xf32, #tpu.memory_space<vmem>>, vector<16xf32>,
      tpu.vector_store %arg12[%swap3A_227, %swap3A_228], %get3A_225 {strides = array<i32>} : memref<32x128xf32, #tpu.memory_space<vmem>>, vector<16xf32>,
      %get3A_230 = arith.constant 3 : i32
      %get3A_231 = arith.index_cast %get3A_230 : i32 to index
      %get3A_232 = arith.constant 0 : index
      %get3A_233 = tpu.vector_load %arg10[%get3A_231, %get3A_232] {strides = array<i32>} : memref<32x128xf32, #tpu.memory_space<vmem>>, vector<16xf32>,
      %swap3A_234 = arith.constant 3 : i32
      %swap3A_235 = arith.index_cast %swap3A_234 : i32 to index
      %swap3A_236 = arith.constant 0 : index
      %swap3A_237 = tpu.vector_load %arg12[%swap3A_235, %swap3A_236] {strides = array<i32>} : memref<32x128xf32, #tpu.memory_space<vmem>>, vector<16xf32>,
      tpu.vector_store %arg12[%swap3A_235, %swap3A_236], %get3A_233 {strides = array<i32>} : memref<32x128xf32, #tpu.memory_space<vmem>>, vector<16xf32>,
      %get3A_238 = arith.constant 3 : i32
      %get3A_239 = arith.index_cast %get3A_238 : i32 to index
      %get3A_240 = arith.constant 0 : index
      %get3A_241 = tpu.vector_load %arg11[%get3A_239, %get3A_240] {strides = array<i32>} : memref<32x128xf32, #tpu.memory_space<vmem>>, vector<16xf32>,
      %swap3A_242 = arith.constant 3 : i32
      %swap3A_243 = arith.index_cast %swap3A_242 : i32 to index
      %swap3A_244 = arith.constant 64 : index
      %swap3A_245 = tpu.vector_load %arg12[%swap3A_243, %swap3A_244] {strides = array<i32>} : memref<32x128xf32, #tpu.memory_space<vmem>>, vector<16xf32>,
      tpu.vector_store %arg12[%swap3A_243, %swap3A_244], %get3A_241 {strides = array<i32>} : memref<32x128xf32, #tpu.memory_space<vmem>>, vector<16xf32>,
      %get3A_246 = arith.constant 3 : i32
      %get3A_247 = arith.index_cast %get3A_246 : i32 to index
      %get3A_248 = arith.constant 16 : index
      %get3A_249 = tpu.vector_load %arg10[%get3A_247, %get3A_248] {strides = array<i32>} : memref<32x128xf32, #tpu.memory_space<vmem>>, vector<16xf32>,
      %swap3A_250 = arith.constant 3 : i32
      %swap3A_251 = arith.index_cast %swap3A_250 : i32 to index
      %swap3A_252 = arith.constant 16 : index
      %swap3A_253 = tpu.vector_load %arg12[%swap3A_251, %swap3A_252] {strides = array<i32>} : memref<32x128xf32, #tpu.memory_space<vmem>>, vector<16xf32>,
      tpu.vector_store %arg12[%swap3A_251, %swap3A_252], %get3A_249 {strides = array<i32>} : memref<32x128xf32, #tpu.memory_space<vmem>>, vector<16xf32>,
      %get3A_254 = arith.constant 3 : i32
      %get3A_255 = arith.index_cast %get3A_254 : i32 to index
      %get3A_256 = arith.constant 16 : index
      %get3A_257 = tpu.vector_load %arg11[%get3A_255, %get3A_256] {strides = array<i32>} : memref<32x128xf32, #tpu.memory_space<vmem>>, vector<16xf32>,
      %swap3A_258 = arith.constant 3 : i32
      %swap3A_259 = arith.index_cast %swap3A_258 : i32 to index
      %swap3A_260 = arith.constant 80 : index
      %swap3A_261 = tpu.vector_load %arg12[%swap3A_259, %swap3A_260] {strides = array<i32>} : memref<32x128xf32, #tpu.memory_space<vmem>>, vector<16xf32>,
      tpu.vector_store %arg12[%swap3A_259, %swap3A_260], %get3A_257 {strides = array<i32>} : memref<32x128xf32, #tpu.memory_space<vmem>>, vector<16xf32>,
      %get3A_262 = arith.constant 3 : i32
      %get3A_263 = arith.index_cast %get3A_262 : i32 to index
      %get3A_264 = arith.constant 32 : index
      %get3A_265 = tpu.vector_load %arg10[%get3A_263, %get3A_264] {strides = array<i32>} : memref<32x128xf32, #tpu.memory_space<vmem>>, vector<16xf32>,
      %swap3A_266 = arith.constant 3 : i32
      %swap3A_267 = arith.index_cast %swap3A_266 : i32 to index
      %swap3A_268 = arith.constant 32 : index
      %swap3A_269 = tpu.vector_load %arg12[%swap3A_267, %swap3A_268] {strides = array<i32>} : memref<32x128xf32, #tpu.memory_space<vmem>>, vector<16xf32>,
      tpu.vector_store %arg12[%swap3A_267, %swap3A_268], %get3A_265 {strides = array<i32>} : memref<32x128xf32, #tpu.memory_space<vmem>>, vector<16xf32>,
      %get3A_270 = arith.constant 3 : i32
      %get3A_271 = arith.index_cast %get3A_270 : i32 to index
      %get3A_272 = arith.constant 32 : index
      %get3A_273 = tpu.vector_load %arg11[%get3A_271, %get3A_272] {strides = array<i32>} : memref<32x128xf32, #tpu.memory_space<vmem>>, vector<16xf32>,
      %swap3A_274 = arith.constant 3 : i32
      %swap3A_275 = arith.index_cast %swap3A_274 : i32 to index
      %swap3A_276 = arith.constant 96 : index
      %swap3A_277 = tpu.vector_load %arg12[%swap3A_275, %swap3A_276] {strides = array<i32>} : memref<32x128xf32, #tpu.memory_space<vmem>>, vector<16xf32>,
      tpu.vector_store %arg12[%swap3A_275, %swap3A_276], %get3A_273 {strides = array<i32>} : memref<32x128xf32, #tpu.memory_space<vmem>>, vector<16xf32>,
      %get3A_278 = arith.constant 3 : i32
      %get3A_279 = arith.index_cast %get3A_278 : i32 to index
      %get3A_280 = arith.constant 48 : index
      %get3A_281 = tpu.vector_load %arg10[%get3A_279, %get3A_280] {strides = array<i32>} : memref<32x128xf32, #tpu.memory_space<vmem>>, vector<16xf32>,
      %swap3A_282 = arith.constant 3 : i32
      %swap3A_283 = arith.index_cast %swap3A_282 : i32 to index
      %swap3A_284 = arith.constant 48 : index
      %swap3A_285 = tpu.vector_load %arg12[%swap3A_283, %swap3A_284] {strides = array<i32>} : memref<32x128xf32, #tpu.memory_space<vmem>>, vector<16xf32>,
      tpu.vector_store %arg12[%swap3A_283, %swap3A_284], %get3A_281 {strides = array<i32>} : memref<32x128xf32, #tpu.memory_space<vmem>>, vector<16xf32>,
      %get3A_286 = arith.constant 3 : i32
      %get3A_287 = arith.index_cast %get3A_286 : i32 to index
      %get3A_288 = arith.constant 48 : index
      %get3A_289 = tpu.vector_load %arg11[%get3A_287, %get3A_288] {strides = array<i32>} : memref<32x128xf32, #tpu.memory_space<vmem>>, vector<16xf32>,
      %swap3A_290 = arith.constant 3 : i32
      %swap3A_291 = arith.index_cast %swap3A_290 : i32 to index
      %swap3A_292 = arith.constant 112 : index
      %swap3A_293 = tpu.vector_load %arg12[%swap3A_291, %swap3A_292] {strides = array<i32>} : memref<32x128xf32, #tpu.memory_space<vmem>>, vector<16xf32>,
      tpu.vector_store %arg12[%swap3A_291, %swap3A_292], %get3A_289 {strides = array<i32>} : memref<32x128xf32, #tpu.memory_space<vmem>>, vector<16xf32>,
      %get3A_294 = arith.constant 4 : i32
      %get3A_295 = arith.index_cast %get3A_294 : i32 to index
      %get3A_296 = arith.constant 0 : index
      %get3A_297 = tpu.vector_load %arg10[%get3A_295, %get3A_296] {strides = array<i32>} : memref<32x128xf32, #tpu.memory_space<vmem>>, vector<16xf32>,
      %swap3A_298 = arith.constant 4 : i32
      %swap3A_299 = arith.index_cast %swap3A_298 : i32 to index
      %swap3A_300 = arith.constant 0 : index
      %swap3A_301 = tpu.vector_load %arg12[%swap3A_299, %swap3A_300] {strides = array<i32>} : memref<32x128xf32, #tpu.memory_space<vmem>>, vector<16xf32>,
      tpu.vector_store %arg12[%swap3A_299, %swap3A_300], %get3A_297 {strides = array<i32>} : memref<32x128xf32, #tpu.memory_space<vmem>>, vector<16xf32>,
      %get3A_302 = arith.constant 4 : i32
      %get3A_303 = arith.index_cast %get3A_302 : i32 to index
      %get3A_304 = arith.constant 0 : index
      %get3A_305 = tpu.vector_load %arg11[%get3A_303, %get3A_304] {strides = array<i32>} : memref<32x128xf32, #tpu.memory_space<vmem>>, vector<16xf32>,
      %swap3A_306 = arith.constant 4 : i32
      %swap3A_307 = arith.index_cast %swap3A_306 : i32 to index
      %swap3A_308 = arith.constant 64 : index
      %swap3A_309 = tpu.vector_load %arg12[%swap3A_307, %swap3A_308] {strides = array<i32>} : memref<32x128xf32, #tpu.memory_space<vmem>>, vector<16xf32>,
      tpu.vector_store %arg12[%swap3A_307, %swap3A_308], %get3A_305 {strides = array<i32>} : memref<32x128xf32, #tpu.memory_space<vmem>>, vector<16xf32>,
      %get3A_310 = arith.constant 4 : i32
      %get3A_311 = arith.index_cast %get3A_310 : i32 to index
      %get3A_312 = arith.constant 16 : index
      %get3A_313 = tpu.vector_load %arg10[%get3A_311, %get3A_312] {strides = array<i32>} : memref<32x128xf32, #tpu.memory_space<vmem>>, vector<16xf32>,
      %swap3A_314 = arith.constant 4 : i32
      %swap3A_315 = arith.index_cast %swap3A_314 : i32 to index
      %swap3A_316 = arith.constant 16 : index
      %swap3A_317 = tpu.vector_load %arg12[%swap3A_315, %swap3A_316] {strides = array<i32>} : memref<32x128xf32, #tpu.memory_space<vmem>>, vector<16xf32>,
      tpu.vector_store %arg12[%swap3A_315, %swap3A_316], %get3A_313 {strides = array<i32>} : memref<32x128xf32, #tpu.memory_space<vmem>>, vector<16xf32>,
      %get3A_318 = arith.constant 4 : i32
      %get3A_319 = arith.index_cast %get3A_318 : i32 to index
      %get3A_320 = arith.constant 16 : index
      %get3A_321 = tpu.vector_load %arg11[%get3A_319, %get3A_320] {strides = array<i32>} : memref<32x128xf32, #tpu.memory_space<vmem>>, vector<16xf32>,
      %swap3A_322 = arith.constant 4 : i32
      %swap3A_323 = arith.index_cast %swap3A_322 : i32 to index
      %swap3A_324 = arith.constant 80 : index
      %swap3A_325 = tpu.vector_load %arg12[%swap3A_323, %swap3A_324] {strides = array<i32>} : memref<32x128xf32, #tpu.memory_space<vmem>>, vector<16xf32>,
      tpu.vector_store %arg12[%swap3A_323, %swap3A_324], %get3A_321 {strides = array<i32>} : memref<32x128xf32, #tpu.memory_space<vmem>>, vector<16xf32>,
      %get3A_326 = arith.constant 4 : i32
      %get3A_327 = arith.index_cast %get3A_326 : i32 to index
      %get3A_328 = arith.constant 32 : index
      %get3A_329 = tpu.vector_load %arg10[%get3A_327, %get3A_328] {strides = array<i32>} : memref<32x128xf32, #tpu.memory_space<vmem>>, vector<16xf32>,
      %swap3A_330 = arith.constant 4 : i32
      %swap3A_331 = arith.index_cast %swap3A_330 : i32 to index
      %swap3A_332 = arith.constant 32 : index
      %swap3A_333 = tpu.vector_load %arg12[%swap3A_331, %swap3A_332] {strides = array<i32>} : memref<32x128xf32, #tpu.memory_space<vmem>>, vector<16xf32>,
      tpu.vector_store %arg12[%swap3A_331, %swap3A_332], %get3A_329 {strides = array<i32>} : memref<32x128xf32, #tpu.memory_space<vmem>>, vector<16xf32>,
      %get3A_334 = arith.constant 4 : i32
      %get3A_335 = arith.index_cast %get3A_334 : i32 to index
      %get3A_336 = arith.constant 32 : index
      %get3A_337 = tpu.vector_load %arg11[%get3A_335, %get3A_336] {strides = array<i32>} : memref<32x128xf32, #tpu.memory_space<vmem>>, vector<16xf32>,
      %swap3A_338 = arith.constant 4 : i32
      %swap3A_339 = arith.index_cast %swap3A_338 : i32 to index
      %swap3A_340 = arith.constant 96 : index
      %swap3A_341 = tpu.vector_load %arg12[%swap3A_339, %swap3A_340] {strides = array<i32>} : memref<32x128xf32, #tpu.memory_space<vmem>>, vector<16xf32>,
      tpu.vector_store %arg12[%swap3A_339, %swap3A_340], %get3A_337 {strides = array<i32>} : memref<32x128xf32, #tpu.memory_space<vmem>>, vector<16xf32>,
      %get3A_342 = arith.constant 4 : i32
      %get3A_343 = arith.index_cast %get3A_342 : i32 to index
      %get3A_344 = arith.constant 48 : index
      %get3A_345 = tpu.vector_load %arg10[%get3A_343, %get3A_344] {strides = array<i32>} : memref<32x128xf32, #tpu.memory_space<vmem>>, vector<16xf32>,
      %swap3A_346 = arith.constant 4 : i32
      %swap3A_347 = arith.index_cast %swap3A_346 : i32 to index
      %swap3A_348 = arith.constant 48 : index
      %swap3A_349 = tpu.vector_load %arg12[%swap3A_347, %swap3A_348] {strides = array<i32>} : memref<32x128xf32, #tpu.memory_space<vmem>>, vector<16xf32>,
      tpu.vector_store %arg12[%swap3A_347, %swap3A_348], %get3A_345 {strides = array<i32>} : memref<32x128xf32, #tpu.memory_space<vmem>>, vector<16xf32>,
      %get3A_350 = arith.constant 4 : i32
      %get3A_351 = arith.index_cast %get3A_350 : i32 to index
      %get3A_352 = arith.constant 48 : index
      %get3A_353 = tpu.vector_load %arg11[%get3A_351, %get3A_352] {strides = array<i32>} : memref<32x128xf32, #tpu.memory_space<vmem>>, vector<16xf32>,
      %swap3A_354 = arith.constant 4 : i32
      %swap3A_355 = arith.index_cast %swap3A_354 : i32 to index
      %swap3A_356 = arith.constant 112 : index
      %swap3A_357 = tpu.vector_load %arg12[%swap3A_355, %swap3A_356] {strides = array<i32>} : memref<32x128xf32, #tpu.memory_space<vmem>>, vector<16xf32>,
      tpu.vector_store %arg12[%swap3A_355, %swap3A_356], %get3A_353 {strides = array<i32>} : memref<32x128xf32, #tpu.memory_space<vmem>>, vector<16xf32>,
      %get3A_358 = arith.constant 5 : i32
      %get3A_359 = arith.index_cast %get3A_358 : i32 to index
      %get3A_360 = arith.constant 0 : index
      %get3A_361 = tpu.vector_load %arg10[%get3A_359, %get3A_360] {strides = array<i32>} : memref<32x128xf32, #tpu.memory_space<vmem>>, vector<16xf32>,
      %swap3A_362 = arith.constant 5 : i32
      %swap3A_363 = arith.index_cast %swap3A_362 : i32 to index
      %swap3A_364 = arith.constant 0 : index
      %swap3A_365 = tpu.vector_load %arg12[%swap3A_363, %swap3A_364] {strides = array<i32>} : memref<32x128xf32, #tpu.memory_space<vmem>>, vector<16xf32>,
      tpu.vector_store %arg12[%swap3A_363, %swap3A_364], %get3A_361 {strides = array<i32>} : memref<32x128xf32, #tpu.memory_space<vmem>>, vector<16xf32>,
      %get3A_366 = arith.constant 5 : i32
      %get3A_367 = arith.index_cast %get3A_366 : i32 to index
      %get3A_368 = arith.constant 0 : index
      %get3A_369 = tpu.vector_load %arg11[%get3A_367, %get3A_368] {strides = array<i32>} : memref<32x128xf32, #tpu.memory_space<vmem>>, vector<16xf32>,
      %swap3A_370 = arith.constant 5 : i32
      %swap3A_371 = arith.index_cast %swap3A_370 : i32 to index
      %swap3A_372 = arith.constant 64 : index
      %swap3A_373 = tpu.vector_load %arg12[%swap3A_371, %swap3A_372] {strides = array<i32>} : memref<32x128xf32, #tpu.memory_space<vmem>>, vector<16xf32>,
      tpu.vector_store %arg12[%swap3A_371, %swap3A_372], %get3A_369 {strides = array<i32>} : memref<32x128xf32, #tpu.memory_space<vmem>>, vector<16xf32>,
      %get3A_374 = arith.constant 5 : i32
      %get3A_375 = arith.index_cast %get3A_374 : i32 to index
      %get3A_376 = arith.constant 16 : index
      %get3A_377 = tpu.vector_load %arg10[%get3A_375, %get3A_376] {strides = array<i32>} : memref<32x128xf32, #tpu.memory_space<vmem>>, vector<16xf32>,
      %swap3A_378 = arith.constant 5 : i32
      %swap3A_379 = arith.index_cast %swap3A_378 : i32 to index
      %swap3A_380 = arith.constant 16 : index
      %swap3A_381 = tpu.vector_load %arg12[%swap3A_379, %swap3A_380] {strides = array<i32>} : memref<32x128xf32, #tpu.memory_space<vmem>>, vector<16xf32>,
      tpu.vector_store %arg12[%swap3A_379, %swap3A_380], %get3A_377 {strides = array<i32>} : memref<32x128xf32, #tpu.memory_space<vmem>>, vector<16xf32>,
      %get3A_382 = arith.constant 5 : i32
      %get3A_383 = arith.index_cast %get3A_382 : i32 to index
      %get3A_384 = arith.constant 16 : index
      %get3A_385 = tpu.vector_load %arg11[%get3A_383, %get3A_384] {strides = array<i32>} : memref<32x128xf32, #tpu.memory_space<vmem>>, vector<16xf32>,
      %swap3A_386 = arith.constant 5 : i32
      %swap3A_387 = arith.index_cast %swap3A_386 : i32 to index
      %swap3A_388 = arith.constant 80 : index
      %swap3A_389 = tpu.vector_load %arg12[%swap3A_387, %swap3A_388] {strides = array<i32>} : memref<32x128xf32, #tpu.memory_space<vmem>>, vector<16xf32>,
      tpu.vector_store %arg12[%swap3A_387, %swap3A_388], %get3A_385 {strides = array<i32>} : memref<32x128xf32, #tpu.memory_space<vmem>>, vector<16xf32>,
      %get3A_390 = arith.constant 5 : i32
      %get3A_391 = arith.index_cast %get3A_390 : i32 to index
      %get3A_392 = arith.constant 32 : index
      %get3A_393 = tpu.vector_load %arg10[%get3A_391, %get3A_392] {strides = array<i32>} : memref<32x128xf32, #tpu.memory_space<vmem>>, vector<16xf32>,
      %swap3A_394 = arith.constant 5 : i32
      %swap3A_395 = arith.index_cast %swap3A_394 : i32 to index
      %swap3A_396 = arith.constant 32 : index
      %swap3A_397 = tpu.vector_load %arg12[%swap3A_395, %swap3A_396] {strides = array<i32>} : memref<32x128xf32, #tpu.memory_space<vmem>>, vector<16xf32>,
      tpu.vector_store %arg12[%swap3A_395, %swap3A_396], %get3A_393 {strides = array<i32>} : memref<32x128xf32, #tpu.memory_space<vmem>>, vector<16xf32>,
      %get3A_398 = arith.constant 5 : i32
      %get3A_399 = arith.index_cast %get3A_398 : i32 to index
      %get3A_400 = arith.constant 32 : index
      %get3A_401 = tpu.vector_load %arg11[%get3A_399, %get3A_400] {strides = array<i32>} : memref<32x128xf32, #tpu.memory_space<vmem>>, vector<16xf32>,
      %swap3A_402 = arith.constant 5 : i32
      %swap3A_403 = arith.index_cast %swap3A_402 : i32 to index
      %swap3A_404 = arith.constant 96 : index
      %swap3A_405 = tpu.vector_load %arg12[%swap3A_403, %swap3A_404] {strides = array<i32>} : memref<32x128xf32, #tpu.memory_space<vmem>>, vector<16xf32>,
      tpu.vector_store %arg12[%swap3A_403, %swap3A_404], %get3A_401 {strides = array<i32>} : memref<32x128xf32, #tpu.memory_space<vmem>>, vector<16xf32>,
      %get3A_406 = arith.constant 5 : i32
      %get3A_407 = arith.index_cast %get3A_406 : i32 to index
      %get3A_408 = arith.constant 48 : index
      %get3A_409 = tpu.vector_load %arg10[%get3A_407, %get3A_408] {strides = array<i32>} : memref<32x128xf32, #tpu.memory_space<vmem>>, vector<16xf32>,
      %swap3A_410 = arith.constant 5 : i32
      %swap3A_411 = arith.index_cast %swap3A_410 : i32 to index
      %swap3A_412 = arith.constant 48 : index
      %swap3A_413 = tpu.vector_load %arg12[%swap3A_411, %swap3A_412] {strides = array<i32>} : memref<32x128xf32, #tpu.memory_space<vmem>>, vector<16xf32>,
      tpu.vector_store %arg12[%swap3A_411, %swap3A_412], %get3A_409 {strides = array<i32>} : memref<32x128xf32, #tpu.memory_space<vmem>>, vector<16xf32>,
      %get3A_414 = arith.constant 5 : i32
      %get3A_415 = arith.index_cast %get3A_414 : i32 to index
      %get3A_416 = arith.constant 48 : index
      %get3A_417 = tpu.vector_load %arg11[%get3A_415, %get3A_416] {strides = array<i32>} : memref<32x128xf32, #tpu.memory_space<vmem>>, vector<16xf32>,
      %swap3A_418 = arith.constant 5 : i32
      %swap3A_419 = arith.index_cast %swap3A_418 : i32 to index
      %swap3A_420 = arith.constant 112 : index
      %swap3A_421 = tpu.vector_load %arg12[%swap3A_419, %swap3A_420] {strides = array<i32>} : memref<32x128xf32, #tpu.memory_space<vmem>>, vector<16xf32>,
      tpu.vector_store %arg12[%swap3A_419, %swap3A_420], %get3A_417 {strides = array<i32>} : memref<32x128xf32, #tpu.memory_space<vmem>>, vector<16xf32>,
      %get3A_422 = arith.constant 6 : i32
      %get3A_423 = arith.index_cast %get3A_422 : i32 to index
      %get3A_424 = arith.constant 0 : index
      %get3A_425 = tpu.vector_load %arg10[%get3A_423, %get3A_424] {strides = array<i32>} : memref<32x128xf32, #tpu.memory_space<vmem>>, vector<16xf32>,
      %swap3A_426 = arith.constant 6 : i32
      %swap3A_427 = arith.index_cast %swap3A_426 : i32 to index
      %swap3A_428 = arith.constant 0 : index
      %swap3A_429 = tpu.vector_load %arg12[%swap3A_427, %swap3A_428] {strides = array<i32>} : memref<32x128xf32, #tpu.memory_space<vmem>>, vector<16xf32>,
      tpu.vector_store %arg12[%swap3A_427, %swap3A_428], %get3A_425 {strides = array<i32>} : memref<32x128xf32, #tpu.memory_space<vmem>>, vector<16xf32>,
      %get3A_430 = arith.constant 6 : i32
      %get3A_431 = arith.index_cast %get3A_430 : i32 to index
      %get3A_432 = arith.constant 0 : index
      %get3A_433 = tpu.vector_load %arg11[%get3A_431, %get3A_432] {strides = array<i32>} : memref<32x128xf32, #tpu.memory_space<vmem>>, vector<16xf32>,
      %swap3A_434 = arith.constant 6 : i32
      %swap3A_435 = arith.index_cast %swap3A_434 : i32 to index
      %swap3A_436 = arith.constant 64 : index
      %swap3A_437 = tpu.vector_load %arg12[%swap3A_435, %swap3A_436] {strides = array<i32>} : memref<32x128xf32, #tpu.memory_space<vmem>>, vector<16xf32>,
      tpu.vector_store %arg12[%swap3A_435, %swap3A_436], %get3A_433 {strides = array<i32>} : memref<32x128xf32, #tpu.memory_space<vmem>>, vector<16xf32>,
      %get3A_438 = arith.constant 6 : i32
      %get3A_439 = arith.index_cast %get3A_438 : i32 to index
      %get3A_440 = arith.constant 16 : index
      %get3A_441 = tpu.vector_load %arg10[%get3A_439, %get3A_440] {strides = array<i32>} : memref<32x128xf32, #tpu.memory_space<vmem>>, vector<16xf32>,
      %swap3A_442 = arith.constant 6 : i32
      %swap3A_443 = arith.index_cast %swap3A_442 : i32 to index
      %swap3A_444 = arith.constant 16 : index
      %swap3A_445 = tpu.vector_load %arg12[%swap3A_443, %swap3A_444] {strides = array<i32>} : memref<32x128xf32, #tpu.memory_space<vmem>>, vector<16xf32>,
      tpu.vector_store %arg12[%swap3A_443, %swap3A_444], %get3A_441 {strides = array<i32>} : memref<32x128xf32, #tpu.memory_space<vmem>>, vector<16xf32>,
      %get3A_446 = arith.constant 6 : i32
      %get3A_447 = arith.index_cast %get3A_446 : i32 to index
      %get3A_448 = arith.constant 16 : index
      %get3A_449 = tpu.vector_load %arg11[%get3A_447, %get3A_448] {strides = array<i32>} : memref<32x128xf32, #tpu.memory_space<vmem>>, vector<16xf32>,
      %swap3A_450 = arith.constant 6 : i32
      %swap3A_451 = arith.index_cast %swap3A_450 : i32 to index
      %swap3A_452 = arith.constant 80 : index
      %swap3A_453 = tpu.vector_load %arg12[%swap3A_451, %swap3A_452] {strides = array<i32>} : memref<32x128xf32, #tpu.memory_space<vmem>>, vector<16xf32>,
      tpu.vector_store %arg12[%swap3A_451, %swap3A_452], %get3A_449 {strides = array<i32>} : memref<32x128xf32, #tpu.memory_space<vmem>>, vector<16xf32>,
      %get3A_454 = arith.constant 6 : i32
      %get3A_455 = arith.index_cast %get3A_454 : i32 to index
      %get3A_456 = arith.constant 32 : index
      %get3A_457 = tpu.vector_load %arg10[%get3A_455, %get3A_456] {strides = array<i32>} : memref<32x128xf32, #tpu.memory_space<vmem>>, vector<16xf32>,
      %swap3A_458 = arith.constant 6 : i32
      %swap3A_459 = arith.index_cast %swap3A_458 : i32 to index
      %swap3A_460 = arith.constant 32 : index
      %swap3A_461 = tpu.vector_load %arg12[%swap3A_459, %swap3A_460] {strides = array<i32>} : memref<32x128xf32, #tpu.memory_space<vmem>>, vector<16xf32>,
      tpu.vector_store %arg12[%swap3A_459, %swap3A_460], %get3A_457 {strides = array<i32>} : memref<32x128xf32, #tpu.memory_space<vmem>>, vector<16xf32>,
      %get3A_462 = arith.constant 6 : i32
      %get3A_463 = arith.index_cast %get3A_462 : i32 to index
      %get3A_464 = arith.constant 32 : index
      %get3A_465 = tpu.vector_load %arg11[%get3A_463, %get3A_464] {strides = array<i32>} : memref<32x128xf32, #tpu.memory_space<vmem>>, vector<16xf32>,
      %swap3A_466 = arith.constant 6 : i32
      %swap3A_467 = arith.index_cast %swap3A_466 : i32 to index
      %swap3A_468 = arith.constant 96 : index
      %swap3A_469 = tpu.vector_load %arg12[%swap3A_467, %swap3A_468] {strides = array<i32>} : memref<32x128xf32, #tpu.memory_space<vmem>>, vector<16xf32>,
      tpu.vector_store %arg12[%swap3A_467, %swap3A_468], %get3A_465 {strides = array<i32>} : memref<32x128xf32, #tpu.memory_space<vmem>>, vector<16xf32>,
      %get3A_470 = arith.constant 6 : i32
      %get3A_471 = arith.index_cast %get3A_470 : i32 to index
      %get3A_472 = arith.constant 48 : index
      %get3A_473 = tpu.vector_load %arg10[%get3A_471, %get3A_472] {strides = array<i32>} : memref<32x128xf32, #tpu.memory_space<vmem>>, vector<16xf32>,
      %swap3A_474 = arith.constant 6 : i32
      %swap3A_475 = arith.index_cast %swap3A_474 : i32 to index
      %swap3A_476 = arith.constant 48 : index
      %swap3A_477 = tpu.vector_load %arg12[%swap3A_475, %swap3A_476] {strides = array<i32>} : memref<32x128xf32, #tpu.memory_space<vmem>>, vector<16xf32>,
      tpu.vector_store %arg12[%swap3A_475, %swap3A_476], %get3A_473 {strides = array<i32>} : memref<32x128xf32, #tpu.memory_space<vmem>>, vector<16xf32>,
      %get3A_478 = arith.constant 6 : i32
      %get3A_479 = arith.index_cast %get3A_478 : i32 to index
      %get3A_480 = arith.constant 48 : index
      %get3A_481 = tpu.vector_load %arg11[%get3A_479, %get3A_480] {strides = array<i32>} : memref<32x128xf32, #tpu.memory_space<vmem>>, vector<16xf32>,
      %swap3A_482 = arith.constant 6 : i32
      %swap3A_483 = arith.index_cast %swap3A_482 : i32 to index
      %swap3A_484 = arith.constant 112 : index
      %swap3A_485 = tpu.vector_load %arg12[%swap3A_483, %swap3A_484] {strides = array<i32>} : memref<32x128xf32, #tpu.memory_space<vmem>>, vector<16xf32>,
      tpu.vector_store %arg12[%swap3A_483, %swap3A_484], %get3A_481 {strides = array<i32>} : memref<32x128xf32, #tpu.memory_space<vmem>>, vector<16xf32>,
      %get3A_486 = arith.constant 7 : i32
      %get3A_487 = arith.index_cast %get3A_486 : i32 to index
      %get3A_488 = arith.constant 0 : index
      %get3A_489 = tpu.vector_load %arg10[%get3A_487, %get3A_488] {strides = array<i32>} : memref<32x128xf32, #tpu.memory_space<vmem>>, vector<16xf32>,
      %swap3A_490 = arith.constant 7 : i32
      %swap3A_491 = arith.index_cast %swap3A_490 : i32 to index
      %swap3A_492 = arith.constant 0 : index
      %swap3A_493 = tpu.vector_load %arg12[%swap3A_491, %swap3A_492] {strides = array<i32>} : memref<32x128xf32, #tpu.memory_space<vmem>>, vector<16xf32>,
      tpu.vector_store %arg12[%swap3A_491, %swap3A_492], %get3A_489 {strides = array<i32>} : memref<32x128xf32, #tpu.memory_space<vmem>>, vector<16xf32>,
      %get3A_494 = arith.constant 7 : i32
      %get3A_495 = arith.index_cast %get3A_494 : i32 to index
      %get3A_496 = arith.constant 0 : index
      %get3A_497 = tpu.vector_load %arg11[%get3A_495, %get3A_496] {strides = array<i32>} : memref<32x128xf32, #tpu.memory_space<vmem>>, vector<16xf32>,
      %swap3A_498 = arith.constant 7 : i32
      %swap3A_499 = arith.index_cast %swap3A_498 : i32 to index
      %swap3A_500 = arith.constant 64 : index
      %swap3A_501 = tpu.vector_load %arg12[%swap3A_499, %swap3A_500] {strides = array<i32>} : memref<32x128xf32, #tpu.memory_space<vmem>>, vector<16xf32>,
      tpu.vector_store %arg12[%swap3A_499, %swap3A_500], %get3A_497 {strides = array<i32>} : memref<32x128xf32, #tpu.memory_space<vmem>>, vector<16xf32>,
      %get3A_502 = arith.constant 7 : i32
      %get3A_503 = arith.index_cast %get3A_502 : i32 to index
      %get3A_504 = arith.constant 16 : index
      %get3A_505 = tpu.vector_load %arg10[%get3A_503, %get3A_504] {strides = array<i32>} : memref<32x128xf32, #tpu.memory_space<vmem>>, vector<16xf32>,
      %swap3A_506 = arith.constant 7 : i32
      %swap3A_507 = arith.index_cast %swap3A_506 : i32 to index
      %swap3A_508 = arith.constant 16 : index
      %swap3A_509 = tpu.vector_load %arg12[%swap3A_507, %swap3A_508] {strides = array<i32>} : memref<32x128xf32, #tpu.memory_space<vmem>>, vector<16xf32>,
      tpu.vector_store %arg12[%swap3A_507, %swap3A_508], %get3A_505 {strides = array<i32>} : memref<32x128xf32, #tpu.memory_space<vmem>>, vector<16xf32>,
      %get3A_510 = arith.constant 7 : i32
      %get3A_511 = arith.index_cast %get3A_510 : i32 to index
      %get3A_512 = arith.constant 16 : index
      %get3A_513 = tpu.vector_load %arg11[%get3A_511, %get3A_512] {strides = array<i32>} : memref<32x128xf32, #tpu.memory_space<vmem>>, vector<16xf32>,
      %swap3A_514 = arith.constant 7 : i32
      %swap3A_515 = arith.index_cast %swap3A_514 : i32 to index
      %swap3A_516 = arith.constant 80 : index
      %swap3A_517 = tpu.vector_load %arg12[%swap3A_515, %swap3A_516] {strides = array<i32>} : memref<32x128xf32, #tpu.memory_space<vmem>>, vector<16xf32>,
      tpu.vector_store %arg12[%swap3A_515, %swap3A_516], %get3A_513 {strides = array<i32>} : memref<32x128xf32, #tpu.memory_space<vmem>>, vector<16xf32>,
      %get3A_518 = arith.constant 7 : i32
      %get3A_519 = arith.index_cast %get3A_518 : i32 to index
      %get3A_520 = arith.constant 32 : index
      %get3A_521 = tpu.vector_load %arg10[%get3A_519, %get3A_520] {strides = array<i32>} : memref<32x128xf32, #tpu.memory_space<vmem>>, vector<16xf32>,
      %swap3A_522 = arith.constant 7 : i32
      %swap3A_523 = arith.index_cast %swap3A_522 : i32 to index
      %swap3A_524 = arith.constant 32 : index
      %swap3A_525 = tpu.vector_load %arg12[%swap3A_523, %swap3A_524] {strides = array<i32>} : memref<32x128xf32, #tpu.memory_space<vmem>>, vector<16xf32>,
      tpu.vector_store %arg12[%swap3A_523, %swap3A_524], %get3A_521 {strides = array<i32>} : memref<32x128xf32, #tpu.memory_space<vmem>>, vector<16xf32>,
      %get3A_526 = arith.constant 7 : i32
      %get3A_527 = arith.index_cast %get3A_526 : i32 to index
      %get3A_528 = arith.constant 32 : index
      %get3A_529 = tpu.vector_load %arg11[%get3A_527, %get3A_528] {strides = array<i32>} : memref<32x128xf32, #tpu.memory_space<vmem>>, vector<16xf32>,
      %swap3A_530 = arith.constant 7 : i32
      %swap3A_531 = arith.index_cast %swap3A_530 : i32 to index
      %swap3A_532 = arith.constant 96 : index
      %swap3A_533 = tpu.vector_load %arg12[%swap3A_531, %swap3A_532] {strides = array<i32>} : memref<32x128xf32, #tpu.memory_space<vmem>>, vector<16xf32>,
      tpu.vector_store %arg12[%swap3A_531, %swap3A_532], %get3A_529 {strides = array<i32>} : memref<32x128xf32, #tpu.memory_space<vmem>>, vector<16xf32>,
      %get3A_534 = arith.constant 7 : i32
      %get3A_535 = arith.index_cast %get3A_534 : i32 to index
      %get3A_536 = arith.constant 48 : index
      %get3A_537 = tpu.vector_load %arg10[%get3A_535, %get3A_536] {strides = array<i32>} : memref<32x128xf32, #tpu.memory_space<vmem>>, vector<16xf32>,
      %swap3A_538 = arith.constant 7 : i32
      %swap3A_539 = arith.index_cast %swap3A_538 : i32 to index
      %swap3A_540 = arith.constant 48 : index
      %swap3A_541 = tpu.vector_load %arg12[%swap3A_539, %swap3A_540] {strides = array<i32>} : memref<32x128xf32, #tpu.memory_space<vmem>>, vector<16xf32>,
      tpu.vector_store %arg12[%swap3A_539, %swap3A_540], %get3A_537 {strides = array<i32>} : memref<32x128xf32, #tpu.memory_space<vmem>>, vector<16xf32>,
      %get3A_542 = arith.constant 7 : i32
      %get3A_543 = arith.index_cast %get3A_542 : i32 to index
      %get3A_544 = arith.constant 48 : index
      %get3A_545 = tpu.vector_load %arg11[%get3A_543, %get3A_544] {strides = array<i32>} : memref<32x128xf32, #tpu.memory_space<vmem>>, vector<16xf32>,
      %swap3A_546 = arith.constant 7 : i32
      %swap3A_547 = arith.index_cast %swap3A_546 : i32 to index
      %swap3A_548 = arith.constant 112 : index
      %swap3A_549 = tpu.vector_load %arg12[%swap3A_547, %swap3A_548] {strides = array<i32>} : memref<32x128xf32, #tpu.memory_space<vmem>>, vector<16xf32>,
      tpu.vector_store %arg12[%swap3A_547, %swap3A_548], %get3A_545 {strides = array<i32>} : memref<32x128xf32, #tpu.memory_space<vmem>>, vector<16xf32>,
      %get3A_550 = arith.constant 8 : i32
      %get3A_551 = arith.index_cast %get3A_550 : i32 to index
      %get3A_552 = arith.constant 0 : index
      %get3A_553 = tpu.vector_load %arg10[%get3A_551, %get3A_552] {strides = array<i32>} : memref<32x128xf32, #tpu.memory_space<vmem>>, vector<16xf32>,
      %swap3A_554 = arith.constant 8 : i32
      %swap3A_555 = arith.index_cast %swap3A_554 : i32 to index
      %swap3A_556 = arith.constant 0 : index
      %swap3A_557 = tpu.vector_load %arg12[%swap3A_555, %swap3A_556] {strides = array<i32>} : memref<32x128xf32, #tpu.memory_space<vmem>>, vector<16xf32>,
      tpu.vector_store %arg12[%swap3A_555, %swap3A_556], %get3A_553 {strides = array<i32>} : memref<32x128xf32, #tpu.memory_space<vmem>>, vector<16xf32>,
      %get3A_558 = arith.constant 8 : i32
      %get3A_559 = arith.index_cast %get3A_558 : i32 to index
      %get3A_560 = arith.constant 0 : index
      %get3A_561 = tpu.vector_load %arg11[%get3A_559, %get3A_560] {strides = array<i32>} : memref<32x128xf32, #tpu.memory_space<vmem>>, vector<16xf32>,
      %swap3A_562 = arith.constant 8 : i32
      %swap3A_563 = arith.index_cast %swap3A_562 : i32 to index
      %swap3A_564 = arith.constant 64 : index
      %swap3A_565 = tpu.vector_load %arg12[%swap3A_563, %swap3A_564] {strides = array<i32>} : memref<32x128xf32, #tpu.memory_space<vmem>>, vector<16xf32>,
      tpu.vector_store %arg12[%swap3A_563, %swap3A_564], %get3A_561 {strides = array<i32>} : memref<32x128xf32, #tpu.memory_space<vmem>>, vector<16xf32>,
      %get3A_566 = arith.constant 8 : i32
      %get3A_567 = arith.index_cast %get3A_566 : i32 to index
      %get3A_568 = arith.constant 16 : index
      %get3A_569 = tpu.vector_load %arg10[%get3A_567, %get3A_568] {strides = array<i32>} : memref<32x128xf32, #tpu.memory_space<vmem>>, vector<16xf32>,
      %swap3A_570 = arith.constant 8 : i32
      %swap3A_571 = arith.index_cast %swap3A_570 : i32 to index
      %swap3A_572 = arith.constant 16 : index
      %swap3A_573 = tpu.vector_load %arg12[%swap3A_571, %swap3A_572] {strides = array<i32>} : memref<32x128xf32, #tpu.memory_space<vmem>>, vector<16xf32>,
      tpu.vector_store %arg12[%swap3A_571, %swap3A_572], %get3A_569 {strides = array<i32>} : memref<32x128xf32, #tpu.memory_space<vmem>>, vector<16xf32>,
      %get3A_574 = arith.constant 8 : i32
      %get3A_575 = arith.index_cast %get3A_574 : i32 to index
      %get3A_576 = arith.constant 16 : index
      %get3A_577 = tpu.vector_load %arg11[%get3A_575, %get3A_576] {strides = array<i32>} : memref<32x128xf32, #tpu.memory_space<vmem>>, vector<16xf32>,
      %swap3A_578 = arith.constant 8 : i32
      %swap3A_579 = arith.index_cast %swap3A_578 : i32 to index
      %swap3A_580 = arith.constant 80 : index
      %swap3A_581 = tpu.vector_load %arg12[%swap3A_579, %swap3A_580] {strides = array<i32>} : memref<32x128xf32, #tpu.memory_space<vmem>>, vector<16xf32>,
      tpu.vector_store %arg12[%swap3A_579, %swap3A_580], %get3A_577 {strides = array<i32>} : memref<32x128xf32, #tpu.memory_space<vmem>>, vector<16xf32>,
      %get3A_582 = arith.constant 8 : i32
      %get3A_583 = arith.index_cast %get3A_582 : i32 to index
      %get3A_584 = arith.constant 32 : index
      %get3A_585 = tpu.vector_load %arg10[%get3A_583, %get3A_584] {strides = array<i32>} : memref<32x128xf32, #tpu.memory_space<vmem>>, vector<16xf32>,
      %swap3A_586 = arith.constant 8 : i32
      %swap3A_587 = arith.index_cast %swap3A_586 : i32 to index
      %swap3A_588 = arith.constant 32 : index
      %swap3A_589 = tpu.vector_load %arg12[%swap3A_587, %swap3A_588] {strides = array<i32>} : memref<32x128xf32, #tpu.memory_space<vmem>>, vector<16xf32>,
      tpu.vector_store %arg12[%swap3A_587, %swap3A_588], %get3A_585 {strides = array<i32>} : memref<32x128xf32, #tpu.memory_space<vmem>>, vector<16xf32>,
      %get3A_590 = arith.constant 8 : i32
      %get3A_591 = arith.index_cast %get3A_590 : i32 to index
      %get3A_592 = arith.constant 32 : index
      %get3A_593 = tpu.vector_load %arg11[%get3A_591, %get3A_592] {strides = array<i32>} : memref<32x128xf32, #tpu.memory_space<vmem>>, vector<16xf32>,
      %swap3A_594 = arith.constant 8 : i32
      %swap3A_595 = arith.index_cast %swap3A_594 : i32 to index
      %swap3A_596 = arith.constant 96 : index
      %swap3A_597 = tpu.vector_load %arg12[%swap3A_595, %swap3A_596] {strides = array<i32>} : memref<32x128xf32, #tpu.memory_space<vmem>>, vector<16xf32>,
      tpu.vector_store %arg12[%swap3A_595, %swap3A_596], %get3A_593 {strides = array<i32>} : memref<32x128xf32, #tpu.memory_space<vmem>>, vector<16xf32>,
      %get3A_598 = arith.constant 8 : i32
      %get3A_599 = arith.index_cast %get3A_598 : i32 to index
      %get3A_600 = arith.constant 48 : index
      %get3A_601 = tpu.vector_load %arg10[%get3A_599, %get3A_600] {strides = array<i32>} : memref<32x128xf32, #tpu.memory_space<vmem>>, vector<16xf32>,
      %swap3A_602 = arith.constant 8 : i32
      %swap3A_603 = arith.index_cast %swap3A_602 : i32 to index
      %swap3A_604 = arith.constant 48 : index
      %swap3A_605 = tpu.vector_load %arg12[%swap3A_603, %swap3A_604] {strides = array<i32>} : memref<32x128xf32, #tpu.memory_space<vmem>>, vector<16xf32>,
      tpu.vector_store %arg12[%swap3A_603, %swap3A_604], %get3A_601 {strides = array<i32>} : memref<32x128xf32, #tpu.memory_space<vmem>>, vector<16xf32>,
      %get3A_606 = arith.constant 8 : i32
      %get3A_607 = arith.index_cast %get3A_606 : i32 to index
      %get3A_608 = arith.constant 48 : index
      %get3A_609 = tpu.vector_load %arg11[%get3A_607, %get3A_608] {strides = array<i32>} : memref<32x128xf32, #tpu.memory_space<vmem>>, vector<16xf32>,
      %swap3A_610 = arith.constant 8 : i32
      %swap3A_611 = arith.index_cast %swap3A_610 : i32 to index
      %swap3A_612 = arith.constant 112 : index
      %swap3A_613 = tpu.vector_load %arg12[%swap3A_611, %swap3A_612] {strides = array<i32>} : memref<32x128xf32, #tpu.memory_space<vmem>>, vector<16xf32>,
      tpu.vector_store %arg12[%swap3A_611, %swap3A_612], %get3A_609 {strides = array<i32>} : memref<32x128xf32, #tpu.memory_space<vmem>>, vector<16xf32>,
      %get3A_614 = arith.constant 9 : i32
      %get3A_615 = arith.index_cast %get3A_614 : i32 to index
      %get3A_616 = arith.constant 0 : index
      %get3A_617 = tpu.vector_load %arg10[%get3A_615, %get3A_616] {strides = array<i32>} : memref<32x128xf32, #tpu.memory_space<vmem>>, vector<16xf32>,
      %swap3A_618 = arith.constant 9 : i32
      %swap3A_619 = arith.index_cast %swap3A_618 : i32 to index
      %swap3A_620 = arith.constant 0 : index
      %swap3A_621 = tpu.vector_load %arg12[%swap3A_619, %swap3A_620] {strides = array<i32>} : memref<32x128xf32, #tpu.memory_space<vmem>>, vector<16xf32>,
      tpu.vector_store %arg12[%swap3A_619, %swap3A_620], %get3A_617 {strides = array<i32>} : memref<32x128xf32, #tpu.memory_space<vmem>>, vector<16xf32>,
      %get3A_622 = arith.constant 9 : i32
      %get3A_623 = arith.index_cast %get3A_622 : i32 to index
      %get3A_624 = arith.constant 0 : index
      %get3A_625 = tpu.vector_load %arg11[%get3A_623, %get3A_624] {strides = array<i32>} : memref<32x128xf32, #tpu.memory_space<vmem>>, vector<16xf32>,
      %swap3A_626 = arith.constant 9 : i32
      %swap3A_627 = arith.index_cast %swap3A_626 : i32 to index
      %swap3A_628 = arith.constant 64 : index
      %swap3A_629 = tpu.vector_load %arg12[%swap3A_627, %swap3A_628] {strides = array<i32>} : memref<32x128xf32, #tpu.memory_space<vmem>>, vector<16xf32>,
      tpu.vector_store %arg12[%swap3A_627, %swap3A_628], %get3A_625 {strides = array<i32>} : memref<32x128xf32, #tpu.memory_space<vmem>>, vector<16xf32>,
      %get3A_630 = arith.constant 9 : i32
      %get3A_631 = arith.index_cast %get3A_630 : i32 to index
      %get3A_632 = arith.constant 16 : index
      %get3A_633 = tpu.vector_load %arg10[%get3A_631, %get3A_632] {strides = array<i32>} : memref<32x128xf32, #tpu.memory_space<vmem>>, vector<16xf32>,
      %swap3A_634 = arith.constant 9 : i32
      %swap3A_635 = arith.index_cast %swap3A_634 : i32 to index
      %swap3A_636 = arith.constant 16 : index
      %swap3A_637 = tpu.vector_load %arg12[%swap3A_635, %swap3A_636] {strides = array<i32>} : memref<32x128xf32, #tpu.memory_space<vmem>>, vector<16xf32>,
      tpu.vector_store %arg12[%swap3A_635, %swap3A_636], %get3A_633 {strides = array<i32>} : memref<32x128xf32, #tpu.memory_space<vmem>>, vector<16xf32>,
      %get3A_638 = arith.constant 9 : i32
      %get3A_639 = arith.index_cast %get3A_638 : i32 to index
      %get3A_640 = arith.constant 16 : index
      %get3A_641 = tpu.vector_load %arg11[%get3A_639, %get3A_640] {strides = array<i32>} : memref<32x128xf32, #tpu.memory_space<vmem>>, vector<16xf32>,
      %swap3A_642 = arith.constant 9 : i32
      %swap3A_643 = arith.index_cast %swap3A_642 : i32 to index
      %swap3A_644 = arith.constant 80 : index
      %swap3A_645 = tpu.vector_load %arg12[%swap3A_643, %swap3A_644] {strides = array<i32>} : memref<32x128xf32, #tpu.memory_space<vmem>>, vector<16xf32>,
      tpu.vector_store %arg12[%swap3A_643, %swap3A_644], %get3A_641 {strides = array<i32>} : memref<32x128xf32, #tpu.memory_space<vmem>>, vector<16xf32>,
      %get3A_646 = arith.constant 9 : i32
      %get3A_647 = arith.index_cast %get3A_646 : i32 to index
      %get3A_648 = arith.constant 32 : index
      %get3A_649 = tpu.vector_load %arg10[%get3A_647, %get3A_648] {strides = array<i32>} : memref<32x128xf32, #tpu.memory_space<vmem>>, vector<16xf32>,
      %swap3A_650 = arith.constant 9 : i32
      %swap3A_651 = arith.index_cast %swap3A_650 : i32 to index
      %swap3A_652 = arith.constant 32 : index
      %swap3A_653 = tpu.vector_load %arg12[%swap3A_651, %swap3A_652] {strides = array<i32>} : memref<32x128xf32, #tpu.memory_space<vmem>>, vector<16xf32>,
      tpu.vector_store %arg12[%swap3A_651, %swap3A_652], %get3A_649 {strides = array<i32>} : memref<32x128xf32, #tpu.memory_space<vmem>>, vector<16xf32>,
      %get3A_654 = arith.constant 9 : i32
      %get3A_655 = arith.index_cast %get3A_654 : i32 to index
      %get3A_656 = arith.constant 32 : index
      %get3A_657 = tpu.vector_load %arg11[%get3A_655, %get3A_656] {strides = array<i32>} : memref<32x128xf32, #tpu.memory_space<vmem>>, vector<16xf32>,
      %swap3A_658 = arith.constant 9 : i32
      %swap3A_659 = arith.index_cast %swap3A_658 : i32 to index
      %swap3A_660 = arith.constant 96 : index
      %swap3A_661 = tpu.vector_load %arg12[%swap3A_659, %swap3A_660] {strides = array<i32>} : memref<32x128xf32, #tpu.memory_space<vmem>>, vector<16xf32>,
      tpu.vector_store %arg12[%swap3A_659, %swap3A_660], %get3A_657 {strides = array<i32>} : memref<32x128xf32, #tpu.memory_space<vmem>>, vector<16xf32>,
      %get3A_662 = arith.constant 9 : i32
      %get3A_663 = arith.index_cast %get3A_662 : i32 to index
      %get3A_664 = arith.constant 48 : index
      %get3A_665 = tpu.vector_load %arg10[%get3A_663, %get3A_664] {strides = array<i32>} : memref<32x128xf32, #tpu.memory_space<vmem>>, vector<16xf32>,
      %swap3A_666 = arith.constant 9 : i32
      %swap3A_667 = arith.index_cast %swap3A_666 : i32 to index
      %swap3A_668 = arith.constant 48 : index
      %swap3A_669 = tpu.vector_load %arg12[%swap3A_667, %swap3A_668] {strides = array<i32>} : memref<32x128xf32, #tpu.memory_space<vmem>>, vector<16xf32>,
      tpu.vector_store %arg12[%swap3A_667, %swap3A_668], %get3A_665 {strides = array<i32>} : memref<32x128xf32, #tpu.memory_space<vmem>>, vector<16xf32>,
      %get3A_670 = arith.constant 9 : i32
      %get3A_671 = arith.index_cast %get3A_670 : i32 to index
      %get3A_672 = arith.constant 48 : index
      %get3A_673 = tpu.vector_load %arg11[%get3A_671, %get3A_672] {strides = array<i32>} : memref<32x128xf32, #tpu.memory_space<vmem>>, vector<16xf32>,
      %swap3A_674 = arith.constant 9 : i32
      %swap3A_675 = arith.index_cast %swap3A_674 : i32 to index
      %swap3A_676 = arith.constant 112 : index
      %swap3A_677 = tpu.vector_load %arg12[%swap3A_675, %swap3A_676] {strides = array<i32>} : memref<32x128xf32, #tpu.memory_space<vmem>>, vector<16xf32>,
      tpu.vector_store %arg12[%swap3A_675, %swap3A_676], %get3A_673 {strides = array<i32>} : memref<32x128xf32, #tpu.memory_space<vmem>>, vector<16xf32>,
      %get3A_678 = arith.constant 10 : i32
      %get3A_679 = arith.index_cast %get3A_678 : i32 to index
      %get3A_680 = arith.constant 0 : index
      %get3A_681 = tpu.vector_load %arg10[%get3A_679, %get3A_680] {strides = array<i32>} : memref<32x128xf32, #tpu.memory_space<vmem>>, vector<16xf32>,
      %swap3A_682 = arith.constant 10 : i32
      %swap3A_683 = arith.index_cast %swap3A_682 : i32 to index
      %swap3A_684 = arith.constant 0 : index
      %swap3A_685 = tpu.vector_load %arg12[%swap3A_683, %swap3A_684] {strides = array<i32>} : memref<32x128xf32, #tpu.memory_space<vmem>>, vector<16xf32>,
      tpu.vector_store %arg12[%swap3A_683, %swap3A_684], %get3A_681 {strides = array<i32>} : memref<32x128xf32, #tpu.memory_space<vmem>>, vector<16xf32>,
      %get3A_686 = arith.constant 10 : i32
      %get3A_687 = arith.index_cast %get3A_686 : i32 to index
      %get3A_688 = arith.constant 0 : index
      %get3A_689 = tpu.vector_load %arg11[%get3A_687, %get3A_688] {strides = array<i32>} : memref<32x128xf32, #tpu.memory_space<vmem>>, vector<16xf32>,
      %swap3A_690 = arith.constant 10 : i32
      %swap3A_691 = arith.index_cast %swap3A_690 : i32 to index
      %swap3A_692 = arith.constant 64 : index
      %swap3A_693 = tpu.vector_load %arg12[%swap3A_691, %swap3A_692] {strides = array<i32>} : memref<32x128xf32, #tpu.memory_space<vmem>>, vector<16xf32>,
      tpu.vector_store %arg12[%swap3A_691, %swap3A_692], %get3A_689 {strides = array<i32>} : memref<32x128xf32, #tpu.memory_space<vmem>>, vector<16xf32>,
      %get3A_694 = arith.constant 10 : i32
      %get3A_695 = arith.index_cast %get3A_694 : i32 to index
      %get3A_696 = arith.constant 16 : index
      %get3A_697 = tpu.vector_load %arg10[%get3A_695, %get3A_696] {strides = array<i32>} : memref<32x128xf32, #tpu.memory_space<vmem>>, vector<16xf32>,
      %swap3A_698 = arith.constant 10 : i32
      %swap3A_699 = arith.index_cast %swap3A_698 : i32 to index
      %swap3A_700 = arith.constant 16 : index
      %swap3A_701 = tpu.vector_load %arg12[%swap3A_699, %swap3A_700] {strides = array<i32>} : memref<32x128xf32, #tpu.memory_space<vmem>>, vector<16xf32>,
      tpu.vector_store %arg12[%swap3A_699, %swap3A_700], %get3A_697 {strides = array<i32>} : memref<32x128xf32, #tpu.memory_space<vmem>>, vector<16xf32>,
      %get3A_702 = arith.constant 10 : i32
      %get3A_703 = arith.index_cast %get3A_702 : i32 to index
      %get3A_704 = arith.constant 16 : index
      %get3A_705 = tpu.vector_load %arg11[%get3A_703, %get3A_704] {strides = array<i32>} : memref<32x128xf32, #tpu.memory_space<vmem>>, vector<16xf32>,
      %swap3A_706 = arith.constant 10 : i32
      %swap3A_707 = arith.index_cast %swap3A_706 : i32 to index
      %swap3A_708 = arith.constant 80 : index
      %swap3A_709 = tpu.vector_load %arg12[%swap3A_707, %swap3A_708] {strides = array<i32>} : memref<32x128xf32, #tpu.memory_space<vmem>>, vector<16xf32>,
      tpu.vector_store %arg12[%swap3A_707, %swap3A_708], %get3A_705 {strides = array<i32>} : memref<32x128xf32, #tpu.memory_space<vmem>>, vector<16xf32>,
      %get3A_710 = arith.constant 10 : i32
      %get3A_711 = arith.index_cast %get3A_710 : i32 to index
      %get3A_712 = arith.constant 32 : index
      %get3A_713 = tpu.vector_load %arg10[%get3A_711, %get3A_712] {strides = array<i32>} : memref<32x128xf32, #tpu.memory_space<vmem>>, vector<16xf32>,
      %swap3A_714 = arith.constant 10 : i32
      %swap3A_715 = arith.index_cast %swap3A_714 : i32 to index
      %swap3A_716 = arith.constant 32 : index
      %swap3A_717 = tpu.vector_load %arg12[%swap3A_715, %swap3A_716] {strides = array<i32>} : memref<32x128xf32, #tpu.memory_space<vmem>>, vector<16xf32>,
      tpu.vector_store %arg12[%swap3A_715, %swap3A_716], %get3A_713 {strides = array<i32>} : memref<32x128xf32, #tpu.memory_space<vmem>>, vector<16xf32>,
      %get3A_718 = arith.constant 10 : i32
      %get3A_719 = arith.index_cast %get3A_718 : i32 to index
      %get3A_720 = arith.constant 32 : index
      %get3A_721 = tpu.vector_load %arg11[%get3A_719, %get3A_720] {strides = array<i32>} : memref<32x128xf32, #tpu.memory_space<vmem>>, vector<16xf32>,
      %swap3A_722 = arith.constant 10 : i32
      %swap3A_723 = arith.index_cast %swap3A_722 : i32 to index
      %swap3A_724 = arith.constant 96 : index
      %swap3A_725 = tpu.vector_load %arg12[%swap3A_723, %swap3A_724] {strides = array<i32>} : memref<32x128xf32, #tpu.memory_space<vmem>>, vector<16xf32>,
      tpu.vector_store %arg12[%swap3A_723, %swap3A_724], %get3A_721 {strides = array<i32>} : memref<32x128xf32, #tpu.memory_space<vmem>>, vector<16xf32>,
      %get3A_726 = arith.constant 10 : i32
      %get3A_727 = arith.index_cast %get3A_726 : i32 to index
      %get3A_728 = arith.constant 48 : index
      %get3A_729 = tpu.vector_load %arg10[%get3A_727, %get3A_728] {strides = array<i32>} : memref<32x128xf32, #tpu.memory_space<vmem>>, vector<16xf32>,
      %swap3A_730 = arith.constant 10 : i32
      %swap3A_731 = arith.index_cast %swap3A_730 : i32 to index
      %swap3A_732 = arith.constant 48 : index
      %swap3A_733 = tpu.vector_load %arg12[%swap3A_731, %swap3A_732] {strides = array<i32>} : memref<32x128xf32, #tpu.memory_space<vmem>>, vector<16xf32>,
      tpu.vector_store %arg12[%swap3A_731, %swap3A_732], %get3A_729 {strides = array<i32>} : memref<32x128xf32, #tpu.memory_space<vmem>>, vector<16xf32>,
      %get3A_734 = arith.constant 10 : i32
      %get3A_735 = arith.index_cast %get3A_734 : i32 to index
      %get3A_736 = arith.constant 48 : index
      %get3A_737 = tpu.vector_load %arg11[%get3A_735, %get3A_736] {strides = array<i32>} : memref<32x128xf32, #tpu.memory_space<vmem>>, vector<16xf32>,
      %swap3A_738 = arith.constant 10 : i32
      %swap3A_739 = arith.index_cast %swap3A_738 : i32 to index
      %swap3A_740 = arith.constant 112 : index
      %swap3A_741 = tpu.vector_load %arg12[%swap3A_739, %swap3A_740] {strides = array<i32>} : memref<32x128xf32, #tpu.memory_space<vmem>>, vector<16xf32>,
      tpu.vector_store %arg12[%swap3A_739, %swap3A_740], %get3A_737 {strides = array<i32>} : memref<32x128xf32, #tpu.memory_space<vmem>>, vector<16xf32>,
      %get3A_742 = arith.constant 11 : i32
      %get3A_743 = arith.index_cast %get3A_742 : i32 to index
      %get3A_744 = arith.constant 0 : index
      %get3A_745 = tpu.vector_load %arg10[%get3A_743, %get3A_744] {strides = array<i32>} : memref<32x128xf32, #tpu.memory_space<vmem>>, vector<16xf32>,
      %swap3A_746 = arith.constant 11 : i32
      %swap3A_747 = arith.index_cast %swap3A_746 : i32 to index
      %swap3A_748 = arith.constant 0 : index
      %swap3A_749 = tpu.vector_load %arg12[%swap3A_747, %swap3A_748] {strides = array<i32>} : memref<32x128xf32, #tpu.memory_space<vmem>>, vector<16xf32>,
      tpu.vector_store %arg12[%swap3A_747, %swap3A_748], %get3A_745 {strides = array<i32>} : memref<32x128xf32, #tpu.memory_space<vmem>>, vector<16xf32>,
      %get3A_750 = arith.constant 11 : i32
      %get3A_751 = arith.index_cast %get3A_750 : i32 to index
      %get3A_752 = arith.constant 0 : index
      %get3A_753 = tpu.vector_load %arg11[%get3A_751, %get3A_752] {strides = array<i32>} : memref<32x128xf32, #tpu.memory_space<vmem>>, vector<16xf32>,
      %swap3A_754 = arith.constant 11 : i32
      %swap3A_755 = arith.index_cast %swap3A_754 : i32 to index
      %swap3A_756 = arith.constant 64 : index
      %swap3A_757 = tpu.vector_load %arg12[%swap3A_755, %swap3A_756] {strides = array<i32>} : memref<32x128xf32, #tpu.memory_space<vmem>>, vector<16xf32>,
      tpu.vector_store %arg12[%swap3A_755, %swap3A_756], %get3A_753 {strides = array<i32>} : memref<32x128xf32, #tpu.memory_space<vmem>>, vector<16xf32>,
      %get3A_758 = arith.constant 11 : i32
      %get3A_759 = arith.index_cast %get3A_758 : i32 to index
      %get3A_760 = arith.constant 16 : index
      %get3A_761 = tpu.vector_load %arg10[%get3A_759, %get3A_760] {strides = array<i32>} : memref<32x128xf32, #tpu.memory_space<vmem>>, vector<16xf32>,
      %swap3A_762 = arith.constant 11 : i32
      %swap3A_763 = arith.index_cast %swap3A_762 : i32 to index
      %swap3A_764 = arith.constant 16 : index
      %swap3A_765 = tpu.vector_load %arg12[%swap3A_763, %swap3A_764] {strides = array<i32>} : memref<32x128xf32, #tpu.memory_space<vmem>>, vector<16xf32>,
      tpu.vector_store %arg12[%swap3A_763, %swap3A_764], %get3A_761 {strides = array<i32>} : memref<32x128xf32, #tpu.memory_space<vmem>>, vector<16xf32>,
      %get3A_766 = arith.constant 11 : i32
      %get3A_767 = arith.index_cast %get3A_766 : i32 to index
      %get3A_768 = arith.constant 16 : index
      %get3A_769 = tpu.vector_load %arg11[%get3A_767, %get3A_768] {strides = array<i32>} : memref<32x128xf32, #tpu.memory_space<vmem>>, vector<16xf32>,
      %swap3A_770 = arith.constant 11 : i32
      %swap3A_771 = arith.index_cast %swap3A_770 : i32 to index
      %swap3A_772 = arith.constant 80 : index
      %swap3A_773 = tpu.vector_load %arg12[%swap3A_771, %swap3A_772] {strides = array<i32>} : memref<32x128xf32, #tpu.memory_space<vmem>>, vector<16xf32>,
      tpu.vector_store %arg12[%swap3A_771, %swap3A_772], %get3A_769 {strides = array<i32>} : memref<32x128xf32, #tpu.memory_space<vmem>>, vector<16xf32>,
      %get3A_774 = arith.constant 11 : i32
      %get3A_775 = arith.index_cast %get3A_774 : i32 to index
      %get3A_776 = arith.constant 32 : index
      %get3A_777 = tpu.vector_load %arg10[%get3A_775, %get3A_776] {strides = array<i32>} : memref<32x128xf32, #tpu.memory_space<vmem>>, vector<16xf32>,
      %swap3A_778 = arith.constant 11 : i32
      %swap3A_779 = arith.index_cast %swap3A_778 : i32 to index
      %swap3A_780 = arith.constant 32 : index
      %swap3A_781 = tpu.vector_load %arg12[%swap3A_779, %swap3A_780] {strides = array<i32>} : memref<32x128xf32, #tpu.memory_space<vmem>>, vector<16xf32>,
      tpu.vector_store %arg12[%swap3A_779, %swap3A_780], %get3A_777 {strides = array<i32>} : memref<32x128xf32, #tpu.memory_space<vmem>>, vector<16xf32>,
      %get3A_782 = arith.constant 11 : i32
      %get3A_783 = arith.index_cast %get3A_782 : i32 to index
      %get3A_784 = arith.constant 32 : index
      %get3A_785 = tpu.vector_load %arg11[%get3A_783, %get3A_784] {strides = array<i32>} : memref<32x128xf32, #tpu.memory_space<vmem>>, vector<16xf32>,
      %swap3A_786 = arith.constant 11 : i32
      %swap3A_787 = arith.index_cast %swap3A_786 : i32 to index
      %swap3A_788 = arith.constant 96 : index
      %swap3A_789 = tpu.vector_load %arg12[%swap3A_787, %swap3A_788] {strides = array<i32>} : memref<32x128xf32, #tpu.memory_space<vmem>>, vector<16xf32>,
      tpu.vector_store %arg12[%swap3A_787, %swap3A_788], %get3A_785 {strides = array<i32>} : memref<32x128xf32, #tpu.memory_space<vmem>>, vector<16xf32>,
      %get3A_790 = arith.constant 11 : i32
      %get3A_791 = arith.index_cast %get3A_790 : i32 to index
      %get3A_792 = arith.constant 48 : index
      %get3A_793 = tpu.vector_load %arg10[%get3A_791, %get3A_792] {strides = array<i32>} : memref<32x128xf32, #tpu.memory_space<vmem>>, vector<16xf32>,
      %swap3A_794 = arith.constant 11 : i32
      %swap3A_795 = arith.index_cast %swap3A_794 : i32 to index
      %swap3A_796 = arith.constant 48 : index
      %swap3A_797 = tpu.vector_load %arg12[%swap3A_795, %swap3A_796] {strides = array<i32>} : memref<32x128xf32, #tpu.memory_space<vmem>>, vector<16xf32>,
      tpu.vector_store %arg12[%swap3A_795, %swap3A_796], %get3A_793 {strides = array<i32>} : memref<32x128xf32, #tpu.memory_space<vmem>>, vector<16xf32>,
      %get3A_798 = arith.constant 11 : i32
      %get3A_799 = arith.index_cast %get3A_798 : i32 to index
      %get3A_800 = arith.constant 48 : index
      %get3A_801 = tpu.vector_load %arg11[%get3A_799, %get3A_800] {strides = array<i32>} : memref<32x128xf32, #tpu.memory_space<vmem>>, vector<16xf32>,
      %swap3A_802 = arith.constant 11 : i32
      %swap3A_803 = arith.index_cast %swap3A_802 : i32 to index
      %swap3A_804 = arith.constant 112 : index
      %swap3A_805 = tpu.vector_load %arg12[%swap3A_803, %swap3A_804] {strides = array<i32>} : memref<32x128xf32, #tpu.memory_space<vmem>>, vector<16xf32>,
      tpu.vector_store %arg12[%swap3A_803, %swap3A_804], %get3A_801 {strides = array<i32>} : memref<32x128xf32, #tpu.memory_space<vmem>>, vector<16xf32>,
      %get3A_806 = arith.constant 12 : i32
      %get3A_807 = arith.index_cast %get3A_806 : i32 to index
      %get3A_808 = arith.constant 0 : index
      %get3A_809 = tpu.vector_load %arg10[%get3A_807, %get3A_808] {strides = array<i32>} : memref<32x128xf32, #tpu.memory_space<vmem>>, vector<16xf32>,
      %swap3A_810 = arith.constant 12 : i32
      %swap3A_811 = arith.index_cast %swap3A_810 : i32 to index
      %swap3A_812 = arith.constant 0 : index
      %swap3A_813 = tpu.vector_load %arg12[%swap3A_811, %swap3A_812] {strides = array<i32>} : memref<32x128xf32, #tpu.memory_space<vmem>>, vector<16xf32>,
      tpu.vector_store %arg12[%swap3A_811, %swap3A_812], %get3A_809 {strides = array<i32>} : memref<32x128xf32, #tpu.memory_space<vmem>>, vector<16xf32>,
      %get3A_814 = arith.constant 12 : i32
      %get3A_815 = arith.index_cast %get3A_814 : i32 to index
      %get3A_816 = arith.constant 0 : index
      %get3A_817 = tpu.vector_load %arg11[%get3A_815, %get3A_816] {strides = array<i32>} : memref<32x128xf32, #tpu.memory_space<vmem>>, vector<16xf32>,
      %swap3A_818 = arith.constant 12 : i32
      %swap3A_819 = arith.index_cast %swap3A_818 : i32 to index
      %swap3A_820 = arith.constant 64 : index
      %swap3A_821 = tpu.vector_load %arg12[%swap3A_819, %swap3A_820] {strides = array<i32>} : memref<32x128xf32, #tpu.memory_space<vmem>>, vector<16xf32>,
      tpu.vector_store %arg12[%swap3A_819, %swap3A_820], %get3A_817 {strides = array<i32>} : memref<32x128xf32, #tpu.memory_space<vmem>>, vector<16xf32>,
      %get3A_822 = arith.constant 12 : i32
      %get3A_823 = arith.index_cast %get3A_822 : i32 to index
      %get3A_824 = arith.constant 16 : index
      %get3A_825 = tpu.vector_load %arg10[%get3A_823, %get3A_824] {strides = array<i32>} : memref<32x128xf32, #tpu.memory_space<vmem>>, vector<16xf32>,
      %swap3A_826 = arith.constant 12 : i32
      %swap3A_827 = arith.index_cast %swap3A_826 : i32 to index
      %swap3A_828 = arith.constant 16 : index
      %swap3A_829 = tpu.vector_load %arg12[%swap3A_827, %swap3A_828] {strides = array<i32>} : memref<32x128xf32, #tpu.memory_space<vmem>>, vector<16xf32>,
      tpu.vector_store %arg12[%swap3A_827, %swap3A_828], %get3A_825 {strides = array<i32>} : memref<32x128xf32, #tpu.memory_space<vmem>>, vector<16xf32>,
      %get3A_830 = arith.constant 12 : i32
      %get3A_831 = arith.index_cast %get3A_830 : i32 to index
      %get3A_832 = arith.constant 16 : index
      %get3A_833 = tpu.vector_load %arg11[%get3A_831, %get3A_832] {strides = array<i32>} : memref<32x128xf32, #tpu.memory_space<vmem>>, vector<16xf32>,
      %swap3A_834 = arith.constant 12 : i32
      %swap3A_835 = arith.index_cast %swap3A_834 : i32 to index
      %swap3A_836 = arith.constant 80 : index
      %swap3A_837 = tpu.vector_load %arg12[%swap3A_835, %swap3A_836] {strides = array<i32>} : memref<32x128xf32, #tpu.memory_space<vmem>>, vector<16xf32>,
      tpu.vector_store %arg12[%swap3A_835, %swap3A_836], %get3A_833 {strides = array<i32>} : memref<32x128xf32, #tpu.memory_space<vmem>>, vector<16xf32>,
      %get3A_838 = arith.constant 12 : i32
      %get3A_839 = arith.index_cast %get3A_838 : i32 to index
      %get3A_840 = arith.constant 32 : index
      %get3A_841 = tpu.vector_load %arg10[%get3A_839, %get3A_840] {strides = array<i32>} : memref<32x128xf32, #tpu.memory_space<vmem>>, vector<16xf32>,
      %swap3A_842 = arith.constant 12 : i32
      %swap3A_843 = arith.index_cast %swap3A_842 : i32 to index
      %swap3A_844 = arith.constant 32 : index
      %swap3A_845 = tpu.vector_load %arg12[%swap3A_843, %swap3A_844] {strides = array<i32>} : memref<32x128xf32, #tpu.memory_space<vmem>>, vector<16xf32>,
      tpu.vector_store %arg12[%swap3A_843, %swap3A_844], %get3A_841 {strides = array<i32>} : memref<32x128xf32, #tpu.memory_space<vmem>>, vector<16xf32>,
      %get3A_846 = arith.constant 12 : i32
      %get3A_847 = arith.index_cast %get3A_846 : i32 to index
      %get3A_848 = arith.constant 32 : index
      %get3A_849 = tpu.vector_load %arg11[%get3A_847, %get3A_848] {strides = array<i32>} : memref<32x128xf32, #tpu.memory_space<vmem>>, vector<16xf32>,
      %swap3A_850 = arith.constant 12 : i32
      %swap3A_851 = arith.index_cast %swap3A_850 : i32 to index
      %swap3A_852 = arith.constant 96 : index
      %swap3A_853 = tpu.vector_load %arg12[%swap3A_851, %swap3A_852] {strides = array<i32>} : memref<32x128xf32, #tpu.memory_space<vmem>>, vector<16xf32>,
      tpu.vector_store %arg12[%swap3A_851, %swap3A_852], %get3A_849 {strides = array<i32>} : memref<32x128xf32, #tpu.memory_space<vmem>>, vector<16xf32>,
      %get3A_854 = arith.constant 12 : i32
      %get3A_855 = arith.index_cast %get3A_854 : i32 to index
      %get3A_856 = arith.constant 48 : index
      %get3A_857 = tpu.vector_load %arg10[%get3A_855, %get3A_856] {strides = array<i32>} : memref<32x128xf32, #tpu.memory_space<vmem>>, vector<16xf32>,
      %swap3A_858 = arith.constant 12 : i32
      %swap3A_859 = arith.index_cast %swap3A_858 : i32 to index
      %swap3A_860 = arith.constant 48 : index
      %swap3A_861 = tpu.vector_load %arg12[%swap3A_859, %swap3A_860] {strides = array<i32>} : memref<32x128xf32, #tpu.memory_space<vmem>>, vector<16xf32>,
      tpu.vector_store %arg12[%swap3A_859, %swap3A_860], %get3A_857 {strides = array<i32>} : memref<32x128xf32, #tpu.memory_space<vmem>>, vector<16xf32>,
      %get3A_862 = arith.constant 12 : i32
      %get3A_863 = arith.index_cast %get3A_862 : i32 to index
      %get3A_864 = arith.constant 48 : index
      %get3A_865 = tpu.vector_load %arg11[%get3A_863, %get3A_864] {strides = array<i32>} : memref<32x128xf32, #tpu.memory_space<vmem>>, vector<16xf32>,
      %swap3A_866 = arith.constant 12 : i32
      %swap3A_867 = arith.index_cast %swap3A_866 : i32 to index
      %swap3A_868 = arith.constant 112 : index
      %swap3A_869 = tpu.vector_load %arg12[%swap3A_867, %swap3A_868] {strides = array<i32>} : memref<32x128xf32, #tpu.memory_space<vmem>>, vector<16xf32>,
      tpu.vector_store %arg12[%swap3A_867, %swap3A_868], %get3A_865 {strides = array<i32>} : memref<32x128xf32, #tpu.memory_space<vmem>>, vector<16xf32>,
      %get3A_870 = arith.constant 13 : i32
      %get3A_871 = arith.index_cast %get3A_870 : i32 to index
      %get3A_872 = arith.constant 0 : index
      %get3A_873 = tpu.vector_load %arg10[%get3A_871, %get3A_872] {strides = array<i32>} : memref<32x128xf32, #tpu.memory_space<vmem>>, vector<16xf32>,
      %swap3A_874 = arith.constant 13 : i32
      %swap3A_875 = arith.index_cast %swap3A_874 : i32 to index
      %swap3A_876 = arith.constant 0 : index
      %swap3A_877 = tpu.vector_load %arg12[%swap3A_875, %swap3A_876] {strides = array<i32>} : memref<32x128xf32, #tpu.memory_space<vmem>>, vector<16xf32>,
      tpu.vector_store %arg12[%swap3A_875, %swap3A_876], %get3A_873 {strides = array<i32>} : memref<32x128xf32, #tpu.memory_space<vmem>>, vector<16xf32>,
      %get3A_878 = arith.constant 13 : i32
      %get3A_879 = arith.index_cast %get3A_878 : i32 to index
      %get3A_880 = arith.constant 0 : index
      %get3A_881 = tpu.vector_load %arg11[%get3A_879, %get3A_880] {strides = array<i32>} : memref<32x128xf32, #tpu.memory_space<vmem>>, vector<16xf32>,
      %swap3A_882 = arith.constant 13 : i32
      %swap3A_883 = arith.index_cast %swap3A_882 : i32 to index
      %swap3A_884 = arith.constant 64 : index
      %swap3A_885 = tpu.vector_load %arg12[%swap3A_883, %swap3A_884] {strides = array<i32>} : memref<32x128xf32, #tpu.memory_space<vmem>>, vector<16xf32>,
      tpu.vector_store %arg12[%swap3A_883, %swap3A_884], %get3A_881 {strides = array<i32>} : memref<32x128xf32, #tpu.memory_space<vmem>>, vector<16xf32>,
      %get3A_886 = arith.constant 13 : i32
      %get3A_887 = arith.index_cast %get3A_886 : i32 to index
      %get3A_888 = arith.constant 16 : index
      %get3A_889 = tpu.vector_load %arg10[%get3A_887, %get3A_888] {strides = array<i32>} : memref<32x128xf32, #tpu.memory_space<vmem>>, vector<16xf32>,
      %swap3A_890 = arith.constant 13 : i32
      %swap3A_891 = arith.index_cast %swap3A_890 : i32 to index
      %swap3A_892 = arith.constant 16 : index
      %swap3A_893 = tpu.vector_load %arg12[%swap3A_891, %swap3A_892] {strides = array<i32>} : memref<32x128xf32, #tpu.memory_space<vmem>>, vector<16xf32>,
      tpu.vector_store %arg12[%swap3A_891, %swap3A_892], %get3A_889 {strides = array<i32>} : memref<32x128xf32, #tpu.memory_space<vmem>>, vector<16xf32>,
      %get3A_894 = arith.constant 13 : i32
      %get3A_895 = arith.index_cast %get3A_894 : i32 to index
      %get3A_896 = arith.constant 16 : index
      %get3A_897 = tpu.vector_load %arg11[%get3A_895, %get3A_896] {strides = array<i32>} : memref<32x128xf32, #tpu.memory_space<vmem>>, vector<16xf32>,
      %swap3A_898 = arith.constant 13 : i32
      %swap3A_899 = arith.index_cast %swap3A_898 : i32 to index
      %swap3A_900 = arith.constant 80 : index
      %swap3A_901 = tpu.vector_load %arg12[%swap3A_899, %swap3A_900] {strides = array<i32>} : memref<32x128xf32, #tpu.memory_space<vmem>>, vector<16xf32>,
      tpu.vector_store %arg12[%swap3A_899, %swap3A_900], %get3A_897 {strides = array<i32>} : memref<32x128xf32, #tpu.memory_space<vmem>>, vector<16xf32>,
      %get3A_902 = arith.constant 13 : i32
      %get3A_903 = arith.index_cast %get3A_902 : i32 to index
      %get3A_904 = arith.constant 32 : index
      %get3A_905 = tpu.vector_load %arg10[%get3A_903, %get3A_904] {strides = array<i32>} : memref<32x128xf32, #tpu.memory_space<vmem>>, vector<16xf32>,
      %swap3A_906 = arith.constant 13 : i32
      %swap3A_907 = arith.index_cast %swap3A_906 : i32 to index
      %swap3A_908 = arith.constant 32 : index
      %swap3A_909 = tpu.vector_load %arg12[%swap3A_907, %swap3A_908] {strides = array<i32>} : memref<32x128xf32, #tpu.memory_space<vmem>>, vector<16xf32>,
      tpu.vector_store %arg12[%swap3A_907, %swap3A_908], %get3A_905 {strides = array<i32>} : memref<32x128xf32, #tpu.memory_space<vmem>>, vector<16xf32>,
      %get3A_910 = arith.constant 13 : i32
      %get3A_911 = arith.index_cast %get3A_910 : i32 to index
      %get3A_912 = arith.constant 32 : index
      %get3A_913 = tpu.vector_load %arg11[%get3A_911, %get3A_912] {strides = array<i32>} : memref<32x128xf32, #tpu.memory_space<vmem>>, vector<16xf32>,
      %swap3A_914 = arith.constant 13 : i32
      %swap3A_915 = arith.index_cast %swap3A_914 : i32 to index
      %swap3A_916 = arith.constant 96 : index
      %swap3A_917 = tpu.vector_load %arg12[%swap3A_915, %swap3A_916] {strides = array<i32>} : memref<32x128xf32, #tpu.memory_space<vmem>>, vector<16xf32>,
      tpu.vector_store %arg12[%swap3A_915, %swap3A_916], %get3A_913 {strides = array<i32>} : memref<32x128xf32, #tpu.memory_space<vmem>>, vector<16xf32>,
      %get3A_918 = arith.constant 13 : i32
      %get3A_919 = arith.index_cast %get3A_918 : i32 to index
      %get3A_920 = arith.constant 48 : index
      %get3A_921 = tpu.vector_load %arg10[%get3A_919, %get3A_920] {strides = array<i32>} : memref<32x128xf32, #tpu.memory_space<vmem>>, vector<16xf32>,
      %swap3A_922 = arith.constant 13 : i32
      %swap3A_923 = arith.index_cast %swap3A_922 : i32 to index
      %swap3A_924 = arith.constant 48 : index
      %swap3A_925 = tpu.vector_load %arg12[%swap3A_923, %swap3A_924] {strides = array<i32>} : memref<32x128xf32, #tpu.memory_space<vmem>>, vector<16xf32>,
      tpu.vector_store %arg12[%swap3A_923, %swap3A_924], %get3A_921 {strides = array<i32>} : memref<32x128xf32, #tpu.memory_space<vmem>>, vector<16xf32>,
      %get3A_926 = arith.constant 13 : i32
      %get3A_927 = arith.index_cast %get3A_926 : i32 to index
      %get3A_928 = arith.constant 48 : index
      %get3A_929 = tpu.vector_load %arg11[%get3A_927, %get3A_928] {strides = array<i32>} : memref<32x128xf32, #tpu.memory_space<vmem>>, vector<16xf32>,
      %swap3A_930 = arith.constant 13 : i32
      %swap3A_931 = arith.index_cast %swap3A_930 : i32 to index
      %swap3A_932 = arith.constant 112 : index
      %swap3A_933 = tpu.vector_load %arg12[%swap3A_931, %swap3A_932] {strides = array<i32>} : memref<32x128xf32, #tpu.memory_space<vmem>>, vector<16xf32>,
      tpu.vector_store %arg12[%swap3A_931, %swap3A_932], %get3A_929 {strides = array<i32>} : memref<32x128xf32, #tpu.memory_space<vmem>>, vector<16xf32>,
      %get3A_934 = arith.constant 14 : i32
      %get3A_935 = arith.index_cast %get3A_934 : i32 to index
      %get3A_936 = arith.constant 0 : index
      %get3A_937 = tpu.vector_load %arg10[%get3A_935, %get3A_936] {strides = array<i32>} : memref<32x128xf32, #tpu.memory_space<vmem>>, vector<16xf32>,
      %swap3A_938 = arith.constant 14 : i32
      %swap3A_939 = arith.index_cast %swap3A_938 : i32 to index
      %swap3A_940 = arith.constant 0 : index
      %swap3A_941 = tpu.vector_load %arg12[%swap3A_939, %swap3A_940] {strides = array<i32>} : memref<32x128xf32, #tpu.memory_space<vmem>>, vector<16xf32>,
      tpu.vector_store %arg12[%swap3A_939, %swap3A_940], %get3A_937 {strides = array<i32>} : memref<32x128xf32, #tpu.memory_space<vmem>>, vector<16xf32>,
      %get3A_942 = arith.constant 14 : i32
      %get3A_943 = arith.index_cast %get3A_942 : i32 to index
      %get3A_944 = arith.constant 0 : index
      %get3A_945 = tpu.vector_load %arg11[%get3A_943, %get3A_944] {strides = array<i32>} : memref<32x128xf32, #tpu.memory_space<vmem>>, vector<16xf32>,
      %swap3A_946 = arith.constant 14 : i32
      %swap3A_947 = arith.index_cast %swap3A_946 : i32 to index
      %swap3A_948 = arith.constant 64 : index
      %swap3A_949 = tpu.vector_load %arg12[%swap3A_947, %swap3A_948] {strides = array<i32>} : memref<32x128xf32, #tpu.memory_space<vmem>>, vector<16xf32>,
      tpu.vector_store %arg12[%swap3A_947, %swap3A_948], %get3A_945 {strides = array<i32>} : memref<32x128xf32, #tpu.memory_space<vmem>>, vector<16xf32>,
      %get3A_950 = arith.constant 14 : i32
      %get3A_951 = arith.index_cast %get3A_950 : i32 to index
      %get3A_952 = arith.constant 16 : index
      %get3A_953 = tpu.vector_load %arg10[%get3A_951, %get3A_952] {strides = array<i32>} : memref<32x128xf32, #tpu.memory_space<vmem>>, vector<16xf32>,
      %swap3A_954 = arith.constant 14 : i32
      %swap3A_955 = arith.index_cast %swap3A_954 : i32 to index
      %swap3A_956 = arith.constant 16 : index
      %swap3A_957 = tpu.vector_load %arg12[%swap3A_955, %swap3A_956] {strides = array<i32>} : memref<32x128xf32, #tpu.memory_space<vmem>>, vector<16xf32>,
      tpu.vector_store %arg12[%swap3A_955, %swap3A_956], %get3A_953 {strides = array<i32>} : memref<32x128xf32, #tpu.memory_space<vmem>>, vector<16xf32>,
      %get3A_958 = arith.constant 14 : i32
      %get3A_959 = arith.index_cast %get3A_958 : i32 to index
      %get3A_960 = arith.constant 16 : index
      %get3A_961 = tpu.vector_load %arg11[%get3A_959, %get3A_960] {strides = array<i32>} : memref<32x128xf32, #tpu.memory_space<vmem>>, vector<16xf32>,
      %swap3A_962 = arith.constant 14 : i32
      %swap3A_963 = arith.index_cast %swap3A_962 : i32 to index
      %swap3A_964 = arith.constant 80 : index
      %swap3A_965 = tpu.vector_load %arg12[%swap3A_963, %swap3A_964] {strides = array<i32>} : memref<32x128xf32, #tpu.memory_space<vmem>>, vector<16xf32>,
      tpu.vector_store %arg12[%swap3A_963, %swap3A_964], %get3A_961 {strides = array<i32>} : memref<32x128xf32, #tpu.memory_space<vmem>>, vector<16xf32>,
      %get3A_966 = arith.constant 14 : i32
      %get3A_967 = arith.index_cast %get3A_966 : i32 to index
      %get3A_968 = arith.constant 32 : index
      %get3A_969 = tpu.vector_load %arg10[%get3A_967, %get3A_968] {strides = array<i32>} : memref<32x128xf32, #tpu.memory_space<vmem>>, vector<16xf32>,
      %swap3A_970 = arith.constant 14 : i32
      %swap3A_971 = arith.index_cast %swap3A_970 : i32 to index
      %swap3A_972 = arith.constant 32 : index
      %swap3A_973 = tpu.vector_load %arg12[%swap3A_971, %swap3A_972] {strides = array<i32>} : memref<32x128xf32, #tpu.memory_space<vmem>>, vector<16xf32>,
      tpu.vector_store %arg12[%swap3A_971, %swap3A_972], %get3A_969 {strides = array<i32>} : memref<32x128xf32, #tpu.memory_space<vmem>>, vector<16xf32>,
      %get3A_974 = arith.constant 14 : i32
      %get3A_975 = arith.index_cast %get3A_974 : i32 to index
      %get3A_976 = arith.constant 32 : index
      %get3A_977 = tpu.vector_load %arg11[%get3A_975, %get3A_976] {strides = array<i32>} : memref<32x128xf32, #tpu.memory_space<vmem>>, vector<16xf32>,
      %swap3A_978 = arith.constant 14 : i32
      %swap3A_979 = arith.index_cast %swap3A_978 : i32 to index
      %swap3A_980 = arith.constant 96 : index
      %swap3A_981 = tpu.vector_load %arg12[%swap3A_979, %swap3A_980] {strides = array<i32>} : memref<32x128xf32, #tpu.memory_space<vmem>>, vector<16xf32>,
      tpu.vector_store %arg12[%swap3A_979, %swap3A_980], %get3A_977 {strides = array<i32>} : memref<32x128xf32, #tpu.memory_space<vmem>>, vector<16xf32>,
      %get3A_982 = arith.constant 14 : i32
      %get3A_983 = arith.index_cast %get3A_982 : i32 to index
      %get3A_984 = arith.constant 48 : index
      %get3A_985 = tpu.vector_load %arg10[%get3A_983, %get3A_984] {strides = array<i32>} : memref<32x128xf32, #tpu.memory_space<vmem>>, vector<16xf32>,
      %swap3A_986 = arith.constant 14 : i32
      %swap3A_987 = arith.index_cast %swap3A_986 : i32 to index
      %swap3A_988 = arith.constant 48 : index
      %swap3A_989 = tpu.vector_load %arg12[%swap3A_987, %swap3A_988] {strides = array<i32>} : memref<32x128xf32, #tpu.memory_space<vmem>>, vector<16xf32>,
      tpu.vector_store %arg12[%swap3A_987, %swap3A_988], %get3A_985 {strides = array<i32>} : memref<32x128xf32, #tpu.memory_space<vmem>>, vector<16xf32>,
      %get3A_990 = arith.constant 14 : i32
      %get3A_991 = arith.index_cast %get3A_990 : i32 to index
      %get3A_992 = arith.constant 48 : index
      %get3A_993 = tpu.vector_load %arg11[%get3A_991, %get3A_992] {strides = array<i32>} : memref<32x128xf32, #tpu.memory_space<vmem>>, vector<16xf32>,
      %swap3A_994 = arith.constant 14 : i32
      %swap3A_995 = arith.index_cast %swap3A_994 : i32 to index
      %swap3A_996 = arith.constant 112 : index
      %swap3A_997 = tpu.vector_load %arg12[%swap3A_995, %swap3A_996] {strides = array<i32>} : memref<32x128xf32, #tpu.memory_space<vmem>>, vector<16xf32>,
      tpu.vector_store %arg12[%swap3A_995, %swap3A_996], %get3A_993 {strides = array<i32>} : memref<32x128xf32, #tpu.memory_space<vmem>>, vector<16xf32>,
      %get3A_998 = arith.constant 15 : i32
      %get3A_999 = arith.index_cast %get3A_998 : i32 to index
      %get3A_1000 = arith.constant 0 : index
      %get3A_1001 = tpu.vector_load %arg10[%get3A_999, %get3A_1000] {strides = array<i32>} : memref<32x128xf32, #tpu.memory_space<vmem>>, vector<16xf32>,
      %swap3A_1002 = arith.constant 15 : i32
      %swap3A_1003 = arith.index_cast %swap3A_1002 : i32 to index
      %swap3A_1004 = arith.constant 0 : index
      %swap3A_1005 = tpu.vector_load %arg12[%swap3A_1003, %swap3A_1004] {strides = array<i32>} : memref<32x128xf32, #tpu.memory_space<vmem>>, vector<16xf32>,
      tpu.vector_store %arg12[%swap3A_1003, %swap3A_1004], %get3A_1001 {strides = array<i32>} : memref<32x128xf32, #tpu.memory_space<vmem>>, vector<16xf32>,
      %get3A_1006 = arith.constant 15 : i32
      %get3A_1007 = arith.index_cast %get3A_1006 : i32 to index
      %get3A_1008 = arith.constant 0 : index
      %get3A_1009 = tpu.vector_load %arg11[%get3A_1007, %get3A_1008] {strides = array<i32>} : memref<32x128xf32, #tpu.memory_space<vmem>>, vector<16xf32>,
      %swap3A_1010 = arith.constant 15 : i32
      %swap3A_1011 = arith.index_cast %swap3A_1010 : i32 to index
      %swap3A_1012 = arith.constant 64 : index
      %swap3A_1013 = tpu.vector_load %arg12[%swap3A_1011, %swap3A_1012] {strides = array<i32>} : memref<32x128xf32, #tpu.memory_space<vmem>>, vector<16xf32>,
      tpu.vector_store %arg12[%swap3A_1011, %swap3A_1012], %get3A_1009 {strides = array<i32>} : memref<32x128xf32, #tpu.memory_space<vmem>>, vector<16xf32>,
      %get3A_1014 = arith.constant 15 : i32
      %get3A_1015 = arith.index_cast %get3A_1014 : i32 to index
      %get3A_1016 = arith.constant 16 : index
      %get3A_1017 = tpu.vector_load %arg10[%get3A_1015, %get3A_1016] {strides = array<i32>} : memref<32x128xf32, #tpu.memory_space<vmem>>, vector<16xf32>,
      %swap3A_1018 = arith.constant 15 : i32
      %swap3A_1019 = arith.index_cast %swap3A_1018 : i32 to index
      %swap3A_1020 = arith.constant 16 : index
      %swap3A_1021 = tpu.vector_load %arg12[%swap3A_1019, %swap3A_1020] {strides = array<i32>} : memref<32x128xf32, #tpu.memory_space<vmem>>, vector<16xf32>,
      tpu.vector_store %arg12[%swap3A_1019, %swap3A_1020], %get3A_1017 {strides = array<i32>} : memref<32x128xf32, #tpu.memory_space<vmem>>, vector<16xf32>,
      %get3A_1022 = arith.constant 15 : i32
      %get3A_1023 = arith.index_cast %get3A_1022 : i32 to index
      %get3A_1024 = arith.constant 16 : index
      %get3A_1025 = tpu.vector_load %arg11[%get3A_1023, %get3A_1024] {strides = array<i32>} : memref<32x128xf32, #tpu.memory_space<vmem>>, vector<16xf32>,
      %swap3A_1026 = arith.constant 15 : i32
      %swap3A_1027 = arith.index_cast %swap3A_1026 : i32 to index
      %swap3A_1028 = arith.constant 80 : index
      %swap3A_1029 = tpu.vector_load %arg12[%swap3A_1027, %swap3A_1028] {strides = array<i32>} : memref<32x128xf32, #tpu.memory_space<vmem>>, vector<16xf32>,
      tpu.vector_store %arg12[%swap3A_1027, %swap3A_1028], %get3A_1025 {strides = array<i32>} : memref<32x128xf32, #tpu.memory_space<vmem>>, vector<16xf32>,
      %get3A_1030 = arith.constant 15 : i32
      %get3A_1031 = arith.index_cast %get3A_1030 : i32 to index
      %get3A_1032 = arith.constant 32 : index
      %get3A_1033 = tpu.vector_load %arg10[%get3A_1031, %get3A_1032] {strides = array<i32>} : memref<32x128xf32, #tpu.memory_space<vmem>>, vector<16xf32>,
      %swap3A_1034 = arith.constant 15 : i32
      %swap3A_1035 = arith.index_cast %swap3A_1034 : i32 to index
      %swap3A_1036 = arith.constant 32 : index
      %swap3A_1037 = tpu.vector_load %arg12[%swap3A_1035, %swap3A_1036] {strides = array<i32>} : memref<32x128xf32, #tpu.memory_space<vmem>>, vector<16xf32>,
      tpu.vector_store %arg12[%swap3A_1035, %swap3A_1036], %get3A_1033 {strides = array<i32>} : memref<32x128xf32, #tpu.memory_space<vmem>>, vector<16xf32>,
      %get3A_1038 = arith.constant 15 : i32
      %get3A_1039 = arith.index_cast %get3A_1038 : i32 to index
      %get3A_1040 = arith.constant 32 : index
      %get3A_1041 = tpu.vector_load %arg11[%get3A_1039, %get3A_1040] {strides = array<i32>} : memref<32x128xf32, #tpu.memory_space<vmem>>, vector<16xf32>,
      %swap3A_1042 = arith.constant 15 : i32
      %swap3A_1043 = arith.index_cast %swap3A_1042 : i32 to index
      %swap3A_1044 = arith.constant 96 : index
      %swap3A_1045 = tpu.vector_load %arg12[%swap3A_1043, %swap3A_1044] {strides = array<i32>} : memref<32x128xf32, #tpu.memory_space<vmem>>, vector<16xf32>,
      tpu.vector_store %arg12[%swap3A_1043, %swap3A_1044], %get3A_1041 {strides = array<i32>} : memref<32x128xf32, #tpu.memory_space<vmem>>, vector<16xf32>,
      %get3A_1046 = arith.constant 15 : i32
      %get3A_1047 = arith.index_cast %get3A_1046 : i32 to index
      %get3A_1048 = arith.constant 48 : index
      %get3A_1049 = tpu.vector_load %arg10[%get3A_1047, %get3A_1048] {strides = array<i32>} : memref<32x128xf32, #tpu.memory_space<vmem>>, vector<16xf32>,
      %swap3A_1050 = arith.constant 15 : i32
      %swap3A_1051 = arith.index_cast %swap3A_1050 : i32 to index
      %swap3A_1052 = arith.constant 48 : index
      %swap3A_1053 = tpu.vector_load %arg12[%swap3A_1051, %swap3A_1052] {strides = array<i32>} : memref<32x128xf32, #tpu.memory_space<vmem>>, vector<16xf32>,
      tpu.vector_store %arg12[%swap3A_1051, %swap3A_1052], %get3A_1049 {strides = array<i32>} : memref<32x128xf32, #tpu.memory_space<vmem>>, vector<16xf32>,
      %get3A_1054 = arith.constant 15 : i32
      %get3A_1055 = arith.index_cast %get3A_1054 : i32 to index
      %get3A_1056 = arith.constant 48 : index
      %get3A_1057 = tpu.vector_load %arg11[%get3A_1055, %get3A_1056] {strides = array<i32>} : memref<32x128xf32, #tpu.memory_space<vmem>>, vector<16xf32>,
      %swap3A_1058 = arith.constant 15 : i32
      %swap3A_1059 = arith.index_cast %swap3A_1058 : i32 to index
      %swap3A_1060 = arith.constant 112 : index
      %swap3A_1061 = tpu.vector_load %arg12[%swap3A_1059, %swap3A_1060] {strides = array<i32>} : memref<32x128xf32, #tpu.memory_space<vmem>>, vector<16xf32>,
      tpu.vector_store %arg12[%swap3A_1059, %swap3A_1060], %get3A_1057 {strides = array<i32>} : memref<32x128xf32, #tpu.memory_space<vmem>>, vector<16xf32>,
      %get3A_1062 = arith.constant 16 : i32
      %get3A_1063 = arith.index_cast %get3A_1062 : i32 to index
      %get3A_1064 = arith.constant 0 : index
      %get3A_1065 = tpu.vector_load %arg10[%get3A_1063, %get3A_1064] {strides = array<i32>} : memref<32x128xf32, #tpu.memory_space<vmem>>, vector<16xf32>,
      %swap3A_1066 = arith.constant 16 : i32
      %swap3A_1067 = arith.index_cast %swap3A_1066 : i32 to index
      %swap3A_1068 = arith.constant 0 : index
      %swap3A_1069 = tpu.vector_load %arg12[%swap3A_1067, %swap3A_1068] {strides = array<i32>} : memref<32x128xf32, #tpu.memory_space<vmem>>, vector<16xf32>,
      tpu.vector_store %arg12[%swap3A_1067, %swap3A_1068], %get3A_1065 {strides = array<i32>} : memref<32x128xf32, #tpu.memory_space<vmem>>, vector<16xf32>,
      %get3A_1070 = arith.constant 16 : i32
      %get3A_1071 = arith.index_cast %get3A_1070 : i32 to index
      %get3A_1072 = arith.constant 0 : index
      %get3A_1073 = tpu.vector_load %arg11[%get3A_1071, %get3A_1072] {strides = array<i32>} : memref<32x128xf32, #tpu.memory_space<vmem>>, vector<16xf32>,
      %swap3A_1074 = arith.constant 16 : i32
      %swap3A_1075 = arith.index_cast %swap3A_1074 : i32 to index
      %swap3A_1076 = arith.constant 64 : index
      %swap3A_1077 = tpu.vector_load %arg12[%swap3A_1075, %swap3A_1076] {strides = array<i32>} : memref<32x128xf32, #tpu.memory_space<vmem>>, vector<16xf32>,
      tpu.vector_store %arg12[%swap3A_1075, %swap3A_1076], %get3A_1073 {strides = array<i32>} : memref<32x128xf32, #tpu.memory_space<vmem>>, vector<16xf32>,
      %get3A_1078 = arith.constant 16 : i32
      %get3A_1079 = arith.index_cast %get3A_1078 : i32 to index
      %get3A_1080 = arith.constant 16 : index
      %get3A_1081 = tpu.vector_load %arg10[%get3A_1079, %get3A_1080] {strides = array<i32>} : memref<32x128xf32, #tpu.memory_space<vmem>>, vector<16xf32>,
      %swap3A_1082 = arith.constant 16 : i32
      %swap3A_1083 = arith.index_cast %swap3A_1082 : i32 to index
      %swap3A_1084 = arith.constant 16 : index
      %swap3A_1085 = tpu.vector_load %arg12[%swap3A_1083, %swap3A_1084] {strides = array<i32>} : memref<32x128xf32, #tpu.memory_space<vmem>>, vector<16xf32>,
      tpu.vector_store %arg12[%swap3A_1083, %swap3A_1084], %get3A_1081 {strides = array<i32>} : memref<32x128xf32, #tpu.memory_space<vmem>>, vector<16xf32>,
      %get3A_1086 = arith.constant 16 : i32
      %get3A_1087 = arith.index_cast %get3A_1086 : i32 to index
      %get3A_1088 = arith.constant 16 : index
      %get3A_1089 = tpu.vector_load %arg11[%get3A_1087, %get3A_1088] {strides = array<i32>} : memref<32x128xf32, #tpu.memory_space<vmem>>, vector<16xf32>,
      %swap3A_1090 = arith.constant 16 : i32
      %swap3A_1091 = arith.index_cast %swap3A_1090 : i32 to index
      %swap3A_1092 = arith.constant 80 : index
      %swap3A_1093 = tpu.vector_load %arg12[%swap3A_1091, %swap3A_1092] {strides = array<i32>} : memref<32x128xf32, #tpu.memory_space<vmem>>, vector<16xf32>,
      tpu.vector_store %arg12[%swap3A_1091, %swap3A_1092], %get3A_1089 {strides = array<i32>} : memref<32x128xf32, #tpu.memory_space<vmem>>, vector<16xf32>,
      %get3A_1094 = arith.constant 16 : i32
      %get3A_1095 = arith.index_cast %get3A_1094 : i32 to index
      %get3A_1096 = arith.constant 32 : index
      %get3A_1097 = tpu.vector_load %arg10[%get3A_1095, %get3A_1096] {strides = array<i32>} : memref<32x128xf32, #tpu.memory_space<vmem>>, vector<16xf32>,
      %swap3A_1098 = arith.constant 16 : i32
      %swap3A_1099 = arith.index_cast %swap3A_1098 : i32 to index
      %swap3A_1100 = arith.constant 32 : index
      %swap3A_1101 = tpu.vector_load %arg12[%swap3A_1099, %swap3A_1100] {strides = array<i32>} : memref<32x128xf32, #tpu.memory_space<vmem>>, vector<16xf32>,
      tpu.vector_store %arg12[%swap3A_1099, %swap3A_1100], %get3A_1097 {strides = array<i32>} : memref<32x128xf32, #tpu.memory_space<vmem>>, vector<16xf32>,
      %get3A_1102 = arith.constant 16 : i32
      %get3A_1103 = arith.index_cast %get3A_1102 : i32 to index
      %get3A_1104 = arith.constant 32 : index
      %get3A_1105 = tpu.vector_load %arg11[%get3A_1103, %get3A_1104] {strides = array<i32>} : memref<32x128xf32, #tpu.memory_space<vmem>>, vector<16xf32>,
      %swap3A_1106 = arith.constant 16 : i32
      %swap3A_1107 = arith.index_cast %swap3A_1106 : i32 to index
      %swap3A_1108 = arith.constant 96 : index
      %swap3A_1109 = tpu.vector_load %arg12[%swap3A_1107, %swap3A_1108] {strides = array<i32>} : memref<32x128xf32, #tpu.memory_space<vmem>>, vector<16xf32>,
      tpu.vector_store %arg12[%swap3A_1107, %swap3A_1108], %get3A_1105 {strides = array<i32>} : memref<32x128xf32, #tpu.memory_space<vmem>>, vector<16xf32>,
      %get3A_1110 = arith.constant 16 : i32
      %get3A_1111 = arith.index_cast %get3A_1110 : i32 to index
      %get3A_1112 = arith.constant 48 : index
      %get3A_1113 = tpu.vector_load %arg10[%get3A_1111, %get3A_1112] {strides = array<i32>} : memref<32x128xf32, #tpu.memory_space<vmem>>, vector<16xf32>,
      %swap3A_1114 = arith.constant 16 : i32
      %swap3A_1115 = arith.index_cast %swap3A_1114 : i32 to index
      %swap3A_1116 = arith.constant 48 : index
      %swap3A_1117 = tpu.vector_load %arg12[%swap3A_1115, %swap3A_1116] {strides = array<i32>} : memref<32x128xf32, #tpu.memory_space<vmem>>, vector<16xf32>,
      tpu.vector_store %arg12[%swap3A_1115, %swap3A_1116], %get3A_1113 {strides = array<i32>} : memref<32x128xf32, #tpu.memory_space<vmem>>, vector<16xf32>,
      %get3A_1118 = arith.constant 16 : i32
      %get3A_1119 = arith.index_cast %get3A_1118 : i32 to index
      %get3A_1120 = arith.constant 48 : index
      %get3A_1121 = tpu.vector_load %arg11[%get3A_1119, %get3A_1120] {strides = array<i32>} : memref<32x128xf32, #tpu.memory_space<vmem>>, vector<16xf32>,
      %swap3A_1122 = arith.constant 16 : i32
      %swap3A_1123 = arith.index_cast %swap3A_1122 : i32 to index
      %swap3A_1124 = arith.constant 112 : index
      %swap3A_1125 = tpu.vector_load %arg12[%swap3A_1123, %swap3A_1124] {strides = array<i32>} : memref<32x128xf32, #tpu.memory_space<vmem>>, vector<16xf32>,
      tpu.vector_store %arg12[%swap3A_1123, %swap3A_1124], %get3A_1121 {strides = array<i32>} : memref<32x128xf32, #tpu.memory_space<vmem>>, vector<16xf32>,
      %get3A_1126 = arith.constant 17 : i32
      %get3A_1127 = arith.index_cast %get3A_1126 : i32 to index
      %get3A_1128 = arith.constant 0 : index
      %get3A_1129 = tpu.vector_load %arg10[%get3A_1127, %get3A_1128] {strides = array<i32>} : memref<32x128xf32, #tpu.memory_space<vmem>>, vector<16xf32>,
      %swap3A_1130 = arith.constant 17 : i32
      %swap3A_1131 = arith.index_cast %swap3A_1130 : i32 to index
      %swap3A_1132 = arith.constant 0 : index
      %swap3A_1133 = tpu.vector_load %arg12[%swap3A_1131, %swap3A_1132] {strides = array<i32>} : memref<32x128xf32, #tpu.memory_space<vmem>>, vector<16xf32>,
      tpu.vector_store %arg12[%swap3A_1131, %swap3A_1132], %get3A_1129 {strides = array<i32>} : memref<32x128xf32, #tpu.memory_space<vmem>>, vector<16xf32>,
      %get3A_1134 = arith.constant 17 : i32
      %get3A_1135 = arith.index_cast %get3A_1134 : i32 to index
      %get3A_1136 = arith.constant 0 : index
      %get3A_1137 = tpu.vector_load %arg11[%get3A_1135, %get3A_1136] {strides = array<i32>} : memref<32x128xf32, #tpu.memory_space<vmem>>, vector<16xf32>,
      %swap3A_1138 = arith.constant 17 : i32
      %swap3A_1139 = arith.index_cast %swap3A_1138 : i32 to index
      %swap3A_1140 = arith.constant 64 : index
      %swap3A_1141 = tpu.vector_load %arg12[%swap3A_1139, %swap3A_1140] {strides = array<i32>} : memref<32x128xf32, #tpu.memory_space<vmem>>, vector<16xf32>,
      tpu.vector_store %arg12[%swap3A_1139, %swap3A_1140], %get3A_1137 {strides = array<i32>} : memref<32x128xf32, #tpu.memory_space<vmem>>, vector<16xf32>,
      %get3A_1142 = arith.constant 17 : i32
      %get3A_1143 = arith.index_cast %get3A_1142 : i32 to index
      %get3A_1144 = arith.constant 16 : index
      %get3A_1145 = tpu.vector_load %arg10[%get3A_1143, %get3A_1144] {strides = array<i32>} : memref<32x128xf32, #tpu.memory_space<vmem>>, vector<16xf32>,
      %swap3A_1146 = arith.constant 17 : i32
      %swap3A_1147 = arith.index_cast %swap3A_1146 : i32 to index
      %swap3A_1148 = arith.constant 16 : index
      %swap3A_1149 = tpu.vector_load %arg12[%swap3A_1147, %swap3A_1148] {strides = array<i32>} : memref<32x128xf32, #tpu.memory_space<vmem>>, vector<16xf32>,
      tpu.vector_store %arg12[%swap3A_1147, %swap3A_1148], %get3A_1145 {strides = array<i32>} : memref<32x128xf32, #tpu.memory_space<vmem>>, vector<16xf32>,
      %get3A_1150 = arith.constant 17 : i32
      %get3A_1151 = arith.index_cast %get3A_1150 : i32 to index
      %get3A_1152 = arith.constant 16 : index
      %get3A_1153 = tpu.vector_load %arg11[%get3A_1151, %get3A_1152] {strides = array<i32>} : memref<32x128xf32, #tpu.memory_space<vmem>>, vector<16xf32>,
      %swap3A_1154 = arith.constant 17 : i32
      %swap3A_1155 = arith.index_cast %swap3A_1154 : i32 to index
      %swap3A_1156 = arith.constant 80 : index
      %swap3A_1157 = tpu.vector_load %arg12[%swap3A_1155, %swap3A_1156] {strides = array<i32>} : memref<32x128xf32, #tpu.memory_space<vmem>>, vector<16xf32>,
      tpu.vector_store %arg12[%swap3A_1155, %swap3A_1156], %get3A_1153 {strides = array<i32>} : memref<32x128xf32, #tpu.memory_space<vmem>>, vector<16xf32>,
      %get3A_1158 = arith.constant 17 : i32
      %get3A_1159 = arith.index_cast %get3A_1158 : i32 to index
      %get3A_1160 = arith.constant 32 : index
      %get3A_1161 = tpu.vector_load %arg10[%get3A_1159, %get3A_1160] {strides = array<i32>} : memref<32x128xf32, #tpu.memory_space<vmem>>, vector<16xf32>,
      %swap3A_1162 = arith.constant 17 : i32
      %swap3A_1163 = arith.index_cast %swap3A_1162 : i32 to index
      %swap3A_1164 = arith.constant 32 : index
      %swap3A_1165 = tpu.vector_load %arg12[%swap3A_1163, %swap3A_1164] {strides = array<i32>} : memref<32x128xf32, #tpu.memory_space<vmem>>, vector<16xf32>,
      tpu.vector_store %arg12[%swap3A_1163, %swap3A_1164], %get3A_1161 {strides = array<i32>} : memref<32x128xf32, #tpu.memory_space<vmem>>, vector<16xf32>,
      %get3A_1166 = arith.constant 17 : i32
      %get3A_1167 = arith.index_cast %get3A_1166 : i32 to index
      %get3A_1168 = arith.constant 32 : index
      %get3A_1169 = tpu.vector_load %arg11[%get3A_1167, %get3A_1168] {strides = array<i32>} : memref<32x128xf32, #tpu.memory_space<vmem>>, vector<16xf32>,
      %swap3A_1170 = arith.constant 17 : i32
      %swap3A_1171 = arith.index_cast %swap3A_1170 : i32 to index
      %swap3A_1172 = arith.constant 96 : index
      %swap3A_1173 = tpu.vector_load %arg12[%swap3A_1171, %swap3A_1172] {strides = array<i32>} : memref<32x128xf32, #tpu.memory_space<vmem>>, vector<16xf32>,
      tpu.vector_store %arg12[%swap3A_1171, %swap3A_1172], %get3A_1169 {strides = array<i32>} : memref<32x128xf32, #tpu.memory_space<vmem>>, vector<16xf32>,
      %get3A_1174 = arith.constant 17 : i32
      %get3A_1175 = arith.index_cast %get3A_1174 : i32 to index
      %get3A_1176 = arith.constant 48 : index
      %get3A_1177 = tpu.vector_load %arg10[%get3A_1175, %get3A_1176] {strides = array<i32>} : memref<32x128xf32, #tpu.memory_space<vmem>>, vector<16xf32>,
      %swap3A_1178 = arith.constant 17 : i32
      %swap3A_1179 = arith.index_cast %swap3A_1178 : i32 to index
      %swap3A_1180 = arith.constant 48 : index
      %swap3A_1181 = tpu.vector_load %arg12[%swap3A_1179, %swap3A_1180] {strides = array<i32>} : memref<32x128xf32, #tpu.memory_space<vmem>>, vector<16xf32>,
      tpu.vector_store %arg12[%swap3A_1179, %swap3A_1180], %get3A_1177 {strides = array<i32>} : memref<32x128xf32, #tpu.memory_space<vmem>>, vector<16xf32>,
      %get3A_1182 = arith.constant 17 : i32
      %get3A_1183 = arith.index_cast %get3A_1182 : i32 to index
      %get3A_1184 = arith.constant 48 : index
      %get3A_1185 = tpu.vector_load %arg11[%get3A_1183, %get3A_1184] {strides = array<i32>} : memref<32x128xf32, #tpu.memory_space<vmem>>, vector<16xf32>,
      %swap3A_1186 = arith.constant 17 : i32
      %swap3A_1187 = arith.index_cast %swap3A_1186 : i32 to index
      %swap3A_1188 = arith.constant 112 : index
      %swap3A_1189 = tpu.vector_load %arg12[%swap3A_1187, %swap3A_1188] {strides = array<i32>} : memref<32x128xf32, #tpu.memory_space<vmem>>, vector<16xf32>,
      tpu.vector_store %arg12[%swap3A_1187, %swap3A_1188], %get3A_1185 {strides = array<i32>} : memref<32x128xf32, #tpu.memory_space<vmem>>, vector<16xf32>,
      %get3A_1190 = arith.constant 18 : i32
      %get3A_1191 = arith.index_cast %get3A_1190 : i32 to index
      %get3A_1192 = arith.constant 0 : index
      %get3A_1193 = tpu.vector_load %arg10[%get3A_1191, %get3A_1192] {strides = array<i32>} : memref<32x128xf32, #tpu.memory_space<vmem>>, vector<16xf32>,
      %swap3A_1194 = arith.constant 18 : i32
      %swap3A_1195 = arith.index_cast %swap3A_1194 : i32 to index
      %swap3A_1196 = arith.constant 0 : index
      %swap3A_1197 = tpu.vector_load %arg12[%swap3A_1195, %swap3A_1196] {strides = array<i32>} : memref<32x128xf32, #tpu.memory_space<vmem>>, vector<16xf32>,
      tpu.vector_store %arg12[%swap3A_1195, %swap3A_1196], %get3A_1193 {strides = array<i32>} : memref<32x128xf32, #tpu.memory_space<vmem>>, vector<16xf32>,
      %get3A_1198 = arith.constant 18 : i32
      %get3A_1199 = arith.index_cast %get3A_1198 : i32 to index
      %get3A_1200 = arith.constant 0 : index
      %get3A_1201 = tpu.vector_load %arg11[%get3A_1199, %get3A_1200] {strides = array<i32>} : memref<32x128xf32, #tpu.memory_space<vmem>>, vector<16xf32>,
      %swap3A_1202 = arith.constant 18 : i32
      %swap3A_1203 = arith.index_cast %swap3A_1202 : i32 to index
      %swap3A_1204 = arith.constant 64 : index
      %swap3A_1205 = tpu.vector_load %arg12[%swap3A_1203, %swap3A_1204] {strides = array<i32>} : memref<32x128xf32, #tpu.memory_space<vmem>>, vector<16xf32>,
      tpu.vector_store %arg12[%swap3A_1203, %swap3A_1204], %get3A_1201 {strides = array<i32>} : memref<32x128xf32, #tpu.memory_space<vmem>>, vector<16xf32>,
      %get3A_1206 = arith.constant 18 : i32
      %get3A_1207 = arith.index_cast %get3A_1206 : i32 to index
      %get3A_1208 = arith.constant 16 : index
      %get3A_1209 = tpu.vector_load %arg10[%get3A_1207, %get3A_1208] {strides = array<i32>} : memref<32x128xf32, #tpu.memory_space<vmem>>, vector<16xf32>,
      %swap3A_1210 = arith.constant 18 : i32
      %swap3A_1211 = arith.index_cast %swap3A_1210 : i32 to index
      %swap3A_1212 = arith.constant 16 : index
      %swap3A_1213 = tpu.vector_load %arg12[%swap3A_1211, %swap3A_1212] {strides = array<i32>} : memref<32x128xf32, #tpu.memory_space<vmem>>, vector<16xf32>,
      tpu.vector_store %arg12[%swap3A_1211, %swap3A_1212], %get3A_1209 {strides = array<i32>} : memref<32x128xf32, #tpu.memory_space<vmem>>, vector<16xf32>,
      %get3A_1214 = arith.constant 18 : i32
      %get3A_1215 = arith.index_cast %get3A_1214 : i32 to index
      %get3A_1216 = arith.constant 16 : index
      %get3A_1217 = tpu.vector_load %arg11[%get3A_1215, %get3A_1216] {strides = array<i32>} : memref<32x128xf32, #tpu.memory_space<vmem>>, vector<16xf32>,
      %swap3A_1218 = arith.constant 18 : i32
      %swap3A_1219 = arith.index_cast %swap3A_1218 : i32 to index
      %swap3A_1220 = arith.constant 80 : index
      %swap3A_1221 = tpu.vector_load %arg12[%swap3A_1219, %swap3A_1220] {strides = array<i32>} : memref<32x128xf32, #tpu.memory_space<vmem>>, vector<16xf32>,
      tpu.vector_store %arg12[%swap3A_1219, %swap3A_1220], %get3A_1217 {strides = array<i32>} : memref<32x128xf32, #tpu.memory_space<vmem>>, vector<16xf32>,
      %get3A_1222 = arith.constant 18 : i32
      %get3A_1223 = arith.index_cast %get3A_1222 : i32 to index
      %get3A_1224 = arith.constant 32 : index
      %get3A_1225 = tpu.vector_load %arg10[%get3A_1223, %get3A_1224] {strides = array<i32>} : memref<32x128xf32, #tpu.memory_space<vmem>>, vector<16xf32>,
      %swap3A_1226 = arith.constant 18 : i32
      %swap3A_1227 = arith.index_cast %swap3A_1226 : i32 to index
      %swap3A_1228 = arith.constant 32 : index
      %swap3A_1229 = tpu.vector_load %arg12[%swap3A_1227, %swap3A_1228] {strides = array<i32>} : memref<32x128xf32, #tpu.memory_space<vmem>>, vector<16xf32>,
      tpu.vector_store %arg12[%swap3A_1227, %swap3A_1228], %get3A_1225 {strides = array<i32>} : memref<32x128xf32, #tpu.memory_space<vmem>>, vector<16xf32>,
      %get3A_1230 = arith.constant 18 : i32
      %get3A_1231 = arith.index_cast %get3A_1230 : i32 to index
      %get3A_1232 = arith.constant 32 : index
      %get3A_1233 = tpu.vector_load %arg11[%get3A_1231, %get3A_1232] {strides = array<i32>} : memref<32x128xf32, #tpu.memory_space<vmem>>, vector<16xf32>,
      %swap3A_1234 = arith.constant 18 : i32
      %swap3A_1235 = arith.index_cast %swap3A_1234 : i32 to index
      %swap3A_1236 = arith.constant 96 : index
      %swap3A_1237 = tpu.vector_load %arg12[%swap3A_1235, %swap3A_1236] {strides = array<i32>} : memref<32x128xf32, #tpu.memory_space<vmem>>, vector<16xf32>,
      tpu.vector_store %arg12[%swap3A_1235, %swap3A_1236], %get3A_1233 {strides = array<i32>} : memref<32x128xf32, #tpu.memory_space<vmem>>, vector<16xf32>,
      %get3A_1238 = arith.constant 18 : i32
      %get3A_1239 = arith.index_cast %get3A_1238 : i32 to index
      %get3A_1240 = arith.constant 48 : index
      %get3A_1241 = tpu.vector_load %arg10[%get3A_1239, %get3A_1240] {strides = array<i32>} : memref<32x128xf32, #tpu.memory_space<vmem>>, vector<16xf32>,
      %swap3A_1242 = arith.constant 18 : i32
      %swap3A_1243 = arith.index_cast %swap3A_1242 : i32 to index
      %swap3A_1244 = arith.constant 48 : index
      %swap3A_1245 = tpu.vector_load %arg12[%swap3A_1243, %swap3A_1244] {strides = array<i32>} : memref<32x128xf32, #tpu.memory_space<vmem>>, vector<16xf32>,
      tpu.vector_store %arg12[%swap3A_1243, %swap3A_1244], %get3A_1241 {strides = array<i32>} : memref<32x128xf32, #tpu.memory_space<vmem>>, vector<16xf32>,
      %get3A_1246 = arith.constant 18 : i32
      %get3A_1247 = arith.index_cast %get3A_1246 : i32 to index
      %get3A_1248 = arith.constant 48 : index
      %get3A_1249 = tpu.vector_load %arg11[%get3A_1247, %get3A_1248] {strides = array<i32>} : memref<32x128xf32, #tpu.memory_space<vmem>>, vector<16xf32>,
      %swap3A_1250 = arith.constant 18 : i32
      %swap3A_1251 = arith.index_cast %swap3A_1250 : i32 to index
      %swap3A_1252 = arith.constant 112 : index
      %swap3A_1253 = tpu.vector_load %arg12[%swap3A_1251, %swap3A_1252] {strides = array<i32>} : memref<32x128xf32, #tpu.memory_space<vmem>>, vector<16xf32>,
      tpu.vector_store %arg12[%swap3A_1251, %swap3A_1252], %get3A_1249 {strides = array<i32>} : memref<32x128xf32, #tpu.memory_space<vmem>>, vector<16xf32>,
      %get3A_1254 = arith.constant 19 : i32
      %get3A_1255 = arith.index_cast %get3A_1254 : i32 to index
      %get3A_1256 = arith.constant 0 : index
      %get3A_1257 = tpu.vector_load %arg10[%get3A_1255, %get3A_1256] {strides = array<i32>} : memref<32x128xf32, #tpu.memory_space<vmem>>, vector<16xf32>,
      %swap3A_1258 = arith.constant 19 : i32
      %swap3A_1259 = arith.index_cast %swap3A_1258 : i32 to index
      %swap3A_1260 = arith.constant 0 : index
      %swap3A_1261 = tpu.vector_load %arg12[%swap3A_1259, %swap3A_1260] {strides = array<i32>} : memref<32x128xf32, #tpu.memory_space<vmem>>, vector<16xf32>,
      tpu.vector_store %arg12[%swap3A_1259, %swap3A_1260], %get3A_1257 {strides = array<i32>} : memref<32x128xf32, #tpu.memory_space<vmem>>, vector<16xf32>,
      %get3A_1262 = arith.constant 19 : i32
      %get3A_1263 = arith.index_cast %get3A_1262 : i32 to index
      %get3A_1264 = arith.constant 0 : index
      %get3A_1265 = tpu.vector_load %arg11[%get3A_1263, %get3A_1264] {strides = array<i32>} : memref<32x128xf32, #tpu.memory_space<vmem>>, vector<16xf32>,
      %swap3A_1266 = arith.constant 19 : i32
      %swap3A_1267 = arith.index_cast %swap3A_1266 : i32 to index
      %swap3A_1268 = arith.constant 64 : index
      %swap3A_1269 = tpu.vector_load %arg12[%swap3A_1267, %swap3A_1268] {strides = array<i32>} : memref<32x128xf32, #tpu.memory_space<vmem>>, vector<16xf32>,
      tpu.vector_store %arg12[%swap3A_1267, %swap3A_1268], %get3A_1265 {strides = array<i32>} : memref<32x128xf32, #tpu.memory_space<vmem>>, vector<16xf32>,
      %get3A_1270 = arith.constant 19 : i32
      %get3A_1271 = arith.index_cast %get3A_1270 : i32 to index
      %get3A_1272 = arith.constant 16 : index
      %get3A_1273 = tpu.vector_load %arg10[%get3A_1271, %get3A_1272] {strides = array<i32>} : memref<32x128xf32, #tpu.memory_space<vmem>>, vector<16xf32>,
      %swap3A_1274 = arith.constant 19 : i32
      %swap3A_1275 = arith.index_cast %swap3A_1274 : i32 to index
      %swap3A_1276 = arith.constant 16 : index
      %swap3A_1277 = tpu.vector_load %arg12[%swap3A_1275, %swap3A_1276] {strides = array<i32>} : memref<32x128xf32, #tpu.memory_space<vmem>>, vector<16xf32>,
      tpu.vector_store %arg12[%swap3A_1275, %swap3A_1276], %get3A_1273 {strides = array<i32>} : memref<32x128xf32, #tpu.memory_space<vmem>>, vector<16xf32>,
      %get3A_1278 = arith.constant 19 : i32
      %get3A_1279 = arith.index_cast %get3A_1278 : i32 to index
      %get3A_1280 = arith.constant 16 : index
      %get3A_1281 = tpu.vector_load %arg11[%get3A_1279, %get3A_1280] {strides = array<i32>} : memref<32x128xf32, #tpu.memory_space<vmem>>, vector<16xf32>,
      %swap3A_1282 = arith.constant 19 : i32
      %swap3A_1283 = arith.index_cast %swap3A_1282 : i32 to index
      %swap3A_1284 = arith.constant 80 : index
      %swap3A_1285 = tpu.vector_load %arg12[%swap3A_1283, %swap3A_1284] {strides = array<i32>} : memref<32x128xf32, #tpu.memory_space<vmem>>, vector<16xf32>,
      tpu.vector_store %arg12[%swap3A_1283, %swap3A_1284], %get3A_1281 {strides = array<i32>} : memref<32x128xf32, #tpu.memory_space<vmem>>, vector<16xf32>,
      %get3A_1286 = arith.constant 19 : i32
      %get3A_1287 = arith.index_cast %get3A_1286 : i32 to index
      %get3A_1288 = arith.constant 32 : index
      %get3A_1289 = tpu.vector_load %arg10[%get3A_1287, %get3A_1288] {strides = array<i32>} : memref<32x128xf32, #tpu.memory_space<vmem>>, vector<16xf32>,
      %swap3A_1290 = arith.constant 19 : i32
      %swap3A_1291 = arith.index_cast %swap3A_1290 : i32 to index
      %swap3A_1292 = arith.constant 32 : index
      %swap3A_1293 = tpu.vector_load %arg12[%swap3A_1291, %swap3A_1292] {strides = array<i32>} : memref<32x128xf32, #tpu.memory_space<vmem>>, vector<16xf32>,
      tpu.vector_store %arg12[%swap3A_1291, %swap3A_1292], %get3A_1289 {strides = array<i32>} : memref<32x128xf32, #tpu.memory_space<vmem>>, vector<16xf32>,
      %get3A_1294 = arith.constant 19 : i32
      %get3A_1295 = arith.index_cast %get3A_1294 : i32 to index
      %get3A_1296 = arith.constant 32 : index
      %get3A_1297 = tpu.vector_load %arg11[%get3A_1295, %get3A_1296] {strides = array<i32>} : memref<32x128xf32, #tpu.memory_space<vmem>>, vector<16xf32>,
      %swap3A_1298 = arith.constant 19 : i32
      %swap3A_1299 = arith.index_cast %swap3A_1298 : i32 to index
      %swap3A_1300 = arith.constant 96 : index
      %swap3A_1301 = tpu.vector_load %arg12[%swap3A_1299, %swap3A_1300] {strides = array<i32>} : memref<32x128xf32, #tpu.memory_space<vmem>>, vector<16xf32>,
      tpu.vector_store %arg12[%swap3A_1299, %swap3A_1300], %get3A_1297 {strides = array<i32>} : memref<32x128xf32, #tpu.memory_space<vmem>>, vector<16xf32>,
      %get3A_1302 = arith.constant 19 : i32
      %get3A_1303 = arith.index_cast %get3A_1302 : i32 to index
      %get3A_1304 = arith.constant 48 : index
      %get3A_1305 = tpu.vector_load %arg10[%get3A_1303, %get3A_1304] {strides = array<i32>} : memref<32x128xf32, #tpu.memory_space<vmem>>, vector<16xf32>,
      %swap3A_1306 = arith.constant 19 : i32
      %swap3A_1307 = arith.index_cast %swap3A_1306 : i32 to index
      %swap3A_1308 = arith.constant 48 : index
      %swap3A_1309 = tpu.vector_load %arg12[%swap3A_1307, %swap3A_1308] {strides = array<i32>} : memref<32x128xf32, #tpu.memory_space<vmem>>, vector<16xf32>,
      tpu.vector_store %arg12[%swap3A_1307, %swap3A_1308], %get3A_1305 {strides = array<i32>} : memref<32x128xf32, #tpu.memory_space<vmem>>, vector<16xf32>,
      %get3A_1310 = arith.constant 19 : i32
      %get3A_1311 = arith.index_cast %get3A_1310 : i32 to index
      %get3A_1312 = arith.constant 48 : index
      %get3A_1313 = tpu.vector_load %arg11[%get3A_1311, %get3A_1312] {strides = array<i32>} : memref<32x128xf32, #tpu.memory_space<vmem>>, vector<16xf32>,
      %swap3A_1314 = arith.constant 19 : i32
      %swap3A_1315 = arith.index_cast %swap3A_1314 : i32 to index
      %swap3A_1316 = arith.constant 112 : index
      %swap3A_1317 = tpu.vector_load %arg12[%swap3A_1315, %swap3A_1316] {strides = array<i32>} : memref<32x128xf32, #tpu.memory_space<vmem>>, vector<16xf32>,
      tpu.vector_store %arg12[%swap3A_1315, %swap3A_1316], %get3A_1313 {strides = array<i32>} : memref<32x128xf32, #tpu.memory_space<vmem>>, vector<16xf32>,
      %get3A_1318 = arith.constant 20 : i32
      %get3A_1319 = arith.index_cast %get3A_1318 : i32 to index
      %get3A_1320 = arith.constant 0 : index
      %get3A_1321 = tpu.vector_load %arg10[%get3A_1319, %get3A_1320] {strides = array<i32>} : memref<32x128xf32, #tpu.memory_space<vmem>>, vector<16xf32>,
      %swap3A_1322 = arith.constant 20 : i32
      %swap3A_1323 = arith.index_cast %swap3A_1322 : i32 to index
      %swap3A_1324 = arith.constant 0 : index
      %swap3A_1325 = tpu.vector_load %arg12[%swap3A_1323, %swap3A_1324] {strides = array<i32>} : memref<32x128xf32, #tpu.memory_space<vmem>>, vector<16xf32>,
      tpu.vector_store %arg12[%swap3A_1323, %swap3A_1324], %get3A_1321 {strides = array<i32>} : memref<32x128xf32, #tpu.memory_space<vmem>>, vector<16xf32>,
      %get3A_1326 = arith.constant 20 : i32
      %get3A_1327 = arith.index_cast %get3A_1326 : i32 to index
      %get3A_1328 = arith.constant 0 : index
      %get3A_1329 = tpu.vector_load %arg11[%get3A_1327, %get3A_1328] {strides = array<i32>} : memref<32x128xf32, #tpu.memory_space<vmem>>, vector<16xf32>,
      %swap3A_1330 = arith.constant 20 : i32
      %swap3A_1331 = arith.index_cast %swap3A_1330 : i32 to index
      %swap3A_1332 = arith.constant 64 : index
      %swap3A_1333 = tpu.vector_load %arg12[%swap3A_1331, %swap3A_1332] {strides = array<i32>} : memref<32x128xf32, #tpu.memory_space<vmem>>, vector<16xf32>,
      tpu.vector_store %arg12[%swap3A_1331, %swap3A_1332], %get3A_1329 {strides = array<i32>} : memref<32x128xf32, #tpu.memory_space<vmem>>, vector<16xf32>,
      %get3A_1334 = arith.constant 20 : i32
      %get3A_1335 = arith.index_cast %get3A_1334 : i32 to index
      %get3A_1336 = arith.constant 16 : index
      %get3A_1337 = tpu.vector_load %arg10[%get3A_1335, %get3A_1336] {strides = array<i32>} : memref<32x128xf32, #tpu.memory_space<vmem>>, vector<16xf32>,
      %swap3A_1338 = arith.constant 20 : i32
      %swap3A_1339 = arith.index_cast %swap3A_1338 : i32 to index
      %swap3A_1340 = arith.constant 16 : index
      %swap3A_1341 = tpu.vector_load %arg12[%swap3A_1339, %swap3A_1340] {strides = array<i32>} : memref<32x128xf32, #tpu.memory_space<vmem>>, vector<16xf32>,
      tpu.vector_store %arg12[%swap3A_1339, %swap3A_1340], %get3A_1337 {strides = array<i32>} : memref<32x128xf32, #tpu.memory_space<vmem>>, vector<16xf32>,
      %get3A_1342 = arith.constant 20 : i32
      %get3A_1343 = arith.index_cast %get3A_1342 : i32 to index
      %get3A_1344 = arith.constant 16 : index
      %get3A_1345 = tpu.vector_load %arg11[%get3A_1343, %get3A_1344] {strides = array<i32>} : memref<32x128xf32, #tpu.memory_space<vmem>>, vector<16xf32>,
      %swap3A_1346 = arith.constant 20 : i32
      %swap3A_1347 = arith.index_cast %swap3A_1346 : i32 to index
      %swap3A_1348 = arith.constant 80 : index
      %swap3A_1349 = tpu.vector_load %arg12[%swap3A_1347, %swap3A_1348] {strides = array<i32>} : memref<32x128xf32, #tpu.memory_space<vmem>>, vector<16xf32>,
      tpu.vector_store %arg12[%swap3A_1347, %swap3A_1348], %get3A_1345 {strides = array<i32>} : memref<32x128xf32, #tpu.memory_space<vmem>>, vector<16xf32>,
      %get3A_1350 = arith.constant 20 : i32
      %get3A_1351 = arith.index_cast %get3A_1350 : i32 to index
      %get3A_1352 = arith.constant 32 : index
      %get3A_1353 = tpu.vector_load %arg10[%get3A_1351, %get3A_1352] {strides = array<i32>} : memref<32x128xf32, #tpu.memory_space<vmem>>, vector<16xf32>,
      %swap3A_1354 = arith.constant 20 : i32
      %swap3A_1355 = arith.index_cast %swap3A_1354 : i32 to index
      %swap3A_1356 = arith.constant 32 : index
      %swap3A_1357 = tpu.vector_load %arg12[%swap3A_1355, %swap3A_1356] {strides = array<i32>} : memref<32x128xf32, #tpu.memory_space<vmem>>, vector<16xf32>,
      tpu.vector_store %arg12[%swap3A_1355, %swap3A_1356], %get3A_1353 {strides = array<i32>} : memref<32x128xf32, #tpu.memory_space<vmem>>, vector<16xf32>,
      %get3A_1358 = arith.constant 20 : i32
      %get3A_1359 = arith.index_cast %get3A_1358 : i32 to index
      %get3A_1360 = arith.constant 32 : index
      %get3A_1361 = tpu.vector_load %arg11[%get3A_1359, %get3A_1360] {strides = array<i32>} : memref<32x128xf32, #tpu.memory_space<vmem>>, vector<16xf32>,
      %swap3A_1362 = arith.constant 20 : i32
      %swap3A_1363 = arith.index_cast %swap3A_1362 : i32 to index
      %swap3A_1364 = arith.constant 96 : index
      %swap3A_1365 = tpu.vector_load %arg12[%swap3A_1363, %swap3A_1364] {strides = array<i32>} : memref<32x128xf32, #tpu.memory_space<vmem>>, vector<16xf32>,
      tpu.vector_store %arg12[%swap3A_1363, %swap3A_1364], %get3A_1361 {strides = array<i32>} : memref<32x128xf32, #tpu.memory_space<vmem>>, vector<16xf32>,
      %get3A_1366 = arith.constant 20 : i32
      %get3A_1367 = arith.index_cast %get3A_1366 : i32 to index
      %get3A_1368 = arith.constant 48 : index
      %get3A_1369 = tpu.vector_load %arg10[%get3A_1367, %get3A_1368] {strides = array<i32>} : memref<32x128xf32, #tpu.memory_space<vmem>>, vector<16xf32>,
      %swap3A_1370 = arith.constant 20 : i32
      %swap3A_1371 = arith.index_cast %swap3A_1370 : i32 to index
      %swap3A_1372 = arith.constant 48 : index
      %swap3A_1373 = tpu.vector_load %arg12[%swap3A_1371, %swap3A_1372] {strides = array<i32>} : memref<32x128xf32, #tpu.memory_space<vmem>>, vector<16xf32>,
      tpu.vector_store %arg12[%swap3A_1371, %swap3A_1372], %get3A_1369 {strides = array<i32>} : memref<32x128xf32, #tpu.memory_space<vmem>>, vector<16xf32>,
      %get3A_1374 = arith.constant 20 : i32
      %get3A_1375 = arith.index_cast %get3A_1374 : i32 to index
      %get3A_1376 = arith.constant 48 : index
      %get3A_1377 = tpu.vector_load %arg11[%get3A_1375, %get3A_1376] {strides = array<i32>} : memref<32x128xf32, #tpu.memory_space<vmem>>, vector<16xf32>,
      %swap3A_1378 = arith.constant 20 : i32
      %swap3A_1379 = arith.index_cast %swap3A_1378 : i32 to index
      %swap3A_1380 = arith.constant 112 : index
      %swap3A_1381 = tpu.vector_load %arg12[%swap3A_1379, %swap3A_1380] {strides = array<i32>} : memref<32x128xf32, #tpu.memory_space<vmem>>, vector<16xf32>,
      tpu.vector_store %arg12[%swap3A_1379, %swap3A_1380], %get3A_1377 {strides = array<i32>} : memref<32x128xf32, #tpu.memory_space<vmem>>, vector<16xf32>,
      %get3A_1382 = arith.constant 21 : i32
      %get3A_1383 = arith.index_cast %get3A_1382 : i32 to index
      %get3A_1384 = arith.constant 0 : index
      %get3A_1385 = tpu.vector_load %arg10[%get3A_1383, %get3A_1384] {strides = array<i32>} : memref<32x128xf32, #tpu.memory_space<vmem>>, vector<16xf32>,
      %swap3A_1386 = arith.constant 21 : i32
      %swap3A_1387 = arith.index_cast %swap3A_1386 : i32 to index
      %swap3A_1388 = arith.constant 0 : index
      %swap3A_1389 = tpu.vector_load %arg12[%swap3A_1387, %swap3A_1388] {strides = array<i32>} : memref<32x128xf32, #tpu.memory_space<vmem>>, vector<16xf32>,
      tpu.vector_store %arg12[%swap3A_1387, %swap3A_1388], %get3A_1385 {strides = array<i32>} : memref<32x128xf32, #tpu.memory_space<vmem>>, vector<16xf32>,
      %get3A_1390 = arith.constant 21 : i32
      %get3A_1391 = arith.index_cast %get3A_1390 : i32 to index
      %get3A_1392 = arith.constant 0 : index
      %get3A_1393 = tpu.vector_load %arg11[%get3A_1391, %get3A_1392] {strides = array<i32>} : memref<32x128xf32, #tpu.memory_space<vmem>>, vector<16xf32>,
      %swap3A_1394 = arith.constant 21 : i32
      %swap3A_1395 = arith.index_cast %swap3A_1394 : i32 to index
      %swap3A_1396 = arith.constant 64 : index
      %swap3A_1397 = tpu.vector_load %arg12[%swap3A_1395, %swap3A_1396] {strides = array<i32>} : memref<32x128xf32, #tpu.memory_space<vmem>>, vector<16xf32>,
      tpu.vector_store %arg12[%swap3A_1395, %swap3A_1396], %get3A_1393 {strides = array<i32>} : memref<32x128xf32, #tpu.memory_space<vmem>>, vector<16xf32>,
      %get3A_1398 = arith.constant 21 : i32
      %get3A_1399 = arith.index_cast %get3A_1398 : i32 to index
      %get3A_1400 = arith.constant 16 : index
      %get3A_1401 = tpu.vector_load %arg10[%get3A_1399, %get3A_1400] {strides = array<i32>} : memref<32x128xf32, #tpu.memory_space<vmem>>, vector<16xf32>,
      %swap3A_1402 = arith.constant 21 : i32
      %swap3A_1403 = arith.index_cast %swap3A_1402 : i32 to index
      %swap3A_1404 = arith.constant 16 : index
      %swap3A_1405 = tpu.vector_load %arg12[%swap3A_1403, %swap3A_1404] {strides = array<i32>} : memref<32x128xf32, #tpu.memory_space<vmem>>, vector<16xf32>,
      tpu.vector_store %arg12[%swap3A_1403, %swap3A_1404], %get3A_1401 {strides = array<i32>} : memref<32x128xf32, #tpu.memory_space<vmem>>, vector<16xf32>,
      %get3A_1406 = arith.constant 21 : i32
      %get3A_1407 = arith.index_cast %get3A_1406 : i32 to index
      %get3A_1408 = arith.constant 16 : index
      %get3A_1409 = tpu.vector_load %arg11[%get3A_1407, %get3A_1408] {strides = array<i32>} : memref<32x128xf32, #tpu.memory_space<vmem>>, vector<16xf32>,
      %swap3A_1410 = arith.constant 21 : i32
      %swap3A_1411 = arith.index_cast %swap3A_1410 : i32 to index
      %swap3A_1412 = arith.constant 80 : index
      %swap3A_1413 = tpu.vector_load %arg12[%swap3A_1411, %swap3A_1412] {strides = array<i32>} : memref<32x128xf32, #tpu.memory_space<vmem>>, vector<16xf32>,
      tpu.vector_store %arg12[%swap3A_1411, %swap3A_1412], %get3A_1409 {strides = array<i32>} : memref<32x128xf32, #tpu.memory_space<vmem>>, vector<16xf32>,
      %get3A_1414 = arith.constant 21 : i32
      %get3A_1415 = arith.index_cast %get3A_1414 : i32 to index
      %get3A_1416 = arith.constant 32 : index
      %get3A_1417 = tpu.vector_load %arg10[%get3A_1415, %get3A_1416] {strides = array<i32>} : memref<32x128xf32, #tpu.memory_space<vmem>>, vector<16xf32>,
      %swap3A_1418 = arith.constant 21 : i32
      %swap3A_1419 = arith.index_cast %swap3A_1418 : i32 to index
      %swap3A_1420 = arith.constant 32 : index
      %swap3A_1421 = tpu.vector_load %arg12[%swap3A_1419, %swap3A_1420] {strides = array<i32>} : memref<32x128xf32, #tpu.memory_space<vmem>>, vector<16xf32>,
      tpu.vector_store %arg12[%swap3A_1419, %swap3A_1420], %get3A_1417 {strides = array<i32>} : memref<32x128xf32, #tpu.memory_space<vmem>>, vector<16xf32>,
      %get3A_1422 = arith.constant 21 : i32
      %get3A_1423 = arith.index_cast %get3A_1422 : i32 to index
      %get3A_1424 = arith.constant 32 : index
      %get3A_1425 = tpu.vector_load %arg11[%get3A_1423, %get3A_1424] {strides = array<i32>} : memref<32x128xf32, #tpu.memory_space<vmem>>, vector<16xf32>,
      %swap3A_1426 = arith.constant 21 : i32
      %swap3A_1427 = arith.index_cast %swap3A_1426 : i32 to index
      %swap3A_1428 = arith.constant 96 : index
      %swap3A_1429 = tpu.vector_load %arg12[%swap3A_1427, %swap3A_1428] {strides = array<i32>} : memref<32x128xf32, #tpu.memory_space<vmem>>, vector<16xf32>,
      tpu.vector_store %arg12[%swap3A_1427, %swap3A_1428], %get3A_1425 {strides = array<i32>} : memref<32x128xf32, #tpu.memory_space<vmem>>, vector<16xf32>,
      %get3A_1430 = arith.constant 21 : i32
      %get3A_1431 = arith.index_cast %get3A_1430 : i32 to index
      %get3A_1432 = arith.constant 48 : index
      %get3A_1433 = tpu.vector_load %arg10[%get3A_1431, %get3A_1432] {strides = array<i32>} : memref<32x128xf32, #tpu.memory_space<vmem>>, vector<16xf32>,
      %swap3A_1434 = arith.constant 21 : i32
      %swap3A_1435 = arith.index_cast %swap3A_1434 : i32 to index
      %swap3A_1436 = arith.constant 48 : index
      %swap3A_1437 = tpu.vector_load %arg12[%swap3A_1435, %swap3A_1436] {strides = array<i32>} : memref<32x128xf32, #tpu.memory_space<vmem>>, vector<16xf32>,
      tpu.vector_store %arg12[%swap3A_1435, %swap3A_1436], %get3A_1433 {strides = array<i32>} : memref<32x128xf32, #tpu.memory_space<vmem>>, vector<16xf32>,
      %get3A_1438 = arith.constant 21 : i32
      %get3A_1439 = arith.index_cast %get3A_1438 : i32 to index
      %get3A_1440 = arith.constant 48 : index
      %get3A_1441 = tpu.vector_load %arg11[%get3A_1439, %get3A_1440] {strides = array<i32>} : memref<32x128xf32, #tpu.memory_space<vmem>>, vector<16xf32>,
      %swap3A_1442 = arith.constant 21 : i32
      %swap3A_1443 = arith.index_cast %swap3A_1442 : i32 to index
      %swap3A_1444 = arith.constant 112 : index
      %swap3A_1445 = tpu.vector_load %arg12[%swap3A_1443, %swap3A_1444] {strides = array<i32>} : memref<32x128xf32, #tpu.memory_space<vmem>>, vector<16xf32>,
      tpu.vector_store %arg12[%swap3A_1443, %swap3A_1444], %get3A_1441 {strides = array<i32>} : memref<32x128xf32, #tpu.memory_space<vmem>>, vector<16xf32>,
      %get3A_1446 = arith.constant 22 : i32
      %get3A_1447 = arith.index_cast %get3A_1446 : i32 to index
      %get3A_1448 = arith.constant 0 : index
      %get3A_1449 = tpu.vector_load %arg10[%get3A_1447, %get3A_1448] {strides = array<i32>} : memref<32x128xf32, #tpu.memory_space<vmem>>, vector<16xf32>,
      %swap3A_1450 = arith.constant 22 : i32
      %swap3A_1451 = arith.index_cast %swap3A_1450 : i32 to index
      %swap3A_1452 = arith.constant 0 : index
      %swap3A_1453 = tpu.vector_load %arg12[%swap3A_1451, %swap3A_1452] {strides = array<i32>} : memref<32x128xf32, #tpu.memory_space<vmem>>, vector<16xf32>,
      tpu.vector_store %arg12[%swap3A_1451, %swap3A_1452], %get3A_1449 {strides = array<i32>} : memref<32x128xf32, #tpu.memory_space<vmem>>, vector<16xf32>,
      %get3A_1454 = arith.constant 22 : i32
      %get3A_1455 = arith.index_cast %get3A_1454 : i32 to index
      %get3A_1456 = arith.constant 0 : index
      %get3A_1457 = tpu.vector_load %arg11[%get3A_1455, %get3A_1456] {strides = array<i32>} : memref<32x128xf32, #tpu.memory_space<vmem>>, vector<16xf32>,
      %swap3A_1458 = arith.constant 22 : i32
      %swap3A_1459 = arith.index_cast %swap3A_1458 : i32 to index
      %swap3A_1460 = arith.constant 64 : index
      %swap3A_1461 = tpu.vector_load %arg12[%swap3A_1459, %swap3A_1460] {strides = array<i32>} : memref<32x128xf32, #tpu.memory_space<vmem>>, vector<16xf32>,
      tpu.vector_store %arg12[%swap3A_1459, %swap3A_1460], %get3A_1457 {strides = array<i32>} : memref<32x128xf32, #tpu.memory_space<vmem>>, vector<16xf32>,
      %get3A_1462 = arith.constant 22 : i32
      %get3A_1463 = arith.index_cast %get3A_1462 : i32 to index
      %get3A_1464 = arith.constant 16 : index
      %get3A_1465 = tpu.vector_load %arg10[%get3A_1463, %get3A_1464] {strides = array<i32>} : memref<32x128xf32, #tpu.memory_space<vmem>>, vector<16xf32>,
      %swap3A_1466 = arith.constant 22 : i32
      %swap3A_1467 = arith.index_cast %swap3A_1466 : i32 to index
      %swap3A_1468 = arith.constant 16 : index
      %swap3A_1469 = tpu.vector_load %arg12[%swap3A_1467, %swap3A_1468] {strides = array<i32>} : memref<32x128xf32, #tpu.memory_space<vmem>>, vector<16xf32>,
      tpu.vector_store %arg12[%swap3A_1467, %swap3A_1468], %get3A_1465 {strides = array<i32>} : memref<32x128xf32, #tpu.memory_space<vmem>>, vector<16xf32>,
      %get3A_1470 = arith.constant 22 : i32
      %get3A_1471 = arith.index_cast %get3A_1470 : i32 to index
      %get3A_1472 = arith.constant 16 : index
      %get3A_1473 = tpu.vector_load %arg11[%get3A_1471, %get3A_1472] {strides = array<i32>} : memref<32x128xf32, #tpu.memory_space<vmem>>, vector<16xf32>,
      %swap3A_1474 = arith.constant 22 : i32
      %swap3A_1475 = arith.index_cast %swap3A_1474 : i32 to index
      %swap3A_1476 = arith.constant 80 : index
      %swap3A_1477 = tpu.vector_load %arg12[%swap3A_1475, %swap3A_1476] {strides = array<i32>} : memref<32x128xf32, #tpu.memory_space<vmem>>, vector<16xf32>,
      tpu.vector_store %arg12[%swap3A_1475, %swap3A_1476], %get3A_1473 {strides = array<i32>} : memref<32x128xf32, #tpu.memory_space<vmem>>, vector<16xf32>,
      %get3A_1478 = arith.constant 22 : i32
      %get3A_1479 = arith.index_cast %get3A_1478 : i32 to index
      %get3A_1480 = arith.constant 32 : index
      %get3A_1481 = tpu.vector_load %arg10[%get3A_1479, %get3A_1480] {strides = array<i32>} : memref<32x128xf32, #tpu.memory_space<vmem>>, vector<16xf32>,
      %swap3A_1482 = arith.constant 22 : i32
      %swap3A_1483 = arith.index_cast %swap3A_1482 : i32 to index
      %swap3A_1484 = arith.constant 32 : index
      %swap3A_1485 = tpu.vector_load %arg12[%swap3A_1483, %swap3A_1484] {strides = array<i32>} : memref<32x128xf32, #tpu.memory_space<vmem>>, vector<16xf32>,
      tpu.vector_store %arg12[%swap3A_1483, %swap3A_1484], %get3A_1481 {strides = array<i32>} : memref<32x128xf32, #tpu.memory_space<vmem>>, vector<16xf32>,
      %get3A_1486 = arith.constant 22 : i32
      %get3A_1487 = arith.index_cast %get3A_1486 : i32 to index
      %get3A_1488 = arith.constant 32 : index
      %get3A_1489 = tpu.vector_load %arg11[%get3A_1487, %get3A_1488] {strides = array<i32>} : memref<32x128xf32, #tpu.memory_space<vmem>>, vector<16xf32>,
      %swap3A_1490 = arith.constant 22 : i32
      %swap3A_1491 = arith.index_cast %swap3A_1490 : i32 to index
      %swap3A_1492 = arith.constant 96 : index
      %swap3A_1493 = tpu.vector_load %arg12[%swap3A_1491, %swap3A_1492] {strides = array<i32>} : memref<32x128xf32, #tpu.memory_space<vmem>>, vector<16xf32>,
      tpu.vector_store %arg12[%swap3A_1491, %swap3A_1492], %get3A_1489 {strides = array<i32>} : memref<32x128xf32, #tpu.memory_space<vmem>>, vector<16xf32>,
      %get3A_1494 = arith.constant 22 : i32
      %get3A_1495 = arith.index_cast %get3A_1494 : i32 to index
      %get3A_1496 = arith.constant 48 : index
      %get3A_1497 = tpu.vector_load %arg10[%get3A_1495, %get3A_1496] {strides = array<i32>} : memref<32x128xf32, #tpu.memory_space<vmem>>, vector<16xf32>,
      %swap3A_1498 = arith.constant 22 : i32
      %swap3A_1499 = arith.index_cast %swap3A_1498 : i32 to index
      %swap3A_1500 = arith.constant 48 : index
      %swap3A_1501 = tpu.vector_load %arg12[%swap3A_1499, %swap3A_1500] {strides = array<i32>} : memref<32x128xf32, #tpu.memory_space<vmem>>, vector<16xf32>,
      tpu.vector_store %arg12[%swap3A_1499, %swap3A_1500], %get3A_1497 {strides = array<i32>} : memref<32x128xf32, #tpu.memory_space<vmem>>, vector<16xf32>,
      %get3A_1502 = arith.constant 22 : i32
      %get3A_1503 = arith.index_cast %get3A_1502 : i32 to index
      %get3A_1504 = arith.constant 48 : index
      %get3A_1505 = tpu.vector_load %arg11[%get3A_1503, %get3A_1504] {strides = array<i32>} : memref<32x128xf32, #tpu.memory_space<vmem>>, vector<16xf32>,
      %swap3A_1506 = arith.constant 22 : i32
      %swap3A_1507 = arith.index_cast %swap3A_1506 : i32 to index
      %swap3A_1508 = arith.constant 112 : index
      %swap3A_1509 = tpu.vector_load %arg12[%swap3A_1507, %swap3A_1508] {strides = array<i32>} : memref<32x128xf32, #tpu.memory_space<vmem>>, vector<16xf32>,
      tpu.vector_store %arg12[%swap3A_1507, %swap3A_1508], %get3A_1505 {strides = array<i32>} : memref<32x128xf32, #tpu.memory_space<vmem>>, vector<16xf32>,
      %get3A_1510 = arith.constant 23 : i32
      %get3A_1511 = arith.index_cast %get3A_1510 : i32 to index
      %get3A_1512 = arith.constant 0 : index
      %get3A_1513 = tpu.vector_load %arg10[%get3A_1511, %get3A_1512] {strides = array<i32>} : memref<32x128xf32, #tpu.memory_space<vmem>>, vector<16xf32>,
      %swap3A_1514 = arith.constant 23 : i32
      %swap3A_1515 = arith.index_cast %swap3A_1514 : i32 to index
      %swap3A_1516 = arith.constant 0 : index
      %swap3A_1517 = tpu.vector_load %arg12[%swap3A_1515, %swap3A_1516] {strides = array<i32>} : memref<32x128xf32, #tpu.memory_space<vmem>>, vector<16xf32>,
      tpu.vector_store %arg12[%swap3A_1515, %swap3A_1516], %get3A_1513 {strides = array<i32>} : memref<32x128xf32, #tpu.memory_space<vmem>>, vector<16xf32>,
      %get3A_1518 = arith.constant 23 : i32
      %get3A_1519 = arith.index_cast %get3A_1518 : i32 to index
      %get3A_1520 = arith.constant 0 : index
      %get3A_1521 = tpu.vector_load %arg11[%get3A_1519, %get3A_1520] {strides = array<i32>} : memref<32x128xf32, #tpu.memory_space<vmem>>, vector<16xf32>,
      %swap3A_1522 = arith.constant 23 : i32
      %swap3A_1523 = arith.index_cast %swap3A_1522 : i32 to index
      %swap3A_1524 = arith.constant 64 : index
      %swap3A_1525 = tpu.vector_load %arg12[%swap3A_1523, %swap3A_1524] {strides = array<i32>} : memref<32x128xf32, #tpu.memory_space<vmem>>, vector<16xf32>,
      tpu.vector_store %arg12[%swap3A_1523, %swap3A_1524], %get3A_1521 {strides = array<i32>} : memref<32x128xf32, #tpu.memory_space<vmem>>, vector<16xf32>,
      %get3A_1526 = arith.constant 23 : i32
      %get3A_1527 = arith.index_cast %get3A_1526 : i32 to index
      %get3A_1528 = arith.constant 16 : index
      %get3A_1529 = tpu.vector_load %arg10[%get3A_1527, %get3A_1528] {strides = array<i32>} : memref<32x128xf32, #tpu.memory_space<vmem>>, vector<16xf32>,
      %swap3A_1530 = arith.constant 23 : i32
      %swap3A_1531 = arith.index_cast %swap3A_1530 : i32 to index
      %swap3A_1532 = arith.constant 16 : index
      %swap3A_1533 = tpu.vector_load %arg12[%swap3A_1531, %swap3A_1532] {strides = array<i32>} : memref<32x128xf32, #tpu.memory_space<vmem>>, vector<16xf32>,
      tpu.vector_store %arg12[%swap3A_1531, %swap3A_1532], %get3A_1529 {strides = array<i32>} : memref<32x128xf32, #tpu.memory_space<vmem>>, vector<16xf32>,
      %get3A_1534 = arith.constant 23 : i32
      %get3A_1535 = arith.index_cast %get3A_1534 : i32 to index
      %get3A_1536 = arith.constant 16 : index
      %get3A_1537 = tpu.vector_load %arg11[%get3A_1535, %get3A_1536] {strides = array<i32>} : memref<32x128xf32, #tpu.memory_space<vmem>>, vector<16xf32>,
      %swap3A_1538 = arith.constant 23 : i32
      %swap3A_1539 = arith.index_cast %swap3A_1538 : i32 to index
      %swap3A_1540 = arith.constant 80 : index
      %swap3A_1541 = tpu.vector_load %arg12[%swap3A_1539, %swap3A_1540] {strides = array<i32>} : memref<32x128xf32, #tpu.memory_space<vmem>>, vector<16xf32>,
      tpu.vector_store %arg12[%swap3A_1539, %swap3A_1540], %get3A_1537 {strides = array<i32>} : memref<32x128xf32, #tpu.memory_space<vmem>>, vector<16xf32>,
      %get3A_1542 = arith.constant 23 : i32
      %get3A_1543 = arith.index_cast %get3A_1542 : i32 to index
      %get3A_1544 = arith.constant 32 : index
      %get3A_1545 = tpu.vector_load %arg10[%get3A_1543, %get3A_1544] {strides = array<i32>} : memref<32x128xf32, #tpu.memory_space<vmem>>, vector<16xf32>,
      %swap3A_1546 = arith.constant 23 : i32
      %swap3A_1547 = arith.index_cast %swap3A_1546 : i32 to index
      %swap3A_1548 = arith.constant 32 : index
      %swap3A_1549 = tpu.vector_load %arg12[%swap3A_1547, %swap3A_1548] {strides = array<i32>} : memref<32x128xf32, #tpu.memory_space<vmem>>, vector<16xf32>,
      tpu.vector_store %arg12[%swap3A_1547, %swap3A_1548], %get3A_1545 {strides = array<i32>} : memref<32x128xf32, #tpu.memory_space<vmem>>, vector<16xf32>,
      %get3A_1550 = arith.constant 23 : i32
      %get3A_1551 = arith.index_cast %get3A_1550 : i32 to index
      %get3A_1552 = arith.constant 32 : index
      %get3A_1553 = tpu.vector_load %arg11[%get3A_1551, %get3A_1552] {strides = array<i32>} : memref<32x128xf32, #tpu.memory_space<vmem>>, vector<16xf32>,
      %swap3A_1554 = arith.constant 23 : i32
      %swap3A_1555 = arith.index_cast %swap3A_1554 : i32 to index
      %swap3A_1556 = arith.constant 96 : index
      %swap3A_1557 = tpu.vector_load %arg12[%swap3A_1555, %swap3A_1556] {strides = array<i32>} : memref<32x128xf32, #tpu.memory_space<vmem>>, vector<16xf32>,
      tpu.vector_store %arg12[%swap3A_1555, %swap3A_1556], %get3A_1553 {strides = array<i32>} : memref<32x128xf32, #tpu.memory_space<vmem>>, vector<16xf32>,
      %get3A_1558 = arith.constant 23 : i32
      %get3A_1559 = arith.index_cast %get3A_1558 : i32 to index
      %get3A_1560 = arith.constant 48 : index
      %get3A_1561 = tpu.vector_load %arg10[%get3A_1559, %get3A_1560] {strides = array<i32>} : memref<32x128xf32, #tpu.memory_space<vmem>>, vector<16xf32>,
      %swap3A_1562 = arith.constant 23 : i32
      %swap3A_1563 = arith.index_cast %swap3A_1562 : i32 to index
      %swap3A_1564 = arith.constant 48 : index
      %swap3A_1565 = tpu.vector_load %arg12[%swap3A_1563, %swap3A_1564] {strides = array<i32>} : memref<32x128xf32, #tpu.memory_space<vmem>>, vector<16xf32>,
      tpu.vector_store %arg12[%swap3A_1563, %swap3A_1564], %get3A_1561 {strides = array<i32>} : memref<32x128xf32, #tpu.memory_space<vmem>>, vector<16xf32>,
      %get3A_1566 = arith.constant 23 : i32
      %get3A_1567 = arith.index_cast %get3A_1566 : i32 to index
      %get3A_1568 = arith.constant 48 : index
      %get3A_1569 = tpu.vector_load %arg11[%get3A_1567, %get3A_1568] {strides = array<i32>} : memref<32x128xf32, #tpu.memory_space<vmem>>, vector<16xf32>,
      %swap3A_1570 = arith.constant 23 : i32
      %swap3A_1571 = arith.index_cast %swap3A_1570 : i32 to index
      %swap3A_1572 = arith.constant 112 : index
      %swap3A_1573 = tpu.vector_load %arg12[%swap3A_1571, %swap3A_1572] {strides = array<i32>} : memref<32x128xf32, #tpu.memory_space<vmem>>, vector<16xf32>,
      tpu.vector_store %arg12[%swap3A_1571, %swap3A_1572], %get3A_1569 {strides = array<i32>} : memref<32x128xf32, #tpu.memory_space<vmem>>, vector<16xf32>,
      %get3A_1574 = arith.constant 24 : i32
      %get3A_1575 = arith.index_cast %get3A_1574 : i32 to index
      %get3A_1576 = arith.constant 0 : index
      %get3A_1577 = tpu.vector_load %arg10[%get3A_1575, %get3A_1576] {strides = array<i32>} : memref<32x128xf32, #tpu.memory_space<vmem>>, vector<16xf32>,
      %swap3A_1578 = arith.constant 24 : i32
      %swap3A_1579 = arith.index_cast %swap3A_1578 : i32 to index
      %swap3A_1580 = arith.constant 0 : index
      %swap3A_1581 = tpu.vector_load %arg12[%swap3A_1579, %swap3A_1580] {strides = array<i32>} : memref<32x128xf32, #tpu.memory_space<vmem>>, vector<16xf32>,
      tpu.vector_store %arg12[%swap3A_1579, %swap3A_1580], %get3A_1577 {strides = array<i32>} : memref<32x128xf32, #tpu.memory_space<vmem>>, vector<16xf32>,
      %get3A_1582 = arith.constant 24 : i32
      %get3A_1583 = arith.index_cast %get3A_1582 : i32 to index
      %get3A_1584 = arith.constant 0 : index
      %get3A_1585 = tpu.vector_load %arg11[%get3A_1583, %get3A_1584] {strides = array<i32>} : memref<32x128xf32, #tpu.memory_space<vmem>>, vector<16xf32>,
      %swap3A_1586 = arith.constant 24 : i32
      %swap3A_1587 = arith.index_cast %swap3A_1586 : i32 to index
      %swap3A_1588 = arith.constant 64 : index
      %swap3A_1589 = tpu.vector_load %arg12[%swap3A_1587, %swap3A_1588] {strides = array<i32>} : memref<32x128xf32, #tpu.memory_space<vmem>>, vector<16xf32>,
      tpu.vector_store %arg12[%swap3A_1587, %swap3A_1588], %get3A_1585 {strides = array<i32>} : memref<32x128xf32, #tpu.memory_space<vmem>>, vector<16xf32>,
      %get3A_1590 = arith.constant 24 : i32
      %get3A_1591 = arith.index_cast %get3A_1590 : i32 to index
      %get3A_1592 = arith.constant 16 : index
      %get3A_1593 = tpu.vector_load %arg10[%get3A_1591, %get3A_1592] {strides = array<i32>} : memref<32x128xf32, #tpu.memory_space<vmem>>, vector<16xf32>,
      %swap3A_1594 = arith.constant 24 : i32
      %swap3A_1595 = arith.index_cast %swap3A_1594 : i32 to index
      %swap3A_1596 = arith.constant 16 : index
      %swap3A_1597 = tpu.vector_load %arg12[%swap3A_1595, %swap3A_1596] {strides = array<i32>} : memref<32x128xf32, #tpu.memory_space<vmem>>, vector<16xf32>,
      tpu.vector_store %arg12[%swap3A_1595, %swap3A_1596], %get3A_1593 {strides = array<i32>} : memref<32x128xf32, #tpu.memory_space<vmem>>, vector<16xf32>,
      %get3A_1598 = arith.constant 24 : i32
      %get3A_1599 = arith.index_cast %get3A_1598 : i32 to index
      %get3A_1600 = arith.constant 16 : index
      %get3A_1601 = tpu.vector_load %arg11[%get3A_1599, %get3A_1600] {strides = array<i32>} : memref<32x128xf32, #tpu.memory_space<vmem>>, vector<16xf32>,
      %swap3A_1602 = arith.constant 24 : i32
      %swap3A_1603 = arith.index_cast %swap3A_1602 : i32 to index
      %swap3A_1604 = arith.constant 80 : index
      %swap3A_1605 = tpu.vector_load %arg12[%swap3A_1603, %swap3A_1604] {strides = array<i32>} : memref<32x128xf32, #tpu.memory_space<vmem>>, vector<16xf32>,
      tpu.vector_store %arg12[%swap3A_1603, %swap3A_1604], %get3A_1601 {strides = array<i32>} : memref<32x128xf32, #tpu.memory_space<vmem>>, vector<16xf32>,
      %get3A_1606 = arith.constant 24 : i32
      %get3A_1607 = arith.index_cast %get3A_1606 : i32 to index
      %get3A_1608 = arith.constant 32 : index
      %get3A_1609 = tpu.vector_load %arg10[%get3A_1607, %get3A_1608] {strides = array<i32>} : memref<32x128xf32, #tpu.memory_space<vmem>>, vector<16xf32>,
      %swap3A_1610 = arith.constant 24 : i32
      %swap3A_1611 = arith.index_cast %swap3A_1610 : i32 to index
      %swap3A_1612 = arith.constant 32 : index
      %swap3A_1613 = tpu.vector_load %arg12[%swap3A_1611, %swap3A_1612] {strides = array<i32>} : memref<32x128xf32, #tpu.memory_space<vmem>>, vector<16xf32>,
      tpu.vector_store %arg12[%swap3A_1611, %swap3A_1612], %get3A_1609 {strides = array<i32>} : memref<32x128xf32, #tpu.memory_space<vmem>>, vector<16xf32>,
      %get3A_1614 = arith.constant 24 : i32
      %get3A_1615 = arith.index_cast %get3A_1614 : i32 to index
      %get3A_1616 = arith.constant 32 : index
      %get3A_1617 = tpu.vector_load %arg11[%get3A_1615, %get3A_1616] {strides = array<i32>} : memref<32x128xf32, #tpu.memory_space<vmem>>, vector<16xf32>,
      %swap3A_1618 = arith.constant 24 : i32
      %swap3A_1619 = arith.index_cast %swap3A_1618 : i32 to index
      %swap3A_1620 = arith.constant 96 : index
      %swap3A_1621 = tpu.vector_load %arg12[%swap3A_1619, %swap3A_1620] {strides = array<i32>} : memref<32x128xf32, #tpu.memory_space<vmem>>, vector<16xf32>,
      tpu.vector_store %arg12[%swap3A_1619, %swap3A_1620], %get3A_1617 {strides = array<i32>} : memref<32x128xf32, #tpu.memory_space<vmem>>, vector<16xf32>,
      %get3A_1622 = arith.constant 24 : i32
      %get3A_1623 = arith.index_cast %get3A_1622 : i32 to index
      %get3A_1624 = arith.constant 48 : index
      %get3A_1625 = tpu.vector_load %arg10[%get3A_1623, %get3A_1624] {strides = array<i32>} : memref<32x128xf32, #tpu.memory_space<vmem>>, vector<16xf32>,
      %swap3A_1626 = arith.constant 24 : i32
      %swap3A_1627 = arith.index_cast %swap3A_1626 : i32 to index
      %swap3A_1628 = arith.constant 48 : index
      %swap3A_1629 = tpu.vector_load %arg12[%swap3A_1627, %swap3A_1628] {strides = array<i32>} : memref<32x128xf32, #tpu.memory_space<vmem>>, vector<16xf32>,
      tpu.vector_store %arg12[%swap3A_1627, %swap3A_1628], %get3A_1625 {strides = array<i32>} : memref<32x128xf32, #tpu.memory_space<vmem>>, vector<16xf32>,
      %get3A_1630 = arith.constant 24 : i32
      %get3A_1631 = arith.index_cast %get3A_1630 : i32 to index
      %get3A_1632 = arith.constant 48 : index
      %get3A_1633 = tpu.vector_load %arg11[%get3A_1631, %get3A_1632] {strides = array<i32>} : memref<32x128xf32, #tpu.memory_space<vmem>>, vector<16xf32>,
      %swap3A_1634 = arith.constant 24 : i32
      %swap3A_1635 = arith.index_cast %swap3A_1634 : i32 to index
      %swap3A_1636 = arith.constant 112 : index
      %swap3A_1637 = tpu.vector_load %arg12[%swap3A_1635, %swap3A_1636] {strides = array<i32>} : memref<32x128xf32, #tpu.memory_space<vmem>>, vector<16xf32>,
      tpu.vector_store %arg12[%swap3A_1635, %swap3A_1636], %get3A_1633 {strides = array<i32>} : memref<32x128xf32, #tpu.memory_space<vmem>>, vector<16xf32>,
      %get3A_1638 = arith.constant 25 : i32
      %get3A_1639 = arith.index_cast %get3A_1638 : i32 to index
      %get3A_1640 = arith.constant 0 : index
      %get3A_1641 = tpu.vector_load %arg10[%get3A_1639, %get3A_1640] {strides = array<i32>} : memref<32x128xf32, #tpu.memory_space<vmem>>, vector<16xf32>,
      %swap3A_1642 = arith.constant 25 : i32
      %swap3A_1643 = arith.index_cast %swap3A_1642 : i32 to index
      %swap3A_1644 = arith.constant 0 : index
      %swap3A_1645 = tpu.vector_load %arg12[%swap3A_1643, %swap3A_1644] {strides = array<i32>} : memref<32x128xf32, #tpu.memory_space<vmem>>, vector<16xf32>,
      tpu.vector_store %arg12[%swap3A_1643, %swap3A_1644], %get3A_1641 {strides = array<i32>} : memref<32x128xf32, #tpu.memory_space<vmem>>, vector<16xf32>,
      %get3A_1646 = arith.constant 25 : i32
      %get3A_1647 = arith.index_cast %get3A_1646 : i32 to index
      %get3A_1648 = arith.constant 0 : index
      %get3A_1649 = tpu.vector_load %arg11[%get3A_1647, %get3A_1648] {strides = array<i32>} : memref<32x128xf32, #tpu.memory_space<vmem>>, vector<16xf32>,
      %swap3A_1650 = arith.constant 25 : i32
      %swap3A_1651 = arith.index_cast %swap3A_1650 : i32 to index
      %swap3A_1652 = arith.constant 64 : index
      %swap3A_1653 = tpu.vector_load %arg12[%swap3A_1651, %swap3A_1652] {strides = array<i32>} : memref<32x128xf32, #tpu.memory_space<vmem>>, vector<16xf32>,
      tpu.vector_store %arg12[%swap3A_1651, %swap3A_1652], %get3A_1649 {strides = array<i32>} : memref<32x128xf32, #tpu.memory_space<vmem>>, vector<16xf32>,
      %get3A_1654 = arith.constant 25 : i32
      %get3A_1655 = arith.index_cast %get3A_1654 : i32 to index
      %get3A_1656 = arith.constant 16 : index
      %get3A_1657 = tpu.vector_load %arg10[%get3A_1655, %get3A_1656] {strides = array<i32>} : memref<32x128xf32, #tpu.memory_space<vmem>>, vector<16xf32>,
      %swap3A_1658 = arith.constant 25 : i32
      %swap3A_1659 = arith.index_cast %swap3A_1658 : i32 to index
      %swap3A_1660 = arith.constant 16 : index
      %swap3A_1661 = tpu.vector_load %arg12[%swap3A_1659, %swap3A_1660] {strides = array<i32>} : memref<32x128xf32, #tpu.memory_space<vmem>>, vector<16xf32>,
      tpu.vector_store %arg12[%swap3A_1659, %swap3A_1660], %get3A_1657 {strides = array<i32>} : memref<32x128xf32, #tpu.memory_space<vmem>>, vector<16xf32>,
      %get3A_1662 = arith.constant 25 : i32
      %get3A_1663 = arith.index_cast %get3A_1662 : i32 to index
      %get3A_1664 = arith.constant 16 : index
      %get3A_1665 = tpu.vector_load %arg11[%get3A_1663, %get3A_1664] {strides = array<i32>} : memref<32x128xf32, #tpu.memory_space<vmem>>, vector<16xf32>,
      %swap3A_1666 = arith.constant 25 : i32
      %swap3A_1667 = arith.index_cast %swap3A_1666 : i32 to index
      %swap3A_1668 = arith.constant 80 : index
      %swap3A_1669 = tpu.vector_load %arg12[%swap3A_1667, %swap3A_1668] {strides = array<i32>} : memref<32x128xf32, #tpu.memory_space<vmem>>, vector<16xf32>,
      tpu.vector_store %arg12[%swap3A_1667, %swap3A_1668], %get3A_1665 {strides = array<i32>} : memref<32x128xf32, #tpu.memory_space<vmem>>, vector<16xf32>,
      %get3A_1670 = arith.constant 25 : i32
      %get3A_1671 = arith.index_cast %get3A_1670 : i32 to index
      %get3A_1672 = arith.constant 32 : index
      %get3A_1673 = tpu.vector_load %arg10[%get3A_1671, %get3A_1672] {strides = array<i32>} : memref<32x128xf32, #tpu.memory_space<vmem>>, vector<16xf32>,
      %swap3A_1674 = arith.constant 25 : i32
      %swap3A_1675 = arith.index_cast %swap3A_1674 : i32 to index
      %swap3A_1676 = arith.constant 32 : index
      %swap3A_1677 = tpu.vector_load %arg12[%swap3A_1675, %swap3A_1676] {strides = array<i32>} : memref<32x128xf32, #tpu.memory_space<vmem>>, vector<16xf32>,
      tpu.vector_store %arg12[%swap3A_1675, %swap3A_1676], %get3A_1673 {strides = array<i32>} : memref<32x128xf32, #tpu.memory_space<vmem>>, vector<16xf32>,
      %get3A_1678 = arith.constant 25 : i32
      %get3A_1679 = arith.index_cast %get3A_1678 : i32 to index
      %get3A_1680 = arith.constant 32 : index
      %get3A_1681 = tpu.vector_load %arg11[%get3A_1679, %get3A_1680] {strides = array<i32>} : memref<32x128xf32, #tpu.memory_space<vmem>>, vector<16xf32>,
      %swap3A_1682 = arith.constant 25 : i32
      %swap3A_1683 = arith.index_cast %swap3A_1682 : i32 to index
      %swap3A_1684 = arith.constant 96 : index
      %swap3A_1685 = tpu.vector_load %arg12[%swap3A_1683, %swap3A_1684] {strides = array<i32>} : memref<32x128xf32, #tpu.memory_space<vmem>>, vector<16xf32>,
      tpu.vector_store %arg12[%swap3A_1683, %swap3A_1684], %get3A_1681 {strides = array<i32>} : memref<32x128xf32, #tpu.memory_space<vmem>>, vector<16xf32>,
      %get3A_1686 = arith.constant 25 : i32
      %get3A_1687 = arith.index_cast %get3A_1686 : i32 to index
      %get3A_1688 = arith.constant 48 : index
      %get3A_1689 = tpu.vector_load %arg10[%get3A_1687, %get3A_1688] {strides = array<i32>} : memref<32x128xf32, #tpu.memory_space<vmem>>, vector<16xf32>,
      %swap3A_1690 = arith.constant 25 : i32
      %swap3A_1691 = arith.index_cast %swap3A_1690 : i32 to index
      %swap3A_1692 = arith.constant 48 : index
      %swap3A_1693 = tpu.vector_load %arg12[%swap3A_1691, %swap3A_1692] {strides = array<i32>} : memref<32x128xf32, #tpu.memory_space<vmem>>, vector<16xf32>,
      tpu.vector_store %arg12[%swap3A_1691, %swap3A_1692], %get3A_1689 {strides = array<i32>} : memref<32x128xf32, #tpu.memory_space<vmem>>, vector<16xf32>,
      %get3A_1694 = arith.constant 25 : i32
      %get3A_1695 = arith.index_cast %get3A_1694 : i32 to index
      %get3A_1696 = arith.constant 48 : index
      %get3A_1697 = tpu.vector_load %arg11[%get3A_1695, %get3A_1696] {strides = array<i32>} : memref<32x128xf32, #tpu.memory_space<vmem>>, vector<16xf32>,
      %swap3A_1698 = arith.constant 25 : i32
      %swap3A_1699 = arith.index_cast %swap3A_1698 : i32 to index
      %swap3A_1700 = arith.constant 112 : index
      %swap3A_1701 = tpu.vector_load %arg12[%swap3A_1699, %swap3A_1700] {strides = array<i32>} : memref<32x128xf32, #tpu.memory_space<vmem>>, vector<16xf32>,
      tpu.vector_store %arg12[%swap3A_1699, %swap3A_1700], %get3A_1697 {strides = array<i32>} : memref<32x128xf32, #tpu.memory_space<vmem>>, vector<16xf32>,
      %get3A_1702 = arith.constant 26 : i32
      %get3A_1703 = arith.index_cast %get3A_1702 : i32 to index
      %get3A_1704 = arith.constant 0 : index
      %get3A_1705 = tpu.vector_load %arg10[%get3A_1703, %get3A_1704] {strides = array<i32>} : memref<32x128xf32, #tpu.memory_space<vmem>>, vector<16xf32>,
      %swap3A_1706 = arith.constant 26 : i32
      %swap3A_1707 = arith.index_cast %swap3A_1706 : i32 to index
      %swap3A_1708 = arith.constant 0 : index
      %swap3A_1709 = tpu.vector_load %arg12[%swap3A_1707, %swap3A_1708] {strides = array<i32>} : memref<32x128xf32, #tpu.memory_space<vmem>>, vector<16xf32>,
      tpu.vector_store %arg12[%swap3A_1707, %swap3A_1708], %get3A_1705 {strides = array<i32>} : memref<32x128xf32, #tpu.memory_space<vmem>>, vector<16xf32>,
      %get3A_1710 = arith.constant 26 : i32
      %get3A_1711 = arith.index_cast %get3A_1710 : i32 to index
      %get3A_1712 = arith.constant 0 : index
      %get3A_1713 = tpu.vector_load %arg11[%get3A_1711, %get3A_1712] {strides = array<i32>} : memref<32x128xf32, #tpu.memory_space<vmem>>, vector<16xf32>,
      %swap3A_1714 = arith.constant 26 : i32
      %swap3A_1715 = arith.index_cast %swap3A_1714 : i32 to index
      %swap3A_1716 = arith.constant 64 : index
      %swap3A_1717 = tpu.vector_load %arg12[%swap3A_1715, %swap3A_1716] {strides = array<i32>} : memref<32x128xf32, #tpu.memory_space<vmem>>, vector<16xf32>,
      tpu.vector_store %arg12[%swap3A_1715, %swap3A_1716], %get3A_1713 {strides = array<i32>} : memref<32x128xf32, #tpu.memory_space<vmem>>, vector<16xf32>,
      %get3A_1718 = arith.constant 26 : i32
      %get3A_1719 = arith.index_cast %get3A_1718 : i32 to index
      %get3A_1720 = arith.constant 16 : index
      %get3A_1721 = tpu.vector_load %arg10[%get3A_1719, %get3A_1720] {strides = array<i32>} : memref<32x128xf32, #tpu.memory_space<vmem>>, vector<16xf32>,
      %swap3A_1722 = arith.constant 26 : i32
      %swap3A_1723 = arith.index_cast %swap3A_1722 : i32 to index
      %swap3A_1724 = arith.constant 16 : index
      %swap3A_1725 = tpu.vector_load %arg12[%swap3A_1723, %swap3A_1724] {strides = array<i32>} : memref<32x128xf32, #tpu.memory_space<vmem>>, vector<16xf32>,
      tpu.vector_store %arg12[%swap3A_1723, %swap3A_1724], %get3A_1721 {strides = array<i32>} : memref<32x128xf32, #tpu.memory_space<vmem>>, vector<16xf32>,
      %get3A_1726 = arith.constant 26 : i32
      %get3A_1727 = arith.index_cast %get3A_1726 : i32 to index
      %get3A_1728 = arith.constant 16 : index
      %get3A_1729 = tpu.vector_load %arg11[%get3A_1727, %get3A_1728] {strides = array<i32>} : memref<32x128xf32, #tpu.memory_space<vmem>>, vector<16xf32>,
      %swap3A_1730 = arith.constant 26 : i32
      %swap3A_1731 = arith.index_cast %swap3A_1730 : i32 to index
      %swap3A_1732 = arith.constant 80 : index
      %swap3A_1733 = tpu.vector_load %arg12[%swap3A_1731, %swap3A_1732] {strides = array<i32>} : memref<32x128xf32, #tpu.memory_space<vmem>>, vector<16xf32>,
      tpu.vector_store %arg12[%swap3A_1731, %swap3A_1732], %get3A_1729 {strides = array<i32>} : memref<32x128xf32, #tpu.memory_space<vmem>>, vector<16xf32>,
      %get3A_1734 = arith.constant 26 : i32
      %get3A_1735 = arith.index_cast %get3A_1734 : i32 to index
      %get3A_1736 = arith.constant 32 : index
      %get3A_1737 = tpu.vector_load %arg10[%get3A_1735, %get3A_1736] {strides = array<i32>} : memref<32x128xf32, #tpu.memory_space<vmem>>, vector<16xf32>,
      %swap3A_1738 = arith.constant 26 : i32
      %swap3A_1739 = arith.index_cast %swap3A_1738 : i32 to index
      %swap3A_1740 = arith.constant 32 : index
      %swap3A_1741 = tpu.vector_load %arg12[%swap3A_1739, %swap3A_1740] {strides = array<i32>} : memref<32x128xf32, #tpu.memory_space<vmem>>, vector<16xf32>,
      tpu.vector_store %arg12[%swap3A_1739, %swap3A_1740], %get3A_1737 {strides = array<i32>} : memref<32x128xf32, #tpu.memory_space<vmem>>, vector<16xf32>,
      %get3A_1742 = arith.constant 26 : i32
      %get3A_1743 = arith.index_cast %get3A_1742 : i32 to index
      %get3A_1744 = arith.constant 32 : index
      %get3A_1745 = tpu.vector_load %arg11[%get3A_1743, %get3A_1744] {strides = array<i32>} : memref<32x128xf32, #tpu.memory_space<vmem>>, vector<16xf32>,
      %swap3A_1746 = arith.constant 26 : i32
      %swap3A_1747 = arith.index_cast %swap3A_1746 : i32 to index
      %swap3A_1748 = arith.constant 96 : index
      %swap3A_1749 = tpu.vector_load %arg12[%swap3A_1747, %swap3A_1748] {strides = array<i32>} : memref<32x128xf32, #tpu.memory_space<vmem>>, vector<16xf32>,
      tpu.vector_store %arg12[%swap3A_1747, %swap3A_1748], %get3A_1745 {strides = array<i32>} : memref<32x128xf32, #tpu.memory_space<vmem>>, vector<16xf32>,
      %get3A_1750 = arith.constant 26 : i32
      %get3A_1751 = arith.index_cast %get3A_1750 : i32 to index
      %get3A_1752 = arith.constant 48 : index
      %get3A_1753 = tpu.vector_load %arg10[%get3A_1751, %get3A_1752] {strides = array<i32>} : memref<32x128xf32, #tpu.memory_space<vmem>>, vector<16xf32>,
      %swap3A_1754 = arith.constant 26 : i32
      %swap3A_1755 = arith.index_cast %swap3A_1754 : i32 to index
      %swap3A_1756 = arith.constant 48 : index
      %swap3A_1757 = tpu.vector_load %arg12[%swap3A_1755, %swap3A_1756] {strides = array<i32>} : memref<32x128xf32, #tpu.memory_space<vmem>>, vector<16xf32>,
      tpu.vector_store %arg12[%swap3A_1755, %swap3A_1756], %get3A_1753 {strides = array<i32>} : memref<32x128xf32, #tpu.memory_space<vmem>>, vector<16xf32>,
      %get3A_1758 = arith.constant 26 : i32
      %get3A_1759 = arith.index_cast %get3A_1758 : i32 to index
      %get3A_1760 = arith.constant 48 : index
      %get3A_1761 = tpu.vector_load %arg11[%get3A_1759, %get3A_1760] {strides = array<i32>} : memref<32x128xf32, #tpu.memory_space<vmem>>, vector<16xf32>,
      %swap3A_1762 = arith.constant 26 : i32
      %swap3A_1763 = arith.index_cast %swap3A_1762 : i32 to index
      %swap3A_1764 = arith.constant 112 : index
      %swap3A_1765 = tpu.vector_load %arg12[%swap3A_1763, %swap3A_1764] {strides = array<i32>} : memref<32x128xf32, #tpu.memory_space<vmem>>, vector<16xf32>,
      tpu.vector_store %arg12[%swap3A_1763, %swap3A_1764], %get3A_1761 {strides = array<i32>} : memref<32x128xf32, #tpu.memory_space<vmem>>, vector<16xf32>,
      %get3A_1766 = arith.constant 27 : i32
      %get3A_1767 = arith.index_cast %get3A_1766 : i32 to index
      %get3A_1768 = arith.constant 0 : index
      %get3A_1769 = tpu.vector_load %arg10[%get3A_1767, %get3A_1768] {strides = array<i32>} : memref<32x128xf32, #tpu.memory_space<vmem>>, vector<16xf32>,
      %swap3A_1770 = arith.constant 27 : i32
      %swap3A_1771 = arith.index_cast %swap3A_1770 : i32 to index
      %swap3A_1772 = arith.constant 0 : index
      %swap3A_1773 = tpu.vector_load %arg12[%swap3A_1771, %swap3A_1772] {strides = array<i32>} : memref<32x128xf32, #tpu.memory_space<vmem>>, vector<16xf32>,
      tpu.vector_store %arg12[%swap3A_1771, %swap3A_1772], %get3A_1769 {strides = array<i32>} : memref<32x128xf32, #tpu.memory_space<vmem>>, vector<16xf32>,
      %get3A_1774 = arith.constant 27 : i32
      %get3A_1775 = arith.index_cast %get3A_1774 : i32 to index
      %get3A_1776 = arith.constant 0 : index
      %get3A_1777 = tpu.vector_load %arg11[%get3A_1775, %get3A_1776] {strides = array<i32>} : memref<32x128xf32, #tpu.memory_space<vmem>>, vector<16xf32>,
      %swap3A_1778 = arith.constant 27 : i32
      %swap3A_1779 = arith.index_cast %swap3A_1778 : i32 to index
      %swap3A_1780 = arith.constant 64 : index
      %swap3A_1781 = tpu.vector_load %arg12[%swap3A_1779, %swap3A_1780] {strides = array<i32>} : memref<32x128xf32, #tpu.memory_space<vmem>>, vector<16xf32>,
      tpu.vector_store %arg12[%swap3A_1779, %swap3A_1780], %get3A_1777 {strides = array<i32>} : memref<32x128xf32, #tpu.memory_space<vmem>>, vector<16xf32>,
      %get3A_1782 = arith.constant 27 : i32
      %get3A_1783 = arith.index_cast %get3A_1782 : i32 to index
      %get3A_1784 = arith.constant 16 : index
      %get3A_1785 = tpu.vector_load %arg10[%get3A_1783, %get3A_1784] {strides = array<i32>} : memref<32x128xf32, #tpu.memory_space<vmem>>, vector<16xf32>,
      %swap3A_1786 = arith.constant 27 : i32
      %swap3A_1787 = arith.index_cast %swap3A_1786 : i32 to index
      %swap3A_1788 = arith.constant 16 : index
      %swap3A_1789 = tpu.vector_load %arg12[%swap3A_1787, %swap3A_1788] {strides = array<i32>} : memref<32x128xf32, #tpu.memory_space<vmem>>, vector<16xf32>,
      tpu.vector_store %arg12[%swap3A_1787, %swap3A_1788], %get3A_1785 {strides = array<i32>} : memref<32x128xf32, #tpu.memory_space<vmem>>, vector<16xf32>,
      %get3A_1790 = arith.constant 27 : i32
      %get3A_1791 = arith.index_cast %get3A_1790 : i32 to index
      %get3A_1792 = arith.constant 16 : index
      %get3A_1793 = tpu.vector_load %arg11[%get3A_1791, %get3A_1792] {strides = array<i32>} : memref<32x128xf32, #tpu.memory_space<vmem>>, vector<16xf32>,
      %swap3A_1794 = arith.constant 27 : i32
      %swap3A_1795 = arith.index_cast %swap3A_1794 : i32 to index
      %swap3A_1796 = arith.constant 80 : index
      %swap3A_1797 = tpu.vector_load %arg12[%swap3A_1795, %swap3A_1796] {strides = array<i32>} : memref<32x128xf32, #tpu.memory_space<vmem>>, vector<16xf32>,
      tpu.vector_store %arg12[%swap3A_1795, %swap3A_1796], %get3A_1793 {strides = array<i32>} : memref<32x128xf32, #tpu.memory_space<vmem>>, vector<16xf32>,
      %get3A_1798 = arith.constant 27 : i32
      %get3A_1799 = arith.index_cast %get3A_1798 : i32 to index
      %get3A_1800 = arith.constant 32 : index
      %get3A_1801 = tpu.vector_load %arg10[%get3A_1799, %get3A_1800] {strides = array<i32>} : memref<32x128xf32, #tpu.memory_space<vmem>>, vector<16xf32>,
      %swap3A_1802 = arith.constant 27 : i32
      %swap3A_1803 = arith.index_cast %swap3A_1802 : i32 to index
      %swap3A_1804 = arith.constant 32 : index
      %swap3A_1805 = tpu.vector_load %arg12[%swap3A_1803, %swap3A_1804] {strides = array<i32>} : memref<32x128xf32, #tpu.memory_space<vmem>>, vector<16xf32>,
      tpu.vector_store %arg12[%swap3A_1803, %swap3A_1804], %get3A_1801 {strides = array<i32>} : memref<32x128xf32, #tpu.memory_space<vmem>>, vector<16xf32>,
      %get3A_1806 = arith.constant 27 : i32
      %get3A_1807 = arith.index_cast %get3A_1806 : i32 to index
      %get3A_1808 = arith.constant 32 : index
      %get3A_1809 = tpu.vector_load %arg11[%get3A_1807, %get3A_1808] {strides = array<i32>} : memref<32x128xf32, #tpu.memory_space<vmem>>, vector<16xf32>,
      %swap3A_1810 = arith.constant 27 : i32
      %swap3A_1811 = arith.index_cast %swap3A_1810 : i32 to index
      %swap3A_1812 = arith.constant 96 : index
      %swap3A_1813 = tpu.vector_load %arg12[%swap3A_1811, %swap3A_1812] {strides = array<i32>} : memref<32x128xf32, #tpu.memory_space<vmem>>, vector<16xf32>,
      tpu.vector_store %arg12[%swap3A_1811, %swap3A_1812], %get3A_1809 {strides = array<i32>} : memref<32x128xf32, #tpu.memory_space<vmem>>, vector<16xf32>,
      %get3A_1814 = arith.constant 27 : i32
      %get3A_1815 = arith.index_cast %get3A_1814 : i32 to index
      %get3A_1816 = arith.constant 48 : index
      %get3A_1817 = tpu.vector_load %arg10[%get3A_1815, %get3A_1816] {strides = array<i32>} : memref<32x128xf32, #tpu.memory_space<vmem>>, vector<16xf32>,
      %swap3A_1818 = arith.constant 27 : i32
      %swap3A_1819 = arith.index_cast %swap3A_1818 : i32 to index
      %swap3A_1820 = arith.constant 48 : index
      %swap3A_1821 = tpu.vector_load %arg12[%swap3A_1819, %swap3A_1820] {strides = array<i32>} : memref<32x128xf32, #tpu.memory_space<vmem>>, vector<16xf32>,
      tpu.vector_store %arg12[%swap3A_1819, %swap3A_1820], %get3A_1817 {strides = array<i32>} : memref<32x128xf32, #tpu.memory_space<vmem>>, vector<16xf32>,
      %get3A_1822 = arith.constant 27 : i32
      %get3A_1823 = arith.index_cast %get3A_1822 : i32 to index
      %get3A_1824 = arith.constant 48 : index
      %get3A_1825 = tpu.vector_load %arg11[%get3A_1823, %get3A_1824] {strides = array<i32>} : memref<32x128xf32, #tpu.memory_space<vmem>>, vector<16xf32>,
      %swap3A_1826 = arith.constant 27 : i32
      %swap3A_1827 = arith.index_cast %swap3A_1826 : i32 to index
      %swap3A_1828 = arith.constant 112 : index
      %swap3A_1829 = tpu.vector_load %arg12[%swap3A_1827, %swap3A_1828] {strides = array<i32>} : memref<32x128xf32, #tpu.memory_space<vmem>>, vector<16xf32>,
      tpu.vector_store %arg12[%swap3A_1827, %swap3A_1828], %get3A_1825 {strides = array<i32>} : memref<32x128xf32, #tpu.memory_space<vmem>>, vector<16xf32>,
      %get3A_1830 = arith.constant 28 : i32
      %get3A_1831 = arith.index_cast %get3A_1830 : i32 to index
      %get3A_1832 = arith.constant 0 : index
      %get3A_1833 = tpu.vector_load %arg10[%get3A_1831, %get3A_1832] {strides = array<i32>} : memref<32x128xf32, #tpu.memory_space<vmem>>, vector<16xf32>,
      %swap3A_1834 = arith.constant 28 : i32
      %swap3A_1835 = arith.index_cast %swap3A_1834 : i32 to index
      %swap3A_1836 = arith.constant 0 : index
      %swap3A_1837 = tpu.vector_load %arg12[%swap3A_1835, %swap3A_1836] {strides = array<i32>} : memref<32x128xf32, #tpu.memory_space<vmem>>, vector<16xf32>,
      tpu.vector_store %arg12[%swap3A_1835, %swap3A_1836], %get3A_1833 {strides = array<i32>} : memref<32x128xf32, #tpu.memory_space<vmem>>, vector<16xf32>,
      %get3A_1838 = arith.constant 28 : i32
      %get3A_1839 = arith.index_cast %get3A_1838 : i32 to index
      %get3A_1840 = arith.constant 0 : index
      %get3A_1841 = tpu.vector_load %arg11[%get3A_1839, %get3A_1840] {strides = array<i32>} : memref<32x128xf32, #tpu.memory_space<vmem>>, vector<16xf32>,
      %swap3A_1842 = arith.constant 28 : i32
      %swap3A_1843 = arith.index_cast %swap3A_1842 : i32 to index
      %swap3A_1844 = arith.constant 64 : index
      %swap3A_1845 = tpu.vector_load %arg12[%swap3A_1843, %swap3A_1844] {strides = array<i32>} : memref<32x128xf32, #tpu.memory_space<vmem>>, vector<16xf32>,
      tpu.vector_store %arg12[%swap3A_1843, %swap3A_1844], %get3A_1841 {strides = array<i32>} : memref<32x128xf32, #tpu.memory_space<vmem>>, vector<16xf32>,
      %get3A_1846 = arith.constant 28 : i32
      %get3A_1847 = arith.index_cast %get3A_1846 : i32 to index
      %get3A_1848 = arith.constant 16 : index
      %get3A_1849 = tpu.vector_load %arg10[%get3A_1847, %get3A_1848] {strides = array<i32>} : memref<32x128xf32, #tpu.memory_space<vmem>>, vector<16xf32>,
      %swap3A_1850 = arith.constant 28 : i32
      %swap3A_1851 = arith.index_cast %swap3A_1850 : i32 to index
      %swap3A_1852 = arith.constant 16 : index
      %swap3A_1853 = tpu.vector_load %arg12[%swap3A_1851, %swap3A_1852] {strides = array<i32>} : memref<32x128xf32, #tpu.memory_space<vmem>>, vector<16xf32>,
      tpu.vector_store %arg12[%swap3A_1851, %swap3A_1852], %get3A_1849 {strides = array<i32>} : memref<32x128xf32, #tpu.memory_space<vmem>>, vector<16xf32>,
      %get3A_1854 = arith.constant 28 : i32
      %get3A_1855 = arith.index_cast %get3A_1854 : i32 to index
      %get3A_1856 = arith.constant 16 : index
      %get3A_1857 = tpu.vector_load %arg11[%get3A_1855, %get3A_1856] {strides = array<i32>} : memref<32x128xf32, #tpu.memory_space<vmem>>, vector<16xf32>,
      %swap3A_1858 = arith.constant 28 : i32
      %swap3A_1859 = arith.index_cast %swap3A_1858 : i32 to index
      %swap3A_1860 = arith.constant 80 : index
      %swap3A_1861 = tpu.vector_load %arg12[%swap3A_1859, %swap3A_1860] {strides = array<i32>} : memref<32x128xf32, #tpu.memory_space<vmem>>, vector<16xf32>,
      tpu.vector_store %arg12[%swap3A_1859, %swap3A_1860], %get3A_1857 {strides = array<i32>} : memref<32x128xf32, #tpu.memory_space<vmem>>, vector<16xf32>,
      %get3A_1862 = arith.constant 28 : i32
      %get3A_1863 = arith.index_cast %get3A_1862 : i32 to index
      %get3A_1864 = arith.constant 32 : index
      %get3A_1865 = tpu.vector_load %arg10[%get3A_1863, %get3A_1864] {strides = array<i32>} : memref<32x128xf32, #tpu.memory_space<vmem>>, vector<16xf32>,
      %swap3A_1866 = arith.constant 28 : i32
      %swap3A_1867 = arith.index_cast %swap3A_1866 : i32 to index
      %swap3A_1868 = arith.constant 32 : index
      %swap3A_1869 = tpu.vector_load %arg12[%swap3A_1867, %swap3A_1868] {strides = array<i32>} : memref<32x128xf32, #tpu.memory_space<vmem>>, vector<16xf32>,
      tpu.vector_store %arg12[%swap3A_1867, %swap3A_1868], %get3A_1865 {strides = array<i32>} : memref<32x128xf32, #tpu.memory_space<vmem>>, vector<16xf32>,
      %get3A_1870 = arith.constant 28 : i32
      %get3A_1871 = arith.index_cast %get3A_1870 : i32 to index
      %get3A_1872 = arith.constant 32 : index
      %get3A_1873 = tpu.vector_load %arg11[%get3A_1871, %get3A_1872] {strides = array<i32>} : memref<32x128xf32, #tpu.memory_space<vmem>>, vector<16xf32>,
      %swap3A_1874 = arith.constant 28 : i32
      %swap3A_1875 = arith.index_cast %swap3A_1874 : i32 to index
      %swap3A_1876 = arith.constant 96 : index
      %swap3A_1877 = tpu.vector_load %arg12[%swap3A_1875, %swap3A_1876] {strides = array<i32>} : memref<32x128xf32, #tpu.memory_space<vmem>>, vector<16xf32>,
      tpu.vector_store %arg12[%swap3A_1875, %swap3A_1876], %get3A_1873 {strides = array<i32>} : memref<32x128xf32, #tpu.memory_space<vmem>>, vector<16xf32>,
      %get3A_1878 = arith.constant 28 : i32
      %get3A_1879 = arith.index_cast %get3A_1878 : i32 to index
      %get3A_1880 = arith.constant 48 : index
      %get3A_1881 = tpu.vector_load %arg10[%get3A_1879, %get3A_1880] {strides = array<i32>} : memref<32x128xf32, #tpu.memory_space<vmem>>, vector<16xf32>,
      %swap3A_1882 = arith.constant 28 : i32
      %swap3A_1883 = arith.index_cast %swap3A_1882 : i32 to index
      %swap3A_1884 = arith.constant 48 : index
      %swap3A_1885 = tpu.vector_load %arg12[%swap3A_1883, %swap3A_1884] {strides = array<i32>} : memref<32x128xf32, #tpu.memory_space<vmem>>, vector<16xf32>,
      tpu.vector_store %arg12[%swap3A_1883, %swap3A_1884], %get3A_1881 {strides = array<i32>} : memref<32x128xf32, #tpu.memory_space<vmem>>, vector<16xf32>,
      %get3A_1886 = arith.constant 28 : i32
      %get3A_1887 = arith.index_cast %get3A_1886 : i32 to index
      %get3A_1888 = arith.constant 48 : index
      %get3A_1889 = tpu.vector_load %arg11[%get3A_1887, %get3A_1888] {strides = array<i32>} : memref<32x128xf32, #tpu.memory_space<vmem>>, vector<16xf32>,
      %swap3A_1890 = arith.constant 28 : i32
      %swap3A_1891 = arith.index_cast %swap3A_1890 : i32 to index
      %swap3A_1892 = arith.constant 112 : index
      %swap3A_1893 = tpu.vector_load %arg12[%swap3A_1891, %swap3A_1892] {strides = array<i32>} : memref<32x128xf32, #tpu.memory_space<vmem>>, vector<16xf32>,
      tpu.vector_store %arg12[%swap3A_1891, %swap3A_1892], %get3A_1889 {strides = array<i32>} : memref<32x128xf32, #tpu.memory_space<vmem>>, vector<16xf32>,
      %get3A_1894 = arith.constant 29 : i32
      %get3A_1895 = arith.index_cast %get3A_1894 : i32 to index
      %get3A_1896 = arith.constant 0 : index
      %get3A_1897 = tpu.vector_load %arg10[%get3A_1895, %get3A_1896] {strides = array<i32>} : memref<32x128xf32, #tpu.memory_space<vmem>>, vector<16xf32>,
      %swap3A_1898 = arith.constant 29 : i32
      %swap3A_1899 = arith.index_cast %swap3A_1898 : i32 to index
      %swap3A_1900 = arith.constant 0 : index
      %swap3A_1901 = tpu.vector_load %arg12[%swap3A_1899, %swap3A_1900] {strides = array<i32>} : memref<32x128xf32, #tpu.memory_space<vmem>>, vector<16xf32>,
      tpu.vector_store %arg12[%swap3A_1899, %swap3A_1900], %get3A_1897 {strides = array<i32>} : memref<32x128xf32, #tpu.memory_space<vmem>>, vector<16xf32>,
      %get3A_1902 = arith.constant 29 : i32
      %get3A_1903 = arith.index_cast %get3A_1902 : i32 to index
      %get3A_1904 = arith.constant 0 : index
      %get3A_1905 = tpu.vector_load %arg11[%get3A_1903, %get3A_1904] {strides = array<i32>} : memref<32x128xf32, #tpu.memory_space<vmem>>, vector<16xf32>,
      %swap3A_1906 = arith.constant 29 : i32
      %swap3A_1907 = arith.index_cast %swap3A_1906 : i32 to index
      %swap3A_1908 = arith.constant 64 : index
      %swap3A_1909 = tpu.vector_load %arg12[%swap3A_1907, %swap3A_1908] {strides = array<i32>} : memref<32x128xf32, #tpu.memory_space<vmem>>, vector<16xf32>,
      tpu.vector_store %arg12[%swap3A_1907, %swap3A_1908], %get3A_1905 {strides = array<i32>} : memref<32x128xf32, #tpu.memory_space<vmem>>, vector<16xf32>,
      %get3A_1910 = arith.constant 29 : i32
      %get3A_1911 = arith.index_cast %get3A_1910 : i32 to index
      %get3A_1912 = arith.constant 16 : index
      %get3A_1913 = tpu.vector_load %arg10[%get3A_1911, %get3A_1912] {strides = array<i32>} : memref<32x128xf32, #tpu.memory_space<vmem>>, vector<16xf32>,
      %swap3A_1914 = arith.constant 29 : i32
      %swap3A_1915 = arith.index_cast %swap3A_1914 : i32 to index
      %swap3A_1916 = arith.constant 16 : index
      %swap3A_1917 = tpu.vector_load %arg12[%swap3A_1915, %swap3A_1916] {strides = array<i32>} : memref<32x128xf32, #tpu.memory_space<vmem>>, vector<16xf32>,
      tpu.vector_store %arg12[%swap3A_1915, %swap3A_1916], %get3A_1913 {strides = array<i32>} : memref<32x128xf32, #tpu.memory_space<vmem>>, vector<16xf32>,
      %get3A_1918 = arith.constant 29 : i32
      %get3A_1919 = arith.index_cast %get3A_1918 : i32 to index
      %get3A_1920 = arith.constant 16 : index
      %get3A_1921 = tpu.vector_load %arg11[%get3A_1919, %get3A_1920] {strides = array<i32>} : memref<32x128xf32, #tpu.memory_space<vmem>>, vector<16xf32>,
      %swap3A_1922 = arith.constant 29 : i32
      %swap3A_1923 = arith.index_cast %swap3A_1922 : i32 to index
      %swap3A_1924 = arith.constant 80 : index
      %swap3A_1925 = tpu.vector_load %arg12[%swap3A_1923, %swap3A_1924] {strides = array<i32>} : memref<32x128xf32, #tpu.memory_space<vmem>>, vector<16xf32>,
      tpu.vector_store %arg12[%swap3A_1923, %swap3A_1924], %get3A_1921 {strides = array<i32>} : memref<32x128xf32, #tpu.memory_space<vmem>>, vector<16xf32>,
      %get3A_1926 = arith.constant 29 : i32
      %get3A_1927 = arith.index_cast %get3A_1926 : i32 to index
      %get3A_1928 = arith.constant 32 : index
      %get3A_1929 = tpu.vector_load %arg10[%get3A_1927, %get3A_1928] {strides = array<i32>} : memref<32x128xf32, #tpu.memory_space<vmem>>, vector<16xf32>,
      %swap3A_1930 = arith.constant 29 : i32
      %swap3A_1931 = arith.index_cast %swap3A_1930 : i32 to index
      %swap3A_1932 = arith.constant 32 : index
      %swap3A_1933 = tpu.vector_load %arg12[%swap3A_1931, %swap3A_1932] {strides = array<i32>} : memref<32x128xf32, #tpu.memory_space<vmem>>, vector<16xf32>,
      tpu.vector_store %arg12[%swap3A_1931, %swap3A_1932], %get3A_1929 {strides = array<i32>} : memref<32x128xf32, #tpu.memory_space<vmem>>, vector<16xf32>,
      %get3A_1934 = arith.constant 29 : i32
      %get3A_1935 = arith.index_cast %get3A_1934 : i32 to index
      %get3A_1936 = arith.constant 32 : index
      %get3A_1937 = tpu.vector_load %arg11[%get3A_1935, %get3A_1936] {strides = array<i32>} : memref<32x128xf32, #tpu.memory_space<vmem>>, vector<16xf32>,
      %swap3A_1938 = arith.constant 29 : i32
      %swap3A_1939 = arith.index_cast %swap3A_1938 : i32 to index
      %swap3A_1940 = arith.constant 96 : index
      %swap3A_1941 = tpu.vector_load %arg12[%swap3A_1939, %swap3A_1940] {strides = array<i32>} : memref<32x128xf32, #tpu.memory_space<vmem>>, vector<16xf32>,
      tpu.vector_store %arg12[%swap3A_1939, %swap3A_1940], %get3A_1937 {strides = array<i32>} : memref<32x128xf32, #tpu.memory_space<vmem>>, vector<16xf32>,
      %get3A_1942 = arith.constant 29 : i32
      %get3A_1943 = arith.index_cast %get3A_1942 : i32 to index
      %get3A_1944 = arith.constant 48 : index
      %get3A_1945 = tpu.vector_load %arg10[%get3A_1943, %get3A_1944] {strides = array<i32>} : memref<32x128xf32, #tpu.memory_space<vmem>>, vector<16xf32>,
      %swap3A_1946 = arith.constant 29 : i32
      %swap3A_1947 = arith.index_cast %swap3A_1946 : i32 to index
      %swap3A_1948 = arith.constant 48 : index
      %swap3A_1949 = tpu.vector_load %arg12[%swap3A_1947, %swap3A_1948] {strides = array<i32>} : memref<32x128xf32, #tpu.memory_space<vmem>>, vector<16xf32>,
      tpu.vector_store %arg12[%swap3A_1947, %swap3A_1948], %get3A_1945 {strides = array<i32>} : memref<32x128xf32, #tpu.memory_space<vmem>>, vector<16xf32>,
      %get3A_1950 = arith.constant 29 : i32
      %get3A_1951 = arith.index_cast %get3A_1950 : i32 to index
      %get3A_1952 = arith.constant 48 : index
      %get3A_1953 = tpu.vector_load %arg11[%get3A_1951, %get3A_1952] {strides = array<i32>} : memref<32x128xf32, #tpu.memory_space<vmem>>, vector<16xf32>,
      %swap3A_1954 = arith.constant 29 : i32
      %swap3A_1955 = arith.index_cast %swap3A_1954 : i32 to index
      %swap3A_1956 = arith.constant 112 : index
      %swap3A_1957 = tpu.vector_load %arg12[%swap3A_1955, %swap3A_1956] {strides = array<i32>} : memref<32x128xf32, #tpu.memory_space<vmem>>, vector<16xf32>,
      tpu.vector_store %arg12[%swap3A_1955, %swap3A_1956], %get3A_1953 {strides = array<i32>} : memref<32x128xf32, #tpu.memory_space<vmem>>, vector<16xf32>,
      %get3A_1958 = arith.constant 30 : i32
      %get3A_1959 = arith.index_cast %get3A_1958 : i32 to index
      %get3A_1960 = arith.constant 0 : index
      %get3A_1961 = tpu.vector_load %arg10[%get3A_1959, %get3A_1960] {strides = array<i32>} : memref<32x128xf32, #tpu.memory_space<vmem>>, vector<16xf32>,
      %swap3A_1962 = arith.constant 30 : i32
      %swap3A_1963 = arith.index_cast %swap3A_1962 : i32 to index
      %swap3A_1964 = arith.constant 0 : index
      %swap3A_1965 = tpu.vector_load %arg12[%swap3A_1963, %swap3A_1964] {strides = array<i32>} : memref<32x128xf32, #tpu.memory_space<vmem>>, vector<16xf32>,
      tpu.vector_store %arg12[%swap3A_1963, %swap3A_1964], %get3A_1961 {strides = array<i32>} : memref<32x128xf32, #tpu.memory_space<vmem>>, vector<16xf32>,
      %get3A_1966 = arith.constant 30 : i32
      %get3A_1967 = arith.index_cast %get3A_1966 : i32 to index
      %get3A_1968 = arith.constant 0 : index
      %get3A_1969 = tpu.vector_load %arg11[%get3A_1967, %get3A_1968] {strides = array<i32>} : memref<32x128xf32, #tpu.memory_space<vmem>>, vector<16xf32>,
      %swap3A_1970 = arith.constant 30 : i32
      %swap3A_1971 = arith.index_cast %swap3A_1970 : i32 to index
      %swap3A_1972 = arith.constant 64 : index
      %swap3A_1973 = tpu.vector_load %arg12[%swap3A_1971, %swap3A_1972] {strides = array<i32>} : memref<32x128xf32, #tpu.memory_space<vmem>>, vector<16xf32>,
      tpu.vector_store %arg12[%swap3A_1971, %swap3A_1972], %get3A_1969 {strides = array<i32>} : memref<32x128xf32, #tpu.memory_space<vmem>>, vector<16xf32>,
      %get3A_1974 = arith.constant 30 : i32
      %get3A_1975 = arith.index_cast %get3A_1974 : i32 to index
      %get3A_1976 = arith.constant 16 : index
      %get3A_1977 = tpu.vector_load %arg10[%get3A_1975, %get3A_1976] {strides = array<i32>} : memref<32x128xf32, #tpu.memory_space<vmem>>, vector<16xf32>,
      %swap3A_1978 = arith.constant 30 : i32
      %swap3A_1979 = arith.index_cast %swap3A_1978 : i32 to index
      %swap3A_1980 = arith.constant 16 : index
      %swap3A_1981 = tpu.vector_load %arg12[%swap3A_1979, %swap3A_1980] {strides = array<i32>} : memref<32x128xf32, #tpu.memory_space<vmem>>, vector<16xf32>,
      tpu.vector_store %arg12[%swap3A_1979, %swap3A_1980], %get3A_1977 {strides = array<i32>} : memref<32x128xf32, #tpu.memory_space<vmem>>, vector<16xf32>,
      %get3A_1982 = arith.constant 30 : i32
      %get3A_1983 = arith.index_cast %get3A_1982 : i32 to index
      %get3A_1984 = arith.constant 16 : index
      %get3A_1985 = tpu.vector_load %arg11[%get3A_1983, %get3A_1984] {strides = array<i32>} : memref<32x128xf32, #tpu.memory_space<vmem>>, vector<16xf32>,
      %swap3A_1986 = arith.constant 30 : i32
      %swap3A_1987 = arith.index_cast %swap3A_1986 : i32 to index
      %swap3A_1988 = arith.constant 80 : index
      %swap3A_1989 = tpu.vector_load %arg12[%swap3A_1987, %swap3A_1988] {strides = array<i32>} : memref<32x128xf32, #tpu.memory_space<vmem>>, vector<16xf32>,
      tpu.vector_store %arg12[%swap3A_1987, %swap3A_1988], %get3A_1985 {strides = array<i32>} : memref<32x128xf32, #tpu.memory_space<vmem>>, vector<16xf32>,
      %get3A_1990 = arith.constant 30 : i32
      %get3A_1991 = arith.index_cast %get3A_1990 : i32 to index
      %get3A_1992 = arith.constant 32 : index
      %get3A_1993 = tpu.vector_load %arg10[%get3A_1991, %get3A_1992] {strides = array<i32>} : memref<32x128xf32, #tpu.memory_space<vmem>>, vector<16xf32>,
      %swap3A_1994 = arith.constant 30 : i32
      %swap3A_1995 = arith.index_cast %swap3A_1994 : i32 to index
      %swap3A_1996 = arith.constant 32 : index
      %swap3A_1997 = tpu.vector_load %arg12[%swap3A_1995, %swap3A_1996] {strides = array<i32>} : memref<32x128xf32, #tpu.memory_space<vmem>>, vector<16xf32>,
      tpu.vector_store %arg12[%swap3A_1995, %swap3A_1996], %get3A_1993 {strides = array<i32>} : memref<32x128xf32, #tpu.memory_space<vmem>>, vector<16xf32>,
      %get3A_1998 = arith.constant 30 : i32
      %get3A_1999 = arith.index_cast %get3A_1998 : i32 to index
      %get3A_2000 = arith.constant 32 : index
      %get3A_2001 = tpu.vector_load %arg11[%get3A_1999, %get3A_2000] {strides = array<i32>} : memref<32x128xf32, #tpu.memory_space<vmem>>, vector<16xf32>,
      %swap3A_2002 = arith.constant 30 : i32
      %swap3A_2003 = arith.index_cast %swap3A_2002 : i32 to index
      %swap3A_2004 = arith.constant 96 : index
      %swap3A_2005 = tpu.vector_load %arg12[%swap3A_2003, %swap3A_2004] {strides = array<i32>} : memref<32x128xf32, #tpu.memory_space<vmem>>, vector<16xf32>,
      tpu.vector_store %arg12[%swap3A_2003, %swap3A_2004], %get3A_2001 {strides = array<i32>} : memref<32x128xf32, #tpu.memory_space<vmem>>, vector<16xf32>,
      %get3A_2006 = arith.constant 30 : i32
      %get3A_2007 = arith.index_cast %get3A_2006 : i32 to index
      %get3A_2008 = arith.constant 48 : index
      %get3A_2009 = tpu.vector_load %arg10[%get3A_2007, %get3A_2008] {strides = array<i32>} : memref<32x128xf32, #tpu.memory_space<vmem>>, vector<16xf32>,
      %swap3A_2010 = arith.constant 30 : i32
      %swap3A_2011 = arith.index_cast %swap3A_2010 : i32 to index
      %swap3A_2012 = arith.constant 48 : index
      %swap3A_2013 = tpu.vector_load %arg12[%swap3A_2011, %swap3A_2012] {strides = array<i32>} : memref<32x128xf32, #tpu.memory_space<vmem>>, vector<16xf32>,
      tpu.vector_store %arg12[%swap3A_2011, %swap3A_2012], %get3A_2009 {strides = array<i32>} : memref<32x128xf32, #tpu.memory_space<vmem>>, vector<16xf32>,
      %get3A_2014 = arith.constant 30 : i32
      %get3A_2015 = arith.index_cast %get3A_2014 : i32 to index
      %get3A_2016 = arith.constant 48 : index
      %get3A_2017 = tpu.vector_load %arg11[%get3A_2015, %get3A_2016] {strides = array<i32>} : memref<32x128xf32, #tpu.memory_space<vmem>>, vector<16xf32>,
      %swap3A_2018 = arith.constant 30 : i32
      %swap3A_2019 = arith.index_cast %swap3A_2018 : i32 to index
      %swap3A_2020 = arith.constant 112 : index
      %swap3A_2021 = tpu.vector_load %arg12[%swap3A_2019, %swap3A_2020] {strides = array<i32>} : memref<32x128xf32, #tpu.memory_space<vmem>>, vector<16xf32>,
      tpu.vector_store %arg12[%swap3A_2019, %swap3A_2020], %get3A_2017 {strides = array<i32>} : memref<32x128xf32, #tpu.memory_space<vmem>>, vector<16xf32>,
      %get3A_2022 = arith.constant 31 : i32
      %get3A_2023 = arith.index_cast %get3A_2022 : i32 to index
      %get3A_2024 = arith.constant 0 : index
      %get3A_2025 = tpu.vector_load %arg10[%get3A_2023, %get3A_2024] {strides = array<i32>} : memref<32x128xf32, #tpu.memory_space<vmem>>, vector<16xf32>,
      %swap3A_2026 = arith.constant 31 : i32
      %swap3A_2027 = arith.index_cast %swap3A_2026 : i32 to index
      %swap3A_2028 = arith.constant 0 : index
      %swap3A_2029 = tpu.vector_load %arg12[%swap3A_2027, %swap3A_2028] {strides = array<i32>} : memref<32x128xf32, #tpu.memory_space<vmem>>, vector<16xf32>,
      tpu.vector_store %arg12[%swap3A_2027, %swap3A_2028], %get3A_2025 {strides = array<i32>} : memref<32x128xf32, #tpu.memory_space<vmem>>, vector<16xf32>,
      %get3A_2030 = arith.constant 31 : i32
      %get3A_2031 = arith.index_cast %get3A_2030 : i32 to index
      %get3A_2032 = arith.constant 0 : index
      %get3A_2033 = tpu.vector_load %arg11[%get3A_2031, %get3A_2032] {strides = array<i32>} : memref<32x128xf32, #tpu.memory_space<vmem>>, vector<16xf32>,
      %swap3A_2034 = arith.constant 31 : i32
      %swap3A_2035 = arith.index_cast %swap3A_2034 : i32 to index
      %swap3A_2036 = arith.constant 64 : index
      %swap3A_2037 = tpu.vector_load %arg12[%swap3A_2035, %swap3A_2036] {strides = array<i32>} : memref<32x128xf32, #tpu.memory_space<vmem>>, vector<16xf32>,
      tpu.vector_store %arg12[%swap3A_2035, %swap3A_2036], %get3A_2033 {strides = array<i32>} : memref<32x128xf32, #tpu.memory_space<vmem>>, vector<16xf32>,
      %get3A_2038 = arith.constant 31 : i32
      %get3A_2039 = arith.index_cast %get3A_2038 : i32 to index
      %get3A_2040 = arith.constant 16 : index
      %get3A_2041 = tpu.vector_load %arg10[%get3A_2039, %get3A_2040] {strides = array<i32>} : memref<32x128xf32, #tpu.memory_space<vmem>>, vector<16xf32>,
      %swap3A_2042 = arith.constant 31 : i32
      %swap3A_2043 = arith.index_cast %swap3A_2042 : i32 to index
      %swap3A_2044 = arith.constant 16 : index
      %swap3A_2045 = tpu.vector_load %arg12[%swap3A_2043, %swap3A_2044] {strides = array<i32>} : memref<32x128xf32, #tpu.memory_space<vmem>>, vector<16xf32>,
      tpu.vector_store %arg12[%swap3A_2043, %swap3A_2044], %get3A_2041 {strides = array<i32>} : memref<32x128xf32, #tpu.memory_space<vmem>>, vector<16xf32>,
      %get3A_2046 = arith.constant 31 : i32
      %get3A_2047 = arith.index_cast %get3A_2046 : i32 to index
      %get3A_2048 = arith.constant 16 : index
      %get3A_2049 = tpu.vector_load %arg11[%get3A_2047, %get3A_2048] {strides = array<i32>} : memref<32x128xf32, #tpu.memory_space<vmem>>, vector<16xf32>,
      %swap3A_2050 = arith.constant 31 : i32
      %swap3A_2051 = arith.index_cast %swap3A_2050 : i32 to index
      %swap3A_2052 = arith.constant 80 : index
      %swap3A_2053 = tpu.vector_load %arg12[%swap3A_2051, %swap3A_2052] {strides = array<i32>} : memref<32x128xf32, #tpu.memory_space<vmem>>, vector<16xf32>,
      tpu.vector_store %arg12[%swap3A_2051, %swap3A_2052], %get3A_2049 {strides = array<i32>} : memref<32x128xf32, #tpu.memory_space<vmem>>, vector<16xf32>,
      %get3A_2054 = arith.constant 31 : i32
      %get3A_2055 = arith.index_cast %get3A_2054 : i32 to index
      %get3A_2056 = arith.constant 32 : index
      %get3A_2057 = tpu.vector_load %arg10[%get3A_2055, %get3A_2056] {strides = array<i32>} : memref<32x128xf32, #tpu.memory_space<vmem>>, vector<16xf32>,
      %swap3A_2058 = arith.constant 31 : i32
      %swap3A_2059 = arith.index_cast %swap3A_2058 : i32 to index
      %swap3A_2060 = arith.constant 32 : index
      %swap3A_2061 = tpu.vector_load %arg12[%swap3A_2059, %swap3A_2060] {strides = array<i32>} : memref<32x128xf32, #tpu.memory_space<vmem>>, vector<16xf32>,
      tpu.vector_store %arg12[%swap3A_2059, %swap3A_2060], %get3A_2057 {strides = array<i32>} : memref<32x128xf32, #tpu.memory_space<vmem>>, vector<16xf32>,
      %get3A_2062 = arith.constant 31 : i32
      %get3A_2063 = arith.index_cast %get3A_2062 : i32 to index
      %get3A_2064 = arith.constant 32 : index
      %get3A_2065 = tpu.vector_load %arg11[%get3A_2063, %get3A_2064] {strides = array<i32>} : memref<32x128xf32, #tpu.memory_space<vmem>>, vector<16xf32>,
      %swap3A_2066 = arith.constant 31 : i32
      %swap3A_2067 = arith.index_cast %swap3A_2066 : i32 to index
      %swap3A_2068 = arith.constant 96 : index
      %swap3A_2069 = tpu.vector_load %arg12[%swap3A_2067, %swap3A_2068] {strides = array<i32>} : memref<32x128xf32, #tpu.memory_space<vmem>>, vector<16xf32>,
      tpu.vector_store %arg12[%swap3A_2067, %swap3A_2068], %get3A_2065 {strides = array<i32>} : memref<32x128xf32, #tpu.memory_space<vmem>>, vector<16xf32>,
      %get3A_2070 = arith.constant 31 : i32
      %get3A_2071 = arith.index_cast %get3A_2070 : i32 to index
      %get3A_2072 = arith.constant 48 : index
      %get3A_2073 = tpu.vector_load %arg10[%get3A_2071, %get3A_2072] {strides = array<i32>} : memref<32x128xf32, #tpu.memory_space<vmem>>, vector<16xf32>,
      %swap3A_2074 = arith.constant 31 : i32
      %swap3A_2075 = arith.index_cast %swap3A_2074 : i32 to index
      %swap3A_2076 = arith.constant 48 : index
      %swap3A_2077 = tpu.vector_load %arg12[%swap3A_2075, %swap3A_2076] {strides = array<i32>} : memref<32x128xf32, #tpu.memory_space<vmem>>, vector<16xf32>,
      tpu.vector_store %arg12[%swap3A_2075, %swap3A_2076], %get3A_2073 {strides = array<i32>} : memref<32x128xf32, #tpu.memory_space<vmem>>, vector<16xf32>,
      %get3A_2078 = arith.constant 31 : i32
      %get3A_2079 = arith.index_cast %get3A_2078 : i32 to index
      %get3A_2080 = arith.constant 48 : index
      %get3A_2081 = tpu.vector_load %arg11[%get3A_2079, %get3A_2080] {strides = array<i32>} : memref<32x128xf32, #tpu.memory_space<vmem>>, vector<16xf32>,
      %swap3A_2082 = arith.constant 31 : i32
      %swap3A_2083 = arith.index_cast %swap3A_2082 : i32 to index
      %swap3A_2084 = arith.constant 112 : index
      %swap3A_2085 = tpu.vector_load %arg12[%swap3A_2083, %swap3A_2084] {strides = array<i32>} : memref<32x128xf32, #tpu.memory_space<vmem>>, vector<16xf32>,
      tpu.vector_store %arg12[%swap3A_2083, %swap3A_2084], %get3A_2081 {strides = array<i32>} : memref<32x128xf32, #tpu.memory_space<vmem>>, vector<16xf32>,
      "tpu.region"() ({
        %run_scoped3A = tpu.sem_alloc : memref<!tpu.dma_semaphore, #tpu.memory_space<semaphore_mem>>
        tpu.enqueue_dma source(%arg12 : memref<32x128xf32, #tpu.memory_space<vmem>>) target(%arg13 : memref<32x128xf32, #tpu.memory_space<vmem_shared>>) target_semaphore(%run_scoped3A : memref<!tpu.dma_semaphore, #tpu.memory_space<semaphore_mem>>)
        tpu.wait_dma2 semaphore(%run_scoped3A : memref<!tpu.dma_semaphore, #tpu.memory_space<semaphore_mem>>) src(%arg12 : memref<32x128xf32, #tpu.memory_space<vmem>>) dst(%arg13 : memref<32x128xf32, #tpu.memory_space<vmem_shared>>)
        tpu.yield
      }) : () -> ()
    } else {
    }
    %mul3A_3 = arith.constant 200 : i32
    %mul3A_4 = arith.muli %add3A, %mul3A_3 : i32
    %multiple_of3A = tpu.assume_multiple %mul3A_4, 8 : i32
    %dma_start3A = arith.constant 0 : i32
    %dma_start3A_5 = tpu.memref_slice %arg2[%multiple_of3A, %dma_start3A] : memref<6400x128xi32, #tpu.memory_space<hbm>> -> memref<200x128xi32, #tpu.memory_space<hbm>>
    %dma_start3A_6 = arith.constant 0 : i32
    %dma_start3A_7 = tpu.memref_slice %arg2[%multiple_of3A, %dma_start3A_6] : memref<6400x128xi32, #tpu.memory_space<hbm>> -> memref<200x128xi32, #tpu.memory_space<hbm>>
    tpu.enqueue_dma source(%dma_start3A_7 : memref<200x128xi32, #tpu.memory_space<hbm>>) target(%arg14 : memref<200x128xi32, #tpu.memory_space<vmem>>) target_semaphore(%arg18 : memref<!tpu.dma_semaphore, #tpu.memory_space<semaphore_mem>>)
    %dma_wait3A = arith.constant 0 : i32
    %dma_wait3A_8 = tpu.memref_slice %arg2[%multiple_of3A, %dma_wait3A] : memref<6400x128xi32, #tpu.memory_space<hbm>> -> memref<200x128xi32, #tpu.memory_space<hbm>>
    %dma_wait3A_9 = arith.constant 0 : i32
    %dma_wait3A_10 = tpu.memref_slice %arg2[%multiple_of3A, %dma_wait3A_9] : memref<6400x128xi32, #tpu.memory_space<hbm>> -> memref<200x128xi32, #tpu.memory_space<hbm>>
    tpu.wait_dma2 semaphore(%arg18 : memref<!tpu.dma_semaphore, #tpu.memory_space<semaphore_mem>>) src(%dma_wait3A_10 : memref<200x128xi32, #tpu.memory_space<hbm>>) dst(%arg14 : memref<200x128xi32, #tpu.memory_space<vmem>>)
    %barrier3A = arith.constant 0 : index
    tpu.barrier barrier_id(%barrier3A)
    %scan3A = arith.constant 0 : i32
    %scan3A_11 = arith.constant 0 : i32
    %scan3A_12 = arith.constant 50 : i32
    %scan3A_13 = arith.addi %scan3A_11, %scan3A_12 : i32
    %scan3A_14 = arith.constant 1 : i32
    scf.for %scan3A_28 = %scan3A_11 to %scan3A_13 step %scan3A_14  : i32 {
      %mul3A_29 = arith.constant 2 : i32
      %mul3A_30 = arith.muli %scan3A_28, %mul3A_29 : i32
      %add3A_31 = arith.constant 0 : i32
      %add3A_32 = arith.addi %mul3A_30, %add3A_31 : i32
      %mul3A_33 = arith.constant 2 : i32
      %mul3A_34 = arith.muli %add3A_32, %mul3A_33 : i32
      %gt3A = arith.constant 0 : i32
      %gt3A_35 = arith.cmpi sgt, %scan3A_28, %gt3A : i32
      %convert_element_type3A_36 = arith.extui %gt3A_35 : i1 to i32
      %cond3A_37 = arith.constant 0 : i32
      %cond3A_38 = arith.cmpi ne, %convert_element_type3A_36, %cond3A_37 : i32
      scf.if %cond3A_38 {
        %dma_wait3A_142 = arith.constant 0 : i32
        %dma_wait3A_143 = arith.constant 0 : i32
        %dma_wait3A_144 = tpu.memref_slice %arg7[%dma_wait3A_142, %dma_wait3A_143] : memref<819200x128xf32, #tpu.memory_space<hbm>> -> memref<256x128xf32, #tpu.memory_space<hbm>>
        %dma_wait3A_145 = arith.constant 0 : i32
        %dma_wait3A_146 = arith.constant 0 : i32
        %dma_wait3A_147 = tpu.memref_slice %arg7[%dma_wait3A_145, %dma_wait3A_146] : memref<819200x128xf32, #tpu.memory_space<hbm>> -> memref<256x128xf32, #tpu.memory_space<hbm>>
        tpu.wait_dma2 semaphore(%arg19 : memref<!tpu.dma_semaphore, #tpu.memory_space<semaphore_mem>>) src(%arg15 : memref<256x128xf32, #tpu.memory_space<vmem>>) dst(%dma_wait3A_147 : memref<256x128xf32, #tpu.memory_space<hbm>>)
      } else {
      }
      %dma_start3A_39 = arith.constant 0 : i32
      %dma_start3A_40 = arith.constant 0 : i32
      %dma_start3A_41 = tpu.memref_slice %arg15[%dma_start3A_39, %dma_start3A_40] : memref<256x128xf32, #tpu.memory_space<vmem>> -> memref<128x128xf32, #tpu.memory_space<vmem>>
      %dma_start3A_42 = arith.constant 0 : i32
      %dma_start3A_43 = tpu.memref_slice %arg14[%mul3A_34, %dma_start3A_42] : memref<200x128xi32, #tpu.memory_space<vmem>> -> memref<1x128xi32, #tpu.memory_space<vmem>>
      %dma_start3A_44 = tpu.memref_squeeze %dma_start3A_43 : memref<1x128xi32, #tpu.memory_space<vmem>> -> memref<128xi32, #tpu.memory_space<vmem>>
      %dma_start3A_45 = arith.constant 0 : i32
      %dma_start3A_46 = arith.constant 0 : i32
      %dma_start3A_47 = tpu.memref_slice %arg13[%dma_start3A_45, %dma_start3A_46] : memref<32x128xf32, #tpu.memory_space<vmem_shared>> -> memref<32x128xf32, #tpu.memory_space<vmem_shared>>
      tpu.enqueue_indirect_dma source(%dma_start3A_47 : memref<32x128xf32, #tpu.memory_space<vmem_shared>>) target(%dma_start3A_41 : memref<128x128xf32, #tpu.memory_space<vmem>>) offsets(%dma_start3A_44 : memref<128xi32, #tpu.memory_space<vmem>>) semaphore(%arg17 : memref<!tpu.dma_semaphore, #tpu.memory_space<semaphore_mem>>)
      %add3A_48 = arith.constant 1 : i32
      %add3A_49 = arith.addi %mul3A_34, %add3A_48 : i32
      %dma_start3A_50 = arith.constant 128 : i32
      %dma_start3A_51 = arith.constant 0 : i32
      %dma_start3A_52 = tpu.memref_slice %arg15[%dma_start3A_50, %dma_start3A_51] : memref<256x128xf32, #tpu.memory_space<vmem>> -> memref<128x128xf32, #tpu.memory_space<vmem>>
      %dma_start3A_53 = arith.constant 0 : i32
      %dma_start3A_54 = tpu.memref_slice %arg14[%add3A_49, %dma_start3A_53] : memref<200x128xi32, #tpu.memory_space<vmem>> -> memref<1x128xi32, #tpu.memory_space<vmem>>
      %dma_start3A_55 = tpu.memref_squeeze %dma_start3A_54 : memref<1x128xi32, #tpu.memory_space<vmem>> -> memref<128xi32, #tpu.memory_space<vmem>>
      %dma_start3A_56 = arith.constant 0 : i32
      %dma_start3A_57 = arith.constant 0 : i32
      %dma_start3A_58 = tpu.memref_slice %arg13[%dma_start3A_56, %dma_start3A_57] : memref<32x128xf32, #tpu.memory_space<vmem_shared>> -> memref<32x128xf32, #tpu.memory_space<vmem_shared>>
      tpu.enqueue_indirect_dma source(%dma_start3A_58 : memref<32x128xf32, #tpu.memory_space<vmem_shared>>) target(%dma_start3A_52 : memref<128x128xf32, #tpu.memory_space<vmem>>) offsets(%dma_start3A_55 : memref<128xi32, #tpu.memory_space<vmem>>) semaphore(%arg17 : memref<!tpu.dma_semaphore, #tpu.memory_space<semaphore_mem>>)
      %dma_wait3A_59 = arith.constant 0 : i32
      %dma_wait3A_60 = arith.constant 0 : i32
      %dma_wait3A_61 = tpu.memref_slice %arg15[%dma_wait3A_59, %dma_wait3A_60] : memref<256x128xf32, #tpu.memory_space<vmem>> -> memref<128x128xf32, #tpu.memory_space<vmem>>
      %dma_wait3A_62 = arith.constant 0 : i32
      %dma_wait3A_63 = tpu.memref_slice %arg14[%mul3A_34, %dma_wait3A_62] : memref<200x128xi32, #tpu.memory_space<vmem>> -> memref<1x128xi32, #tpu.memory_space<vmem>>
      %dma_wait3A_64 = tpu.memref_squeeze %dma_wait3A_63 : memref<1x128xi32, #tpu.memory_space<vmem>> -> memref<128xi32, #tpu.memory_space<vmem>>
      %dma_wait3A_65 = arith.constant 0 : i32
      %dma_wait3A_66 = arith.constant 0 : i32
      %dma_wait3A_67 = tpu.memref_slice %arg13[%dma_wait3A_65, %dma_wait3A_66] : memref<32x128xf32, #tpu.memory_space<vmem_shared>> -> memref<32x128xf32, #tpu.memory_space<vmem_shared>>
      tpu.wait_indirect_dma semaphore(%arg17 : memref<!tpu.dma_semaphore, #tpu.memory_space<semaphore_mem>>) src(%dma_wait3A_67 : memref<32x128xf32, #tpu.memory_space<vmem_shared>>) dst(%dma_wait3A_61 : memref<128x128xf32, #tpu.memory_space<vmem>>)
      %dma_wait3A_68 = arith.constant 128 : i32
      %dma_wait3A_69 = arith.constant 0 : i32
      %dma_wait3A_70 = tpu.memref_slice %arg15[%dma_wait3A_68, %dma_wait3A_69] : memref<256x128xf32, #tpu.memory_space<vmem>> -> memref<128x128xf32, #tpu.memory_space<vmem>>
      %dma_wait3A_71 = arith.constant 0 : i32
      %dma_wait3A_72 = tpu.memref_slice %arg14[%add3A_49, %dma_wait3A_71] : memref<200x128xi32, #tpu.memory_space<vmem>> -> memref<1x128xi32, #tpu.memory_space<vmem>>
      %dma_wait3A_73 = tpu.memref_squeeze %dma_wait3A_72 : memref<1x128xi32, #tpu.memory_space<vmem>> -> memref<128xi32, #tpu.memory_space<vmem>>
      %dma_wait3A_74 = arith.constant 0 : i32
      %dma_wait3A_75 = arith.constant 0 : i32
      %dma_wait3A_76 = tpu.memref_slice %arg13[%dma_wait3A_74, %dma_wait3A_75] : memref<32x128xf32, #tpu.memory_space<vmem_shared>> -> memref<32x128xf32, #tpu.memory_space<vmem_shared>>
      tpu.wait_indirect_dma semaphore(%arg17 : memref<!tpu.dma_semaphore, #tpu.memory_space<semaphore_mem>>) src(%dma_wait3A_76 : memref<32x128xf32, #tpu.memory_space<vmem_shared>>) dst(%dma_wait3A_70 : memref<128x128xf32, #tpu.memory_space<vmem>>)
      %add3A_77 = arith.addi %multiple_of3A, %mul3A_34 : i32
      %mul3A_78 = arith.constant 128 : i32
      %mul3A_79 = arith.muli %add3A_77, %mul3A_78 : i32
      %multiple_of3A_80 = tpu.assume_multiple %mul3A_79, 128 : i32
      %dma_start3A_81 = arith.constant 0 : i32
      %dma_start3A_82 = tpu.memref_slice %arg7[%multiple_of3A_80, %dma_start3A_81] : memref<819200x128xf32, #tpu.memory_space<hbm>> -> memref<256x128xf32, #tpu.memory_space<hbm>>
      %dma_start3A_83 = arith.constant 0 : i32
      %dma_start3A_84 = tpu.memref_slice %arg7[%multiple_of3A_80, %dma_start3A_83] : memref<819200x128xf32, #tpu.memory_space<hbm>> -> memref<256x128xf32, #tpu.memory_space<hbm>>
      tpu.enqueue_dma source(%arg15 : memref<256x128xf32, #tpu.memory_space<vmem>>) target(%dma_start3A_84 : memref<256x128xf32, #tpu.memory_space<hbm>>) target_semaphore(%arg19 : memref<!tpu.dma_semaphore, #tpu.memory_space<semaphore_mem>>)
      %mul3A_85 = arith.constant 2 : i32
      %mul3A_86 = arith.muli %scan3A_28, %mul3A_85 : i32
      %add3A_87 = arith.constant 1 : i32
      %add3A_88 = arith.addi %mul3A_86, %add3A_87 : i32
      %mul3A_89 = arith.constant 2 : i32
      %mul3A_90 = arith.muli %add3A_88, %mul3A_89 : i32
      %gt3A_91 = arith.constant 0 : i32
      %gt3A_92 = arith.cmpi sgt, %scan3A_28, %gt3A_91 : i32
      %convert_element_type3A_93 = arith.extui %gt3A_92 : i1 to i32
      %cond3A_94 = arith.constant 0 : i32
      %cond3A_95 = arith.cmpi ne, %convert_element_type3A_93, %cond3A_94 : i32
      scf.if %cond3A_95 {
        %dma_wait3A_142 = arith.constant 0 : i32
        %dma_wait3A_143 = arith.constant 0 : i32
        %dma_wait3A_144 = tpu.memref_slice %arg7[%dma_wait3A_142, %dma_wait3A_143] : memref<819200x128xf32, #tpu.memory_space<hbm>> -> memref<256x128xf32, #tpu.memory_space<hbm>>
        %dma_wait3A_145 = arith.constant 0 : i32
        %dma_wait3A_146 = arith.constant 0 : i32
        %dma_wait3A_147 = tpu.memref_slice %arg7[%dma_wait3A_145, %dma_wait3A_146] : memref<819200x128xf32, #tpu.memory_space<hbm>> -> memref<256x128xf32, #tpu.memory_space<hbm>>
        tpu.wait_dma2 semaphore(%arg20 : memref<!tpu.dma_semaphore, #tpu.memory_space<semaphore_mem>>) src(%arg16 : memref<256x128xf32, #tpu.memory_space<vmem>>) dst(%dma_wait3A_147 : memref<256x128xf32, #tpu.memory_space<hbm>>)
      } else {
      }
      %dma_start3A_96 = arith.constant 0 : i32
      %dma_start3A_97 = arith.constant 0 : i32
      %dma_start3A_98 = tpu.memref_slice %arg16[%dma_start3A_96, %dma_start3A_97] : memref<256x128xf32, #tpu.memory_space<vmem>> -> memref<128x128xf32, #tpu.memory_space<vmem>>
      %dma_start3A_99 = arith.constant 0 : i32
      %dma_start3A_100 = tpu.memref_slice %arg14[%mul3A_90, %dma_start3A_99] : memref<200x128xi32, #tpu.memory_space<vmem>> -> memref<1x128xi32, #tpu.memory_space<vmem>>
      %dma_start3A_101 = tpu.memref_squeeze %dma_start3A_100 : memref<1x128xi32, #tpu.memory_space<vmem>> -> memref<128xi32, #tpu.memory_space<vmem>>
      %dma_start3A_102 = arith.constant 0 : i32
      %dma_start3A_103 = arith.constant 0 : i32
      %dma_start3A_104 = tpu.memref_slice %arg13[%dma_start3A_102, %dma_start3A_103] : memref<32x128xf32, #tpu.memory_space<vmem_shared>> -> memref<32x128xf32, #tpu.memory_space<vmem_shared>>
      tpu.enqueue_indirect_dma source(%dma_start3A_104 : memref<32x128xf32, #tpu.memory_space<vmem_shared>>) target(%dma_start3A_98 : memref<128x128xf32, #tpu.memory_space<vmem>>) offsets(%dma_start3A_101 : memref<128xi32, #tpu.memory_space<vmem>>) semaphore(%arg18 : memref<!tpu.dma_semaphore, #tpu.memory_space<semaphore_mem>>)
      %add3A_105 = arith.constant 1 : i32
      %add3A_106 = arith.addi %mul3A_90, %add3A_105 : i32
      %dma_start3A_107 = arith.constant 128 : i32
      %dma_start3A_108 = arith.constant 0 : i32
      %dma_start3A_109 = tpu.memref_slice %arg16[%dma_start3A_107, %dma_start3A_108] : memref<256x128xf32, #tpu.memory_space<vmem>> -> memref<128x128xf32, #tpu.memory_space<vmem>>
      %dma_start3A_110 = arith.constant 0 : i32
      %dma_start3A_111 = tpu.memref_slice %arg14[%add3A_106, %dma_start3A_110] : memref<200x128xi32, #tpu.memory_space<vmem>> -> memref<1x128xi32, #tpu.memory_space<vmem>>
      %dma_start3A_112 = tpu.memref_squeeze %dma_start3A_111 : memref<1x128xi32, #tpu.memory_space<vmem>> -> memref<128xi32, #tpu.memory_space<vmem>>
      %dma_start3A_113 = arith.constant 0 : i32
      %dma_start3A_114 = arith.constant 0 : i32
      %dma_start3A_115 = tpu.memref_slice %arg13[%dma_start3A_113, %dma_start3A_114] : memref<32x128xf32, #tpu.memory_space<vmem_shared>> -> memref<32x128xf32, #tpu.memory_space<vmem_shared>>
      tpu.enqueue_indirect_dma source(%dma_start3A_115 : memref<32x128xf32, #tpu.memory_space<vmem_shared>>) target(%dma_start3A_109 : memref<128x128xf32, #tpu.memory_space<vmem>>) offsets(%dma_start3A_112 : memref<128xi32, #tpu.memory_space<vmem>>) semaphore(%arg18 : memref<!tpu.dma_semaphore, #tpu.memory_space<semaphore_mem>>)
      %dma_wait3A_116 = arith.constant 0 : i32
      %dma_wait3A_117 = arith.constant 0 : i32
      %dma_wait3A_118 = tpu.memref_slice %arg16[%dma_wait3A_116, %dma_wait3A_117] : memref<256x128xf32, #tpu.memory_space<vmem>> -> memref<128x128xf32, #tpu.memory_space<vmem>>
      %dma_wait3A_119 = arith.constant 0 : i32
      %dma_wait3A_120 = tpu.memref_slice %arg14[%mul3A_90, %dma_wait3A_119] : memref<200x128xi32, #tpu.memory_space<vmem>> -> memref<1x128xi32, #tpu.memory_space<vmem>>
      %dma_wait3A_121 = tpu.memref_squeeze %dma_wait3A_120 : memref<1x128xi32, #tpu.memory_space<vmem>> -> memref<128xi32, #tpu.memory_space<vmem>>
      %dma_wait3A_122 = arith.constant 0 : i32
      %dma_wait3A_123 = arith.constant 0 : i32
      %dma_wait3A_124 = tpu.memref_slice %arg13[%dma_wait3A_122, %dma_wait3A_123] : memref<32x128xf32, #tpu.memory_space<vmem_shared>> -> memref<32x128xf32, #tpu.memory_space<vmem_shared>>
      tpu.wait_indirect_dma semaphore(%arg18 : memref<!tpu.dma_semaphore, #tpu.memory_space<semaphore_mem>>) src(%dma_wait3A_124 : memref<32x128xf32, #tpu.memory_space<vmem_shared>>) dst(%dma_wait3A_118 : memref<128x128xf32, #tpu.memory_space<vmem>>)
      %dma_wait3A_125 = arith.constant 128 : i32
      %dma_wait3A_126 = arith.constant 0 : i32
      %dma_wait3A_127 = tpu.memref_slice %arg16[%dma_wait3A_125, %dma_wait3A_126] : memref<256x128xf32, #tpu.memory_space<vmem>> -> memref<128x128xf32, #tpu.memory_space<vmem>>
      %dma_wait3A_128 = arith.constant 0 : i32
      %dma_wait3A_129 = tpu.memref_slice %arg14[%add3A_106, %dma_wait3A_128] : memref<200x128xi32, #tpu.memory_space<vmem>> -> memref<1x128xi32, #tpu.memory_space<vmem>>
      %dma_wait3A_130 = tpu.memref_squeeze %dma_wait3A_129 : memref<1x128xi32, #tpu.memory_space<vmem>> -> memref<128xi32, #tpu.memory_space<vmem>>
      %dma_wait3A_131 = arith.constant 0 : i32
      %dma_wait3A_132 = arith.constant 0 : i32
      %dma_wait3A_133 = tpu.memref_slice %arg13[%dma_wait3A_131, %dma_wait3A_132] : memref<32x128xf32, #tpu.memory_space<vmem_shared>> -> memref<32x128xf32, #tpu.memory_space<vmem_shared>>
      tpu.wait_indirect_dma semaphore(%arg18 : memref<!tpu.dma_semaphore, #tpu.memory_space<semaphore_mem>>) src(%dma_wait3A_133 : memref<32x128xf32, #tpu.memory_space<vmem_shared>>) dst(%dma_wait3A_127 : memref<128x128xf32, #tpu.memory_space<vmem>>)
      %add3A_134 = arith.addi %multiple_of3A, %mul3A_90 : i32
      %mul3A_135 = arith.constant 128 : i32
      %mul3A_136 = arith.muli %add3A_134, %mul3A_135 : i32
      %multiple_of3A_137 = tpu.assume_multiple %mul3A_136, 128 : i32
      %dma_start3A_138 = arith.constant 0 : i32
      %dma_start3A_139 = tpu.memref_slice %arg7[%multiple_of3A_137, %dma_start3A_138] : memref<819200x128xf32, #tpu.memory_space<hbm>> -> memref<256x128xf32, #tpu.memory_space<hbm>>
      %dma_start3A_140 = arith.constant 0 : i32
      %dma_start3A_141 = tpu.memref_slice %arg7[%multiple_of3A_137, %dma_start3A_140] : memref<819200x128xf32, #tpu.memory_space<hbm>> -> memref<256x128xf32, #tpu.memory_space<hbm>>
      tpu.enqueue_dma source(%arg16 : memref<256x128xf32, #tpu.memory_space<vmem>>) target(%dma_start3A_141 : memref<256x128xf32, #tpu.memory_space<hbm>>) target_semaphore(%arg20 : memref<!tpu.dma_semaphore, #tpu.memory_space<semaphore_mem>>)
    }
    %scan3A_15 = arith.constant 50 : i32
    %dma_wait3A_16 = arith.constant 0 : i32
    %dma_wait3A_17 = arith.constant 0 : i32
    %dma_wait3A_18 = tpu.memref_slice %arg7[%dma_wait3A_16, %dma_wait3A_17] : memref<819200x128xf32, #tpu.memory_space<hbm>> -> memref<256x128xf32, #tpu.memory_space<hbm>>
    %dma_wait3A_19 = arith.constant 0 : i32
    %dma_wait3A_20 = arith.constant 0 : i32
    %dma_wait3A_21 = tpu.memref_slice %arg7[%dma_wait3A_19, %dma_wait3A_20] : memref<819200x128xf32, #tpu.memory_space<hbm>> -> memref<256x128xf32, #tpu.memory_space<hbm>>
    tpu.wait_dma2 semaphore(%arg19 : memref<!tpu.dma_semaphore, #tpu.memory_space<semaphore_mem>>) src(%arg15 : memref<256x128xf32, #tpu.memory_space<vmem>>) dst(%dma_wait3A_21 : memref<256x128xf32, #tpu.memory_space<hbm>>)
    %dma_wait3A_22 = arith.constant 0 : i32
    %dma_wait3A_23 = arith.constant 0 : i32
    %dma_wait3A_24 = tpu.memref_slice %arg7[%dma_wait3A_22, %dma_wait3A_23] : memref<819200x128xf32, #tpu.memory_space<hbm>> -> memref<256x128xf32, #tpu.memory_space<hbm>>
    %dma_wait3A_25 = arith.constant 0 : i32
    %dma_wait3A_26 = arith.constant 0 : i32
    %dma_wait3A_27 = tpu.memref_slice %arg7[%dma_wait3A_25, %dma_wait3A_26] : memref<819200x128xf32, #tpu.memory_space<hbm>> -> memref<256x128xf32, #tpu.memory_space<hbm>>
    tpu.wait_dma2 semaphore(%arg20 : memref<!tpu.dma_semaphore, #tpu.memory_space<semaphore_mem>>) src(%arg16 : memref<256x128xf32, #tpu.memory_space<vmem>>) dst(%dma_wait3A_27 : memref<256x128xf32, #tpu.memory_space<hbm>>)
    return
  }
}

</mosaic_0001>

<sc_bundles>
// kernel: _sc_encode.3.cloned.1.call-start
scs
__scs_entry_jumppad:
0x0: {  	(pc) =	sbr.rel $0x88, $3  }
0x1: {  	(tag) =	ssettag $0x0;
	lr =	simm.s32 $0x1  }
0x2: {  	[smem:$0x3F9C] =	sst lr;
	_ =	strace $0xD0000000  }
0x3: {  	_ = 	snop  }
0x4: {  	_ = 	snop  }
0x5: {  	_ = 	snop  }
0x6: {  	_ = 	snop  }
0x7: {  	_ = 	snop  }
__scs_overlays_trampoline_lowered:
0x8: {  	[smem:$0x3FAB] =	sst s0  }
0x9: {  	[smem:$0x3FAC] =	sst s1  }
0xa: {  	[smem:$0x3FAD] =	sst s2  }
0xb: {  	[smem:$0x3FAE] =	sst s3  }
0xc: {  	[smem:$0x3FAF] =	sst s4  }
0xd: {  	[smem:$0x3FB0] =	sst s5  }
0xe: {  	[smem:$0x3FB1] =	sst s6  }
0xf: {  	[smem:$0x3FB2] =	sst s7  }
0x10: {  	[smem:$0x3FB3] =	sst s8  }
0x11: {  	[smem:$0x3FB4] =	sst s9;
	s0 =	simm.s32 @!p0 $0x0  }
0x12: {  	s1 =	sld [smem:$0x3F9A];
	s0 =	simm.s32 @p0 $0x1  }
0x13: {  	[smem:$0x3FB5] =	sst s0;
	s0 =	simm.s32 @!p1 $0x0  }
0x14: {  	s2 =	sld [smem:$0x3F99];
	s0 =	simm.s32 @p1 $0x1  }
0x15: {  	[smem:$0x3FB6] =	sst s0;
	s0 =	simm.s32 @!p2 $0x0  }
0x16: {  	s3 =	sld [smem:$0x3FDB];
	s0 =	simm.s32 @p2 $0x1  }
0x17: {  	s4 =	simm.s32 $0x1BF5;
	[smem:$0x3FB8] =	sst s0  }
0x18: {  	s0 =	sld [smem:$0x3F9B];
	_ =	swait.ge [sflag:s4], $0x0  }
0x19: {  	s7 =	sld [smem:$0x3F9C]  }
0x1a: {  	s8 =	sadd.s32 $0xFFFFE003, lr  }
0x1b: {  	s9 =	sadd.s32 $0xFFFFFEF7, lr;
	s5 =	simm.s32 $0xFFFFFFFF;
	p2 =	slt.u32 s8, $0xFFFFF086  }
0x1c: {  	p1 =	slt.u32 s9, $0xF7A;
	s5 =	simm.s32 @!p2 $0x0  }
0x1d: {  	s5 =	simm.s32 @p1 $0x1;
	p0 =	seq.s32 s7, s2  }
0x1e: {  	s7 =	smul.u32 @!p0 $0xF7A, s2;
	p2 =	seq.s32 @!p0 s5, $0x0  }
0x1f: {  	s9 =	smul.u32 $0xF7A, s1;
	s8 =	simm.s32 @!p0 $0x1BF5;
	p2 =	por !p2, p0  }
0x20: {  	[sflag:s8] =	ssyncset.s32 @!p0 $0xFFFFF086;
	s6 =	sadd.s32 @!p0 s3, s7;
	s7 =	simm.s32 @!p0 $0x108  }
0x21: {  	s3 =	sadd.s32 s3, s9;
	s6 =	sadd.s32 @!p0 $0x88, s6;
	s7 =	simm.s32 @p2 $0x1082  }
0x22: {  	[simem:s7], [sflag:s8] =	dma.local @!p0 [hbm:s6], $0xF7A  }
0x23: {  	s9 =	sor.u32 $0xD0000000, s2;
	s6 =	simm.s32 $0x108;
	_ =	swait.ge @!p0 [sflag:s8], $0x0  }
0x24: {  	s3 =	sadd.s32 $0x88, s3;
	s6 =	simm.s32 @!p1 $0x1082;
	[sflag:s4] =	ssyncset.s32 $0xFFFFF086  }
0x25: {  	[simem:s6], [sflag:s4] =	dma.local [hbm:s3], $0xF7A  }
0x26: {  	[smem:$0x3F9C] =	sst s1;
	(tag) =	ssettag s2;
	_ =	strace s9  }
0x27: {  	s1 =	sld [smem:$0x3FAC]  }
0x28: {  	s2 =	sld [smem:$0x3FAD]  }
0x29: {  	s4 =	sld [smem:$0x3FAF]  }
0x2a: {  	p0 =	seq.s32 s5, $0x0;
	s5 =	sld [smem:$0x3FB0]  }
0x2b: {  	s6 =	sld [smem:$0x3FB1]  }
0x2c: {  	s7 =	sld [smem:$0x3FB2]  }
0x2d: {  	s3 =	simm.s32 $0x108;
	s8 =	sld [smem:$0x3FB3]  }
0x2e: {  	s3 =	simm.s32 @!p0 $0x1082;
	s9 =	sld [smem:$0x3FB4]  }
0x2f: {  	lr =	sadd.s32 s0, s3;
	s0 =	sld [smem:$0x3FAB]  }
0x30: {  	s3 =	sld [smem:$0x3FAE]  }
0x31: {  	[smem:$0x3FB7] =	sst s10  }
0x32: {  	s10 =	sld [smem:$0x3FB5];
	_ =	sdelay $0x3  }
0x33: {  	p0 =	seq.s32 s10, $0x1;
	s10 =	sld [smem:$0x3FB7];
	_ =	sdelay $0x3  }
0x34: {  	[smem:$0x3FB7] =	sst s10  }
0x35: {  	s10 =	sld [smem:$0x3FB6];
	_ =	sdelay $0x3  }
0x36: {  	p1 =	seq.s32 s10, $0x1;
	s10 =	sld [smem:$0x3FB7];
	_ =	sdelay $0x3  }
0x37: {  	[smem:$0x3FB7] =	sst s10  }
0x38: {  	s10 =	sld [smem:$0x3FB8]  }
0x39: {  	_ = 	snop;
	(pc) =	sbr.ind lr, $3  }
0x3a: {  	_ = 	snop  }
0x3b: {  	_ = 	snop  }
0x3c: {  	p2 =	seq.s32 s10, $0x1;
	s10 =	sld [smem:$0x3FB7]  }
0x3d: {  	_ =	shalt  }
0x3e: {  	_ =	shalt  }
0x3f: {  	_ =	shalt  }
0x40: {  	_ =	shalt  }
0x41: {  	_ =	shalt  }
0x42: {  	_ =	shalt  }
0x43: {  	_ =	shalt  }
0x44: {  	_ =	shalt  }
0x45: {  	_ =	shalt  }
0x46: {  	_ =	shalt  }
0x47: {  	_ =	shalt  }
0x48: {  	_ =	shalt  }
0x49: {  	_ =	shalt  }
0x4a: {  	_ =	shalt  }
0x4b: {  	_ =	shalt  }
0x4c: {  	_ =	shalt  }
0x4d: {  	_ =	shalt  }
0x4e: {  	_ =	shalt  }
0x4f: {  	_ =	shalt  }
0x50: {  	_ =	shalt  }
0x51: {  	_ =	shalt  }
0x52: {  	_ =	shalt  }
0x53: {  	_ =	shalt  }
0x54: {  	_ =	shalt  }
0x55: {  	_ =	shalt  }
0x56: {  	_ =	shalt  }
0x57: {  	_ =	shalt  }
0x58: {  	_ =	shalt  }
0x59: {  	_ =	shalt  }
0x5a: {  	_ =	shalt  }
0x5b: {  	_ =	shalt  }
0x5c: {  	_ =	shalt  }
0x5d: {  	_ =	shalt  }
0x5e: {  	_ =	shalt  }
0x5f: {  	_ =	shalt  }
0x60: {  	_ =	shalt  }
0x61: {  	_ =	shalt  }
0x62: {  	_ =	shalt  }
0x63: {  	_ =	shalt  }
0x64: {  	_ =	shalt  }
0x65: {  	_ =	shalt  }
0x66: {  	_ =	shalt  }
0x67: {  	_ =	shalt  }
0x68: {  	_ =	shalt  }
0x69: {  	_ =	shalt  }
0x6a: {  	_ =	shalt  }
0x6b: {  	_ =	shalt  }
0x6c: {  	_ =	shalt  }
0x6d: {  	_ =	shalt  }
0x6e: {  	_ =	shalt  }
0x6f: {  	_ =	shalt  }
0x70: {  	_ =	shalt  }
0x71: {  	_ =	shalt  }
0x72: {  	_ =	shalt  }
0x73: {  	_ =	shalt  }
0x74: {  	_ =	shalt  }
0x75: {  	_ =	shalt  }
0x76: {  	_ =	shalt  }
0x77: {  	_ =	shalt  }
0x78: {  	_ =	shalt  }
0x79: {  	_ =	shalt  }
0x7a: {  	_ =	shalt  }
0x7b: {  	_ =	shalt  }
0x7c: {  	_ =	shalt  }
0x7d: {  	_ =	shalt  }
0x7e: {  	_ =	shalt  }
0x7f: {  	_ =	shalt  }
0x80: {  	_ =	shalt  }
0x81: {  	_ =	shalt  }
0x82: {  	_ =	shalt  }
0x83: {  	_ =	shalt  }
0x84: {  	_ =	shalt  }
0x85: {  	_ =	shalt  }
0x86: {  	_ =	shalt  }
0x87: {  	_ =	shalt  }
.Lfunc_end0:
.L_simem_size_0:
called_computation_lowered:
.L_overlay_start_0:
0x88: {  	s2 =	sld [smem:$0x3FD9]  }
0x89: {  	s3 =	sld [smem:$0x3FFE];
	_ =	sdelay $0x1  }
0x8a: {  	s1 =	srdreg.scid  }
0x8b: {  	s0 =	sand.u32 $0x1, s1  }
0x8c: {  	s18 =	sshll.u32 s0, $0xA;
	s2 =	sadd.s32 s3, s2  }
0x8d: {  	s2 =	sadd.s32 s2, s18  }
0x8e: {  	[smem:$0x3FC3] =	sst s2  }
0x8f: {  	_ = 	snop  }
0x90: {  	s2 =	sld [smem:$0x3FC9]  }
0x91: {  	s19 =	sld [smem:$0x3FC8]  }
0x92: {  	s4 =	sld [smem:$0x3FC7]  }
0x93: {  	s5 =	sld [smem:$0x3FC6]  }
0x94: {  	s6 =	sld [smem:$0x3FC5]  }
0x95: {  	s7 =	sld [smem:$0x3FD0];
	(tm) =	ssettm $0x1  }
0x96: {  	s8 =	sld [smem:$0x3FFB];
	_ =	sdelay $0x3  }
0x97: {  	_ =	strace s8  }
0x98: {  	s8 =	sld [smem:$0x3FFC];
	_ =	sdelay $0x3  }
0x99: {  	_ =	strace s8  }
0x9a: {  	s8 =	sld [smem:$0x3FFD];
	_ =	sdelay $0x3  }
0x9b: {  	_ =	strace s8  }
0x9c: {  	_ =	strace $0x8FFFFFFF  }
0x9d: {  	s20 =	sld [smem:$0x3FDB];
	_ =	sdelay $0x1  }
0x9e: {  	s9 =	simm.s32 $_scs_section_size  }
0x9f: {  	s10 =	simm.s32 $_size__tile_overlayer_lowered;
	s11 =	simm.s32 $_tile_overlayer_lowered  }
0xa0: {  	s23 =	simm.s32 $0x1BFF;
	s22 =	sshll.u32 s11, $0x1;
	s8 =	sadd.s32 s9, s20  }
0xa1: {  	s12 =	simm.s32 $0x0;
	s21 =	sshll.u32 s10, $0x1;
	s10 =	sadd.s32 s22, s8  }
0xa2: {  	[timem:s12], [sflag:s23] =	dma.local [hbm:s10], s21  }
0xa3: {  	_ =	swait.ge [sflag:s23], s21  }
0xa4: {  	s9 =	ssub.s32 $0x0, s21;
	[sflag:s23] =	ssyncset.done $0x0  }
0xa5: {  	[sflag:s23] =	ssyncadd.s32 s9;
	_ =	sdelay $0x1  }
0xa6: {  	s24 =	simm.s32 $0x1B8B  }
0xa7: {  	_ =	swait.ge [sflag:s24], $0x1  }
0xa8: {  	[sflag:s24] =	ssyncset.done $0x0  }
0xa9: {  	s25 =	simm.s32 $0x1B8E;
	[sflag:s24] =	ssyncadd.s32 $0xFFFFFFFF  }
0xaa: {  	s26 =	simm.s32 $execute0_lowered;
	[smem:$0x3FD2] =	sst s25  }
0xab: {  	s9 =	sshll.u32 s26, $0x1;
	_ =	strace $0x80000046;
	[dreg:$0x1] =	wrdreg $0xFFFFFFFF  }
0xac: {  	s28 =	simm.s32 $_size_execute0_lowered;
	s8 =	sadd.s32 s8, s9;
	[dreg:$0x0] =	wrdreg $0x0  }
0xad: {  	s9 =	sshll.u32 s28, $0x1;
	[dreg:$0x2] =	wrdreg s8  }
0xae: {  	[dreg:$0x3] =	wrdreg s9  }
0xaf: {  	[dreg:$0x4] =	wrdreg $0xC0  }
0xb0: {  	_ =	task [dreg:s12], $0x5FFFF  }
0xb1: {  	[dreg:$0x1] =	wrdreg $0xFFFFFFFF  }
0xb2: {  	[dreg:$0x0] =	wrdreg $0x60  }
0xb3: {  	[dreg:$0x2] =	wrdreg s2  }
0xb4: {  	[dreg:$0x3] =	wrdreg s19  }
0xb5: {  	[dreg:$0x4] =	wrdreg s4  }
0xb6: {  	[dreg:$0x5] =	wrdreg s5  }
0xb7: {  	[dreg:$0x6] =	wrdreg s6  }
0xb8: {  	[dreg:$0x7] =	wrdreg s7  }
0xb9: {  	[dreg:$0x8] =	wrdreg $0x31000  }
0xba: {  	[dreg:$0x9] =	wrdreg $0x9  }
0xbb: {  	_ =	task.clear_ibuf [dreg:s12], $0xAFFFF;
	_ =	strace $0x90000046  }
0xbc: {  	s29 =	simm.s32 $0x9;
	_ =	strace $0x80000048  }
0xbd: {  	_ =	swait.ge [sflag:s29], $0x1  }
0xbe: {  	[sflag:s29] =	ssyncadd.s32 $0xFFFFFFFF  }
0xbf: {  	_ =	strace $0x90000048  }
0xc0: {  	_ =	sfence  }
0xc1: {  	s30 =	sld [smem:$0x0];
	_ =	sdelay $0x2  }
0xc2: {  	s31 =	sshll.u32 s1, $0xD;
	s1 =	sshrl.u32 s1, $0x2  }
0xc3: {  	s3 =	sand.u32 $0x4000, s31;
	s1 =	sadd.s32 s1, s30  }
0xc4: {  	s0 =	sor.u32 s3, s0;
	s1 =	sshll.u32 s1, $0x11  }
0xc5: {  	s0 =	sor.u32 s1, s0  }
0xc6: {  	s0 =	sadd.s32 $0x8F2B, s0  }
0xc7: {  	[sflag:s0] =	ssyncadd.remote.s32 $0x1  }
0xc8: {  	_ =	sfence.sel $0xFFFF  }
0xc9: {  	[dreg:$0x0] =	wrdreg $0xFFFFFFFF;
	(pc) =	sbr.abs _section_cstart, $3  }
0xca: {  	[dreg:$0x1] =	wrdreg $0xFFFFFFFF  }
0xcb: {  	_ =	task.clear_ibuf [dreg:s12], $0x2FFFF;
	_ =	strace $0x9FFFFFFF  }
0xcc: {  	(tm) =	ssettm $0x7FFFFFFF  }
0xcd: {  	_ =	shalt  }
tec
execute0_lowered:
.L_overlay_start_1:
0x0: {  	(tag) =	ssettag $0x1  }
0x1: {  	s0 =	rddreg [dreg:$0x0]  }
0x2: {  	s1 =	srdreg.scid;
	s4 =	rddreg [dreg:$0x5]  }
0x3: {  	s2 =	stileid.u32;
	s5 =	rddreg [dreg:$0x6]  }
0x4: {  	s6 =	simm.s32 $0x0;
	s13 =	simm.s32 $0x5;
	s14 =	simm.s32 $0x80  }
0x5: {  	s15 =	simm.s32 $0x20;
	s17 =	simm.s32 $0x1;
	s19 =	simm.s32 $0x2100  }
0x6: {  	s20 =	simm.s32 $0x3200;
	s21 =	simm.s32 $0x2;
	s22 =	simm.s32 $0x9600  }
0x7: {  	s28 =	simm.s32 $0x3380;
	s29 =	simm.s32 $0x15600;
	s10 =	smul.u32 $0x640000, s2  }
0x8: {  	s30 =	simm.s32 $0x3;
	s1 =	sand.u32 $0x1, s1;
	s23 =	smul.u32 $0x190, s2  }
0x9: {  	s31 =	simm.s32 $0x4;
	s3 =	sshll.u32 s2, $0x1;
	s12 =	smul.u32 $0x320000, s1  }
0xa: {  	[smem:$0x7FF] =	sst s6;
	s3 =	sor.u32 s1, s3;
	s24 =	smul.u32 $0xC8, s1  }
0xb: {  	p0 =	sne.s32 s2, $0x0;
	s8 =	ssub.s32 $0x2, s1;
	s7 =	smul.u32 $0xC80, s3  }
0xc: {  	_ =	strace $0x80000047;
	s9 =	smul.u32 $0x320000, s3;
	s11 =	sshrl.u32 s8, $0x1  }
0xd: {  	s3 =	smul.u32 $0x64000, s3;
	s8 =	ssub.s32 s8, s11;
	s10 =	sadd.s32 s12, s10  }
0xe: {  	s7 =	sadd.s32 s0, s7;
	s8 =	smax.u32 s8, $0x1;
	s25 =	sshrl.u32 s9, $0x3  }
0xf: {  	s26 =	sor.u32 $0x10000, s10;
	s0 =	sadd.s32 s24, s23;
	s3 =	sadd.s32 s3, s4  }
0x10: {  	s23 =	simm.s32 $0x3280;
	s24 =	simm.s32 $0xD600;
	s9 =	sadd.s32 s4, s25  }
0x11: {  	s1 =	sshrl.u32 s26, $0x3;
	s0 =	sshll.u32 s0, $0xB;
	s10 =	sadd.s32 $0x1000, s3  }
0x12: {  	s25 =	simm.s32 $0x3300;
	s26 =	simm.s32 $0x11600;
	s0 =	sadd.s32 s0, s4  }
0x13: {  	s11 =	sadd.s32 s1, s4;
	s4 =	simm.s32 $0x0;
	s3 =	sadd.s32 $0x3000, s0  }
.LBB2_1:
.Ltmp0:
0x14: {  	(pc) =	sbr.rel @p0 .LBB2_3-.Ltmp0, $1  }
0x15: {  	_ =	sdelay $0x3  }
0x16: {  	s0 =	rddreg [dreg:$0x3]  }
0x17: {  	[tilespmem:s6], [sflag:$0x5] =	stream.linear.gather [hbm4b:s0+s6], $0x80, $0x38;
	[tilespmem:$0x19600] =	vst v63  }
0x18: {  	_ =	swait.ge [sflag:s13], $0x80  }
0x19: {  	[sflag:s13] =	ssyncset.done $0x0  }
0x1a: {  	[sflag:s13] =	ssyncadd.s32 $0xFFFFFF80  }
0x1b: {  	s2 =	rddreg [dreg:$0x4]  }
0x1c: {  	[tilespmem:s14], [sflag:$0x5] =	stream.linear.gather [hbm4b:s2+s6], $0x80, $0x38;
	[tilespmem:$0x19600] =	vst v63  }
0x1d: {  	_ =	swait.ge [sflag:s13], $0x80  }
0x1e: {  	[sflag:s13] =	ssyncset.done $0x0  }
0x1f: {  	[sflag:s13] =	ssyncadd.s32 $0xFFFFFF80  }
0x20: {  	s1 =	simm.s32 $0x100;
	s12 =	rddreg [dreg:$0x1]  }
0x21: {  	[tilespmem:s1], [sflag:$0x1] =	stream.indirect.gather [hbm4b:s12+s15], $0x80, s6, s15, $0xb8;
	[tilespmem:$0x19600] =	vst v63  }
0x22: {  	_ =	swait.ge [sflag:s17], $0x1000  }
0x23: {  	[sflag:s17] =	ssyncset.done $0x0  }
0x24: {  	[sflag:s17] =	ssyncadd.s32 $0xFFFFF000  }
0x25: {  	s18 =	simm.s32 $0x1100;
	s16 =	rddreg [dreg:$0x2]  }
0x26: {  	[tilespmem:s18], [sflag:$0x1] =	stream.indirect.gather [hbm4b:s16+s15], $0x80, s14, s15, $0xb8;
	[tilespmem:$0x19600] =	vst v63  }
0x27: {  	_ =	swait.ge [sflag:s17], $0x1000  }
0x28: {  	[sflag:s17] =	ssyncset.done $0x0  }
0x29: {  	[sflag:s17] =	ssyncadd.s32 $0xFFFFF000  }
0x2a: {  	v0 =	vld [tilespmem:$0x100]  }
0x2b: {  	v1 =	vld [tilespmem:$0x1100]  }
0x2c: {  	v2 =	vld [tilespmem:$0x110]  }
0x2d: {  	v3 =	vld [tilespmem:$0x1110]  }
0x2e: {  	v4 =	vld [tilespmem:$0x120]  }
0x2f: {  	v38 =	vld [tilespmem:$0x1120];
	[tilespmem:$0x2100] =	vst v0  }
0x30: {  	v39 =	vld [tilespmem:$0x130];
	[tilespmem:$0x2140] =	vst v1  }
0x31: {  	v40 =	vld [tilespmem:$0x1130];
	[tilespmem:$0x2110] =	vst v2  }
0x32: {  	[tilespmem:$0x2150] =	vst v3  }
0x33: {  	[tilespmem:$0x2120] =	vst v4  }
0x34: {  	[tilespmem:$0x2160] =	vst v38  }
0x35: {  	[tilespmem:$0x2130] =	vst v39  }
0x36: {  	[tilespmem:$0x2170] =	vst v40  }
0x37: {  	v41 =	vld [tilespmem:$0x180]  }
0x38: {  	v42 =	vld [tilespmem:$0x1180]  }
0x39: {  	v2 =	vld [tilespmem:$0x190]  }
0x3a: {  	v43 =	vld [tilespmem:$0x1190]  }
0x3b: {  	v44 =	vld [tilespmem:$0x1A0]  }
0x3c: {  	v45 =	vld [tilespmem:$0x11A0];
	[tilespmem:$0x2180] =	vst v41  }
0x3d: {  	v46 =	vld [tilespmem:$0x1B0];
	[tilespmem:$0x21C0] =	vst v42  }
0x3e: {  	v47 =	vld [tilespmem:$0x11B0];
	[tilespmem:$0x2190] =	vst v2  }
0x3f: {  	v48 =	vld [tilespmem:$0x200];
	[tilespmem:$0x21D0] =	vst v43  }
0x40: {  	v49 =	vld [tilespmem:$0x1200];
	[tilespmem:$0x21A0] =	vst v44  }
0x41: {  	v50 =	vld [tilespmem:$0x210];
	[tilespmem:$0x21E0] =	vst v45  }
0x42: {  	v51 =	vld [tilespmem:$0x1210];
	[tilespmem:$0x21B0] =	vst v46  }
0x43: {  	v52 =	vld [tilespmem:$0x220];
	[tilespmem:$0x21F0] =	vst v47  }
0x44: {  	v53 =	vld [tilespmem:$0x1220];
	[tilespmem:$0x2200] =	vst v48  }
0x45: {  	v54 =	vld [tilespmem:$0x230];
	[tilespmem:$0x2240] =	vst v49  }
0x46: {  	v55 =	vld [tilespmem:$0x1230];
	[tilespmem:$0x2210] =	vst v50  }
0x47: {  	v56 =	vld [tilespmem:$0x280];
	[tilespmem:$0x2250] =	vst v51  }
0x48: {  	v57 =	vld [tilespmem:$0x1280];
	[tilespmem:$0x2220] =	vst v52  }
0x49: {  	v58 =	vld [tilespmem:$0x290];
	[tilespmem:$0x2260] =	vst v53  }
0x4a: {  	v59 =	vld [tilespmem:$0x1290];
	[tilespmem:$0x2230] =	vst v54  }
0x4b: {  	v60 =	vld [tilespmem:$0x2A0];
	[tilespmem:$0x2270] =	vst v55  }
0x4c: {  	v61 =	vld [tilespmem:$0x12A0];
	[tilespmem:$0x2280] =	vst v56  }
0x4d: {  	v62 =	vld [tilespmem:$0x2B0];
	[tilespmem:$0x22C0] =	vst v57  }
0x4e: {  	v63 =	vld [tilespmem:$0x12B0];
	[tilespmem:$0x2290] =	vst v58  }
0x4f: {  	v8 =	vld [tilespmem:$0x300];
	[tilespmem:$0x22D0] =	vst v59  }
0x50: {  	v9 =	vld [tilespmem:$0x1300];
	[tilespmem:$0x22A0] =	vst v60  }
0x51: {  	v10 =	vld [tilespmem:$0x310];
	[tilespmem:$0x22E0] =	vst v61  }
0x52: {  	v11 =	vld [tilespmem:$0x1310];
	[tilespmem:$0x22B0] =	vst v62  }
0x53: {  	v12 =	vld [tilespmem:$0x320];
	[tilespmem:$0x22F0] =	vst v63  }
0x54: {  	v13 =	vld [tilespmem:$0x1320];
	[tilespmem:$0x2300] =	vst v8  }
0x55: {  	v14 =	vld [tilespmem:$0x330];
	[tilespmem:$0x2340] =	vst v9  }
0x56: {  	v15 =	vld [tilespmem:$0x1330];
	[tilespmem:$0x2310] =	vst v10  }
0x57: {  	v16 =	vld [tilespmem:$0x380];
	[tilespmem:$0x2350] =	vst v11  }
0x58: {  	v17 =	vld [tilespmem:$0x1380];
	[tilespmem:$0x2320] =	vst v12  }
0x59: {  	v18 =	vld [tilespmem:$0x390];
	[tilespmem:$0x2360] =	vst v13  }
0x5a: {  	v19 =	vld [tilespmem:$0x1390];
	[tilespmem:$0x2330] =	vst v14  }
0x5b: {  	v20 =	vld [tilespmem:$0x3A0];
	[tilespmem:$0x2370] =	vst v15  }
0x5c: {  	v21 =	vld [tilespmem:$0x13A0];
	[tilespmem:$0x2380] =	vst v16  }
0x5d: {  	v22 =	vld [tilespmem:$0x3B0];
	[tilespmem:$0x23C0] =	vst v17  }
0x5e: {  	v23 =	vld [tilespmem:$0x13B0];
	[tilespmem:$0x2390] =	vst v18  }
0x5f: {  	v24 =	vld [tilespmem:$0x400];
	[tilespmem:$0x23D0] =	vst v19  }
0x60: {  	v25 =	vld [tilespmem:$0x1400];
	[tilespmem:$0x23A0] =	vst v20  }
0x61: {  	v26 =	vld [tilespmem:$0x410];
	[tilespmem:$0x23E0] =	vst v21  }
0x62: {  	v27 =	vld [tilespmem:$0x1410];
	[tilespmem:$0x23B0] =	vst v22  }
0x63: {  	v28 =	vld [tilespmem:$0x420];
	[tilespmem:$0x23F0] =	vst v23  }
0x64: {  	v29 =	vld [tilespmem:$0x1420];
	[tilespmem:$0x2400] =	vst v24  }
0x65: {  	v30 =	vld [tilespmem:$0x430];
	[tilespmem:$0x2440] =	vst v25  }
0x66: {  	v31 =	vld [tilespmem:$0x1430];
	[tilespmem:$0x2410] =	vst v26  }
0x67: {  	v32 =	vld [tilespmem:$0x480];
	[tilespmem:$0x2450] =	vst v27  }
0x68: {  	v33 =	vld [tilespmem:$0x1480];
	[tilespmem:$0x2420] =	vst v28  }
0x69: {  	v34 =	vld [tilespmem:$0x490];
	[tilespmem:$0x2460] =	vst v29  }
0x6a: {  	v35 =	vld [tilespmem:$0x1490];
	[tilespmem:$0x2430] =	vst v30  }
0x6b: {  	v36 =	vld [tilespmem:$0x4A0];
	[tilespmem:$0x2470] =	vst v31  }
0x6c: {  	v37 =	vld [tilespmem:$0x14A0];
	[tilespmem:$0x2480] =	vst v32  }
0x6d: {  	v38 =	vld [tilespmem:$0x4B0];
	[tilespmem:$0x24C0] =	vst v33  }
0x6e: {  	v39 =	vld [tilespmem:$0x14B0];
	[tilespmem:$0x2490] =	vst v34  }
0x6f: {  	v40 =	vld [tilespmem:$0x500];
	[tilespmem:$0x24D0] =	vst v35  }
0x70: {  	[tilespmem:$0x24A0] =	vst v36;
	v41 =	vld [tilespmem:$0x1500]  }
0x71: {  	[tilespmem:$0x24E0] =	vst v37;
	v42 =	vld [tilespmem:$0x510]  }
0x72: {  	[tilespmem:$0x24B0] =	vst v38;
	v43 =	vld [tilespmem:$0x1510]  }
0x73: {  	[tilespmem:$0x24F0] =	vst v39;
	v44 =	vld [tilespmem:$0x520]  }
0x74: {  	[tilespmem:$0x2500] =	vst v40;
	v45 =	vld [tilespmem:$0x1520]  }
0x75: {  	v46 =	vld [tilespmem:$0x530];
	[tilespmem:$0x2540] =	vst v41  }
0x76: {  	v47 =	vld [tilespmem:$0x1530];
	[tilespmem:$0x2510] =	vst v42  }
0x77: {  	v48 =	vld [tilespmem:$0x580];
	[tilespmem:$0x2550] =	vst v43  }
0x78: {  	v49 =	vld [tilespmem:$0x1580];
	[tilespmem:$0x2520] =	vst v44  }
0x79: {  	v50 =	vld [tilespmem:$0x590];
	[tilespmem:$0x2560] =	vst v45  }
0x7a: {  	v51 =	vld [tilespmem:$0x1590];
	[tilespmem:$0x2530] =	vst v46  }
0x7b: {  	v52 =	vld [tilespmem:$0x5A0];
	[tilespmem:$0x2570] =	vst v47  }
0x7c: {  	v53 =	vld [tilespmem:$0x15A0];
	[tilespmem:$0x2580] =	vst v48  }
0x7d: {  	v54 =	vld [tilespmem:$0x5B0];
	[tilespmem:$0x25C0] =	vst v49  }
0x7e: {  	v55 =	vld [tilespmem:$0x15B0];
	[tilespmem:$0x2590] =	vst v50  }
0x7f: {  	v56 =	vld [tilespmem:$0x600];
	[tilespmem:$0x25D0] =	vst v51  }
0x80: {  	v57 =	vld [tilespmem:$0x1600];
	[tilespmem:$0x25A0] =	vst v52  }
0x81: {  	v58 =	vld [tilespmem:$0x610];
	[tilespmem:$0x25E0] =	vst v53  }
0x82: {  	v59 =	vld [tilespmem:$0x1610];
	[tilespmem:$0x25B0] =	vst v54  }
0x83: {  	v60 =	vld [tilespmem:$0x620];
	[tilespmem:$0x25F0] =	vst v55  }
0x84: {  	v61 =	vld [tilespmem:$0x1620];
	[tilespmem:$0x2600] =	vst v56  }
0x85: {  	v62 =	vld [tilespmem:$0x630];
	[tilespmem:$0x2640] =	vst v57  }
0x86: {  	v63 =	vld [tilespmem:$0x1630];
	[tilespmem:$0x2610] =	vst v58  }
0x87: {  	v8 =	vld [tilespmem:$0x680];
	[tilespmem:$0x2650] =	vst v59  }
0x88: {  	v9 =	vld [tilespmem:$0x1680];
	[tilespmem:$0x2620] =	vst v60  }
0x89: {  	v10 =	vld [tilespmem:$0x690];
	[tilespmem:$0x2660] =	vst v61  }
0x8a: {  	v11 =	vld [tilespmem:$0x1690];
	[tilespmem:$0x2630] =	vst v62  }
0x8b: {  	v12 =	vld [tilespmem:$0x6A0];
	[tilespmem:$0x2670] =	vst v63  }
0x8c: {  	v13 =	vld [tilespmem:$0x16A0];
	[tilespmem:$0x2680] =	vst v8  }
0x8d: {  	v14 =	vld [tilespmem:$0x6B0];
	[tilespmem:$0x26C0] =	vst v9  }
0x8e: {  	v15 =	vld [tilespmem:$0x16B0];
	[tilespmem:$0x2690] =	vst v10  }
0x8f: {  	v16 =	vld [tilespmem:$0x700];
	[tilespmem:$0x26D0] =	vst v11  }
0x90: {  	v17 =	vld [tilespmem:$0x1700];
	[tilespmem:$0x26A0] =	vst v12  }
0x91: {  	v18 =	vld [tilespmem:$0x710];
	[tilespmem:$0x26E0] =	vst v13  }
0x92: {  	v19 =	vld [tilespmem:$0x1710];
	[tilespmem:$0x26B0] =	vst v14  }
0x93: {  	v20 =	vld [tilespmem:$0x720];
	[tilespmem:$0x26F0] =	vst v15  }
0x94: {  	v21 =	vld [tilespmem:$0x1720];
	[tilespmem:$0x2700] =	vst v16  }
0x95: {  	v22 =	vld [tilespmem:$0x730];
	[tilespmem:$0x2740] =	vst v17  }
0x96: {  	v23 =	vld [tilespmem:$0x1730];
	[tilespmem:$0x2710] =	vst v18  }
0x97: {  	v24 =	vld [tilespmem:$0x780];
	[tilespmem:$0x2750] =	vst v19  }
0x98: {  	v25 =	vld [tilespmem:$0x1780];
	[tilespmem:$0x2720] =	vst v20  }
0x99: {  	v26 =	vld [tilespmem:$0x790];
	[tilespmem:$0x2760] =	vst v21  }
0x9a: {  	v27 =	vld [tilespmem:$0x1790];
	[tilespmem:$0x2730] =	vst v22  }
0x9b: {  	v28 =	vld [tilespmem:$0x7A0];
	[tilespmem:$0x2770] =	vst v23  }
0x9c: {  	v29 =	vld [tilespmem:$0x17A0];
	[tilespmem:$0x2780] =	vst v24  }
0x9d: {  	v30 =	vld [tilespmem:$0x7B0];
	[tilespmem:$0x27C0] =	vst v25  }
0x9e: {  	v31 =	vld [tilespmem:$0x17B0];
	[tilespmem:$0x2790] =	vst v26  }
0x9f: {  	v32 =	vld [tilespmem:$0x800];
	[tilespmem:$0x27D0] =	vst v27  }
0xa0: {  	v33 =	vld [tilespmem:$0x1800];
	[tilespmem:$0x27A0] =	vst v28  }
0xa1: {  	v34 =	vld [tilespmem:$0x810];
	[tilespmem:$0x27E0] =	vst v29  }
0xa2: {  	v35 =	vld [tilespmem:$0x1810];
	[tilespmem:$0x27B0] =	vst v30  }
0xa3: {  	v36 =	vld [tilespmem:$0x820];
	[tilespmem:$0x27F0] =	vst v31  }
0xa4: {  	v37 =	vld [tilespmem:$0x1820];
	[tilespmem:$0x2800] =	vst v32  }
0xa5: {  	v38 =	vld [tilespmem:$0x830];
	[tilespmem:$0x2840] =	vst v33  }
0xa6: {  	v39 =	vld [tilespmem:$0x1830];
	[tilespmem:$0x2810] =	vst v34  }
0xa7: {  	v40 =	vld [tilespmem:$0x880];
	[tilespmem:$0x2850] =	vst v35  }
0xa8: {  	[tilespmem:$0x2820] =	vst v36;
	v41 =	vld [tilespmem:$0x1880]  }
0xa9: {  	[tilespmem:$0x2860] =	vst v37;
	v42 =	vld [tilespmem:$0x890]  }
0xaa: {  	[tilespmem:$0x2830] =	vst v38;
	v43 =	vld [tilespmem:$0x1890]  }
0xab: {  	[tilespmem:$0x2870] =	vst v39;
	v44 =	vld [tilespmem:$0x8A0]  }
0xac: {  	[tilespmem:$0x2880] =	vst v40;
	v45 =	vld [tilespmem:$0x18A0]  }
0xad: {  	v46 =	vld [tilespmem:$0x8B0];
	[tilespmem:$0x28C0] =	vst v41  }
0xae: {  	v47 =	vld [tilespmem:$0x18B0];
	[tilespmem:$0x2890] =	vst v42  }
0xaf: {  	v48 =	vld [tilespmem:$0x900];
	[tilespmem:$0x28D0] =	vst v43  }
0xb0: {  	v49 =	vld [tilespmem:$0x1900];
	[tilespmem:$0x28A0] =	vst v44  }
0xb1: {  	v50 =	vld [tilespmem:$0x910];
	[tilespmem:$0x28E0] =	vst v45  }
0xb2: {  	v51 =	vld [tilespmem:$0x1910];
	[tilespmem:$0x28B0] =	vst v46  }
0xb3: {  	v52 =	vld [tilespmem:$0x920];
	[tilespmem:$0x28F0] =	vst v47  }
0xb4: {  	v53 =	vld [tilespmem:$0x1920];
	[tilespmem:$0x2900] =	vst v48  }
0xb5: {  	v54 =	vld [tilespmem:$0x930];
	[tilespmem:$0x2940] =	vst v49  }
0xb6: {  	v55 =	vld [tilespmem:$0x1930];
	[tilespmem:$0x2910] =	vst v50  }
0xb7: {  	v56 =	vld [tilespmem:$0x980];
	[tilespmem:$0x2950] =	vst v51  }
0xb8: {  	v57 =	vld [tilespmem:$0x1980];
	[tilespmem:$0x2920] =	vst v52  }
0xb9: {  	v58 =	vld [tilespmem:$0x990];
	[tilespmem:$0x2960] =	vst v53  }
0xba: {  	v59 =	vld [tilespmem:$0x1990];
	[tilespmem:$0x2930] =	vst v54  }
0xbb: {  	v60 =	vld [tilespmem:$0x9A0];
	[tilespmem:$0x2970] =	vst v55  }
0xbc: {  	v61 =	vld [tilespmem:$0x19A0];
	[tilespmem:$0x2980] =	vst v56  }
0xbd: {  	v62 =	vld [tilespmem:$0x9B0];
	[tilespmem:$0x29C0] =	vst v57  }
0xbe: {  	v63 =	vld [tilespmem:$0x19B0];
	[tilespmem:$0x2990] =	vst v58  }
0xbf: {  	v8 =	vld [tilespmem:$0xA00];
	[tilespmem:$0x29D0] =	vst v59  }
0xc0: {  	v9 =	vld [tilespmem:$0x1A00];
	[tilespmem:$0x29A0] =	vst v60  }
0xc1: {  	v10 =	vld [tilespmem:$0xA10];
	[tilespmem:$0x29E0] =	vst v61  }
0xc2: {  	v11 =	vld [tilespmem:$0x1A10];
	[tilespmem:$0x29B0] =	vst v62  }
0xc3: {  	v12 =	vld [tilespmem:$0xA20];
	[tilespmem:$0x29F0] =	vst v63  }
0xc4: {  	v13 =	vld [tilespmem:$0x1A20];
	[tilespmem:$0x2A00] =	vst v8  }
0xc5: {  	v14 =	vld [tilespmem:$0xA30];
	[tilespmem:$0x2A40] =	vst v9  }
0xc6: {  	v15 =	vld [tilespmem:$0x1A30];
	[tilespmem:$0x2A10] =	vst v10  }
0xc7: {  	v16 =	vld [tilespmem:$0xA80];
	[tilespmem:$0x2A50] =	vst v11  }
0xc8: {  	v17 =	vld [tilespmem:$0x1A80];
	[tilespmem:$0x2A20] =	vst v12  }
0xc9: {  	v18 =	vld [tilespmem:$0xA90];
	[tilespmem:$0x2A60] =	vst v13  }
0xca: {  	v19 =	vld [tilespmem:$0x1A90];
	[tilespmem:$0x2A30] =	vst v14  }
0xcb: {  	v20 =	vld [tilespmem:$0xAA0];
	[tilespmem:$0x2A70] =	vst v15  }
0xcc: {  	v21 =	vld [tilespmem:$0x1AA0];
	[tilespmem:$0x2A80] =	vst v16  }
0xcd: {  	v22 =	vld [tilespmem:$0xAB0];
	[tilespmem:$0x2AC0] =	vst v17  }
0xce: {  	v23 =	vld [tilespmem:$0x1AB0];
	[tilespmem:$0x2A90] =	vst v18  }
0xcf: {  	v24 =	vld [tilespmem:$0xB00];
	[tilespmem:$0x2AD0] =	vst v19  }
0xd0: {  	v25 =	vld [tilespmem:$0x1B00];
	[tilespmem:$0x2AA0] =	vst v20  }
0xd1: {  	v26 =	vld [tilespmem:$0xB10];
	[tilespmem:$0x2AE0] =	vst v21  }
0xd2: {  	v27 =	vld [tilespmem:$0x1B10];
	[tilespmem:$0x2AB0] =	vst v22  }
0xd3: {  	v28 =	vld [tilespmem:$0xB20];
	[tilespmem:$0x2AF0] =	vst v23  }
0xd4: {  	v29 =	vld [tilespmem:$0x1B20];
	[tilespmem:$0x2B00] =	vst v24  }
0xd5: {  	v30 =	vld [tilespmem:$0xB30];
	[tilespmem:$0x2B40] =	vst v25  }
0xd6: {  	v31 =	vld [tilespmem:$0x1B30];
	[tilespmem:$0x2B10] =	vst v26  }
0xd7: {  	v32 =	vld [tilespmem:$0xB80];
	[tilespmem:$0x2B50] =	vst v27  }
0xd8: {  	v33 =	vld [tilespmem:$0x1B80];
	[tilespmem:$0x2B20] =	vst v28  }
0xd9: {  	v34 =	vld [tilespmem:$0xB90];
	[tilespmem:$0x2B60] =	vst v29  }
0xda: {  	v35 =	vld [tilespmem:$0x1B90];
	[tilespmem:$0x2B30] =	vst v30  }
0xdb: {  	v36 =	vld [tilespmem:$0xBA0];
	[tilespmem:$0x2B70] =	vst v31  }
0xdc: {  	v37 =	vld [tilespmem:$0x1BA0];
	[tilespmem:$0x2B80] =	vst v32  }
0xdd: {  	v38 =	vld [tilespmem:$0xBB0];
	[tilespmem:$0x2BC0] =	vst v33  }
0xde: {  	v39 =	vld [tilespmem:$0x1BB0];
	[tilespmem:$0x2B90] =	vst v34  }
0xdf: {  	v40 =	vld [tilespmem:$0xC00];
	[tilespmem:$0x2BD0] =	vst v35  }
0xe0: {  	[tilespmem:$0x2BA0] =	vst v36;
	v41 =	vld [tilespmem:$0x1C00]  }
0xe1: {  	[tilespmem:$0x2BE0] =	vst v37;
	v42 =	vld [tilespmem:$0xC10]  }
0xe2: {  	[tilespmem:$0x2BB0] =	vst v38;
	v43 =	vld [tilespmem:$0x1C10]  }
0xe3: {  	[tilespmem:$0x2BF0] =	vst v39;
	v44 =	vld [tilespmem:$0xC20]  }
0xe4: {  	[tilespmem:$0x2C00] =	vst v40;
	v45 =	vld [tilespmem:$0x1C20]  }
0xe5: {  	v46 =	vld [tilespmem:$0xC30];
	[tilespmem:$0x2C40] =	vst v41  }
0xe6: {  	v47 =	vld [tilespmem:$0x1C30];
	[tilespmem:$0x2C10] =	vst v42  }
0xe7: {  	v48 =	vld [tilespmem:$0xC80];
	[tilespmem:$0x2C50] =	vst v43  }
0xe8: {  	v49 =	vld [tilespmem:$0x1C80];
	[tilespmem:$0x2C20] =	vst v44  }
0xe9: {  	v50 =	vld [tilespmem:$0xC90];
	[tilespmem:$0x2C60] =	vst v45  }
0xea: {  	v51 =	vld [tilespmem:$0x1C90];
	[tilespmem:$0x2C30] =	vst v46  }
0xeb: {  	v52 =	vld [tilespmem:$0xCA0];
	[tilespmem:$0x2C70] =	vst v47  }
0xec: {  	v53 =	vld [tilespmem:$0x1CA0];
	[tilespmem:$0x2C80] =	vst v48  }
0xed: {  	v54 =	vld [tilespmem:$0xCB0];
	[tilespmem:$0x2CC0] =	vst v49  }
0xee: {  	v55 =	vld [tilespmem:$0x1CB0];
	[tilespmem:$0x2C90] =	vst v50  }
0xef: {  	v56 =	vld [tilespmem:$0xD00];
	[tilespmem:$0x2CD0] =	vst v51  }
0xf0: {  	v57 =	vld [tilespmem:$0x1D00];
	[tilespmem:$0x2CA0] =	vst v52  }
0xf1: {  	v58 =	vld [tilespmem:$0xD10];
	[tilespmem:$0x2CE0] =	vst v53  }
0xf2: {  	v59 =	vld [tilespmem:$0x1D10];
	[tilespmem:$0x2CB0] =	vst v54  }
0xf3: {  	v60 =	vld [tilespmem:$0xD20];
	[tilespmem:$0x2CF0] =	vst v55  }
0xf4: {  	v61 =	vld [tilespmem:$0x1D20];
	[tilespmem:$0x2D00] =	vst v56  }
0xf5: {  	v62 =	vld [tilespmem:$0xD30];
	[tilespmem:$0x2D40] =	vst v57  }
0xf6: {  	v63 =	vld [tilespmem:$0x1D30];
	[tilespmem:$0x2D10] =	vst v58  }
0xf7: {  	v8 =	vld [tilespmem:$0xD80];
	[tilespmem:$0x2D50] =	vst v59  }
0xf8: {  	v9 =	vld [tilespmem:$0x1D80];
	[tilespmem:$0x2D20] =	vst v60  }
0xf9: {  	v10 =	vld [tilespmem:$0xD90];
	[tilespmem:$0x2D60] =	vst v61  }
0xfa: {  	v11 =	vld [tilespmem:$0x1D90];
	[tilespmem:$0x2D30] =	vst v62  }
0xfb: {  	v12 =	vld [tilespmem:$0xDA0];
	[tilespmem:$0x2D70] =	vst v63  }
0xfc: {  	v13 =	vld [tilespmem:$0x1DA0];
	[tilespmem:$0x2D80] =	vst v8  }
0xfd: {  	v14 =	vld [tilespmem:$0xDB0];
	[tilespmem:$0x2DC0] =	vst v9  }
0xfe: {  	v15 =	vld [tilespmem:$0x1DB0];
	[tilespmem:$0x2D90] =	vst v10  }
0xff: {  	v16 =	vld [tilespmem:$0xE00];
	[tilespmem:$0x2DD0] =	vst v11  }
0x100: {  	v17 =	vld [tilespmem:$0x1E00];
	[tilespmem:$0x2DA0] =	vst v12  }
0x101: {  	v18 =	vld [tilespmem:$0xE10];
	[tilespmem:$0x2DE0] =	vst v13  }
0x102: {  	v19 =	vld [tilespmem:$0x1E10];
	[tilespmem:$0x2DB0] =	vst v14  }
0x103: {  	v20 =	vld [tilespmem:$0xE20];
	[tilespmem:$0x2DF0] =	vst v15  }
0x104: {  	v21 =	vld [tilespmem:$0x1E20];
	[tilespmem:$0x2E00] =	vst v16  }
0x105: {  	v22 =	vld [tilespmem:$0xE30];
	[tilespmem:$0x2E40] =	vst v17  }
0x106: {  	v23 =	vld [tilespmem:$0x1E30];
	[tilespmem:$0x2E10] =	vst v18  }
0x107: {  	v24 =	vld [tilespmem:$0xE80];
	[tilespmem:$0x2E50] =	vst v19  }
0x108: {  	v25 =	vld [tilespmem:$0x1E80];
	[tilespmem:$0x2E20] =	vst v20  }
0x109: {  	v26 =	vld [tilespmem:$0xE90];
	[tilespmem:$0x2E60] =	vst v21  }
0x10a: {  	v27 =	vld [tilespmem:$0x1E90];
	[tilespmem:$0x2E30] =	vst v22  }
0x10b: {  	v28 =	vld [tilespmem:$0xEA0];
	[tilespmem:$0x2E70] =	vst v23  }
0x10c: {  	v29 =	vld [tilespmem:$0x1EA0];
	[tilespmem:$0x2E80] =	vst v24  }
0x10d: {  	v30 =	vld [tilespmem:$0xEB0];
	[tilespmem:$0x2EC0] =	vst v25  }
0x10e: {  	v31 =	vld [tilespmem:$0x1EB0];
	[tilespmem:$0x2E90] =	vst v26  }
0x10f: {  	v32 =	vld [tilespmem:$0xF00];
	[tilespmem:$0x2ED0] =	vst v27  }
0x110: {  	v33 =	vld [tilespmem:$0x1F00];
	[tilespmem:$0x2EA0] =	vst v28  }
0x111: {  	v34 =	vld [tilespmem:$0xF10];
	[tilespmem:$0x2EE0] =	vst v29  }
0x112: {  	v35 =	vld [tilespmem:$0x1F10];
	[tilespmem:$0x2EB0] =	vst v30  }
0x113: {  	v36 =	vld [tilespmem:$0xF20];
	[tilespmem:$0x2EF0] =	vst v31  }
0x114: {  	v37 =	vld [tilespmem:$0x1F20];
	[tilespmem:$0x2F00] =	vst v32  }
0x115: {  	v38 =	vld [tilespmem:$0xF30];
	[tilespmem:$0x2F40] =	vst v33  }
0x116: {  	v39 =	vld [tilespmem:$0x1F30];
	[tilespmem:$0x2F10] =	vst v34  }
0x117: {  	v40 =	vld [tilespmem:$0xF80];
	[tilespmem:$0x2F50] =	vst v35  }
0x118: {  	[tilespmem:$0x2F20] =	vst v36;
	v41 =	vld [tilespmem:$0x1F80]  }
0x119: {  	[tilespmem:$0x2F60] =	vst v37;
	v42 =	vld [tilespmem:$0xF90]  }
0x11a: {  	[tilespmem:$0x2F30] =	vst v38;
	v43 =	vld [tilespmem:$0x1F90]  }
0x11b: {  	[tilespmem:$0x2F70] =	vst v39;
	v44 =	vld [tilespmem:$0xFA0]  }
0x11c: {  	[tilespmem:$0x2F80] =	vst v40;
	v45 =	vld [tilespmem:$0x1FA0]  }
0x11d: {  	v46 =	vld [tilespmem:$0xFB0];
	[tilespmem:$0x2FC0] =	vst v41  }
0x11e: {  	v47 =	vld [tilespmem:$0x1FB0];
	[tilespmem:$0x2F90] =	vst v42  }
0x11f: {  	v48 =	vld [tilespmem:$0x1000];
	[tilespmem:$0x2FD0] =	vst v43  }
0x120: {  	v49 =	vld [tilespmem:$0x2000];
	[tilespmem:$0x2FA0] =	vst v44  }
0x121: {  	v50 =	vld [tilespmem:$0x1010];
	[tilespmem:$0x2FE0] =	vst v45  }
0x122: {  	v51 =	vld [tilespmem:$0x2010];
	[tilespmem:$0x2FB0] =	vst v46  }
0x123: {  	v52 =	vld [tilespmem:$0x1020];
	[tilespmem:$0x2FF0] =	vst v47  }
0x124: {  	v53 =	vld [tilespmem:$0x2020];
	[tilespmem:$0x3000] =	vst v48  }
0x125: {  	v54 =	vld [tilespmem:$0x1030];
	[tilespmem:$0x3040] =	vst v49  }
0x126: {  	v55 =	vld [tilespmem:$0x2030];
	[tilespmem:$0x3010] =	vst v50  }
0x127: {  	v56 =	vld [tilespmem:$0x1080];
	[tilespmem:$0x3050] =	vst v51  }
0x128: {  	v57 =	vld [tilespmem:$0x2080];
	[tilespmem:$0x3020] =	vst v52  }
0x129: {  	v58 =	vld [tilespmem:$0x1090];
	[tilespmem:$0x3060] =	vst v53  }
0x12a: {  	v59 =	vld [tilespmem:$0x2090];
	[tilespmem:$0x3030] =	vst v54  }
0x12b: {  	v60 =	vld [tilespmem:$0x10A0];
	[tilespmem:$0x3070] =	vst v55  }
0x12c: {  	v61 =	vld [tilespmem:$0x20A0];
	[tilespmem:$0x3080] =	vst v56  }
0x12d: {  	v62 =	vld [tilespmem:$0x10B0];
	[tilespmem:$0x30C0] =	vst v57  }
0x12e: {  	v63 =	vld [tilespmem:$0x20B0];
	[tilespmem:$0x3090] =	vst v58  }
0x12f: {  	[tilespmem:$0x30D0] =	vst v59  }
0x130: {  	[tilespmem:$0x30A0] =	vst v60  }
0x131: {  	[tilespmem:$0x30E0] =	vst v61  }
0x132: {  	[tilespmem:$0x30B0] =	vst v62  }
0x133: {  	[tilespmem:$0x30F0] =	vst v63  }
0x134: {  	[spmem:s5] =	stream.linear.scatter [tilespmem:s19], [sflag:$0x5], $0x1000, $0x38;
	[tilespmem:$0x19600] =	vst v63  }
0x135: {  	_ =	swait.ge [sflag:s13], $0x1000  }
0x136: {  	[sflag:s13] =	ssyncset.done $0x0  }
0x137: {  	[sflag:s13] =	ssyncadd.s32 $0xFFFFF000  }
.LBB2_3:
0x138: {  	s0 =	simm.s32 $0x0  }
0x139: {  	[tilespmem:s20], [sflag:$0x2] =	stream.linear.gather [hbm4b:s7+s0], $0x6400, $0x38;
	[tilespmem:$0x19600] =	vst v63  }
0x13a: {  	_ =	swait.ge [sflag:s21], $0x6400  }
0x13b: {  	[sflag:s21] =	ssyncset.done $0x0  }
0x13c: {  	[sflag:s21] =	ssyncadd.s32 $0xFFFF9C00  }
0x13d: {  	[bflag:$0x0] =	sbarrier.arrive $0xFFFF  }
0x13e: {  	[tilespmem:s22], [sflag:$0x1] =	stream.indirect.gather [spmem:s5], $0x80, s20, s14, $0xb8;
	[tilespmem:$0x19600] =	vst v63  }
0x13f: {  	_ = 	snop  }
0x140: {  	[tilespmem:s24], [sflag:$0x1] =	stream.indirect.gather [spmem:s5], $0x80, s23, s14, $0xb8;
	[tilespmem:$0x19600] =	vst v63  }
0x141: {  	_ =	swait.ge [sflag:s17], $0x4000  }
0x142: {  	[sflag:s17] =	ssyncset.done $0x0  }
0x143: {  	[sflag:s17] =	ssyncadd.s32 $0xFFFFC000  }
0x144: {  	_ =	swait.ge [sflag:s17], $0x4000  }
0x145: {  	[sflag:s17] =	ssyncset.done $0x0  }
0x146: {  	[sflag:s17] =	ssyncadd.s32 $0xFFFFC000  }
0x147: {  	[hbm4b:s9+s0] =	stream.linear.scatter [tilespmem:s22], [sflag:$0x3], $0x8000, $0x38;
	[tilespmem:$0x19600] =	vst v63  }
0x148: {  	_ = 	snop  }
0x149: {  	[tilespmem:s26], [sflag:$0x2] =	stream.indirect.gather [spmem:s5], $0x80, s25, s14, $0xb8;
	[tilespmem:$0x19600] =	vst v63  }
0x14a: {  	_ = 	snop  }
0x14b: {  	[tilespmem:s29], [sflag:$0x2] =	stream.indirect.gather [spmem:s5], $0x80, s28, s14, $0xb8;
	[tilespmem:$0x19600] =	vst v63  }
0x14c: {  	_ =	swait.ge [sflag:s21], $0x4000  }
0x14d: {  	[sflag:s21] =	ssyncset.done $0x0  }
0x14e: {  	[sflag:s21] =	ssyncadd.s32 $0xFFFFC000  }
0x14f: {  	_ =	swait.ge [sflag:s21], $0x4000  }
0x150: {  	[sflag:s21] =	ssyncset.done $0x0  }
0x151: {  	[sflag:s21] =	ssyncadd.s32 $0xFFFFC000  }
0x152: {  	[hbm4b:s10+s0] =	stream.linear.scatter [tilespmem:s26], [sflag:$0x4], $0x8000, $0x38;
	[tilespmem:$0x19600] =	vst v63  }
0x153: {  	_ =	swait.ge [sflag:s30], $0x8000  }
0x154: {  	[sflag:s30] =	ssyncset.done $0x0  }
0x155: {  	s2 =	simm.s32 $0x3400;
	[sflag:s30] =	ssyncadd.s32 $0xFFFF8000  }
0x156: {  	[tilespmem:s22], [sflag:$0x1] =	stream.indirect.gather [spmem:s5], $0x80, s2, s14, $0xb8;
	[tilespmem:$0x19600] =	vst v63  }
0x157: {  	s12 =	simm.s32 $0x3480  }
0x158: {  	[tilespmem:s24], [sflag:$0x1] =	stream.indirect.gather [spmem:s5], $0x80, s12, s14, $0xb8;
	[tilespmem:$0x19600] =	vst v63  }
0x159: {  	_ =	swait.ge [sflag:s17], $0x4000  }
0x15a: {  	[sflag:s17] =	ssyncset.done $0x0  }
0x15b: {  	[sflag:s17] =	ssyncadd.s32 $0xFFFFC000  }
0x15c: {  	_ =	swait.ge [sflag:s17], $0x4000  }
0x15d: {  	[sflag:s17] =	ssyncset.done $0x0  }
0x15e: {  	[sflag:s17] =	ssyncadd.s32 $0xFFFFC000  }
0x15f: {  	[hbm4b:s11+s6] =	stream.linear.scatter [tilespmem:s22], [sflag:$0x3], $0x8000, $0x38;
	[tilespmem:$0x19600] =	vst v63  }
0x160: {  	_ =	swait.ge [sflag:s31], $0x8000  }
0x161: {  	[sflag:s31] =	ssyncset.done $0x0  }
0x162: {  	s16 =	simm.s32 $0x3500;
	[sflag:s31] =	ssyncadd.s32 $0xFFFF8000  }
0x163: {  	[tilespmem:s26], [sflag:$0x2] =	stream.indirect.gather [spmem:s5], $0x80, s16, s14, $0xb8;
	[tilespmem:$0x19600] =	vst v63  }
0x164: {  	s18 =	simm.s32 $0x3580  }
0x165: {  	[tilespmem:s29], [sflag:$0x2] =	stream.indirect.gather [spmem:s5], $0x80, s18, s14, $0xb8;
	[tilespmem:$0x19600] =	vst v63  }
0x166: {  	_ =	swait.ge [sflag:s21], $0x4000  }
0x167: {  	[sflag:s21] =	ssyncset.done $0x0  }
0x168: {  	[sflag:s21] =	ssyncadd.s32 $0xFFFFC000  }
0x169: {  	_ =	swait.ge [sflag:s21], $0x4000  }
0x16a: {  	s1 =	sadd.s32 $0x2000, s11;
	s0 =	simm.s32 $0x800;
	[sflag:s21] =	ssyncset.done $0x0  }
0x16b: {  	s2 =	sadd.s32 $0x2000, s3;
	s12 =	smov.u32 s3;
	[sflag:s21] =	ssyncadd.s32 $0xFFFFC000  }
.LBB2_4:
0x16c: {  	[hbm4b:s12+s6] =	stream.linear.scatter [tilespmem:s26], [sflag:$0x4], $0x8000, $0x38;
	[tilespmem:$0x19600] =	vst v63  }
0x16d: {  	s16 =	smov.u32 s0;
	s12 =	smov.u32 s2  }
0x16e: {  	p1 =	sne.s32 s0, $0x18000;
	s0 =	sadd.s32 $0x800, s0;
	_ =	swait.ge [sflag:s30], $0x8000  }
0x16f: {  	s16 =	sshra.s32 s16, $0x2;
	[sflag:s30] =	ssyncset.done $0x0  }
0x170: {  	s18 =	sadd.s32 $0x3400, s16;
	[sflag:s30] =	ssyncadd.s32 $0xFFFF8000  }
0x171: {  	[tilespmem:s22], [sflag:$0x1] =	stream.indirect.gather [spmem:s5], $0x80, s18, s14, $0xb8;
	[tilespmem:$0x19600] =	vst v63  }
0x172: {  	s18 =	sadd.s32 $0x3480, s16  }
0x173: {  	[tilespmem:s24], [sflag:$0x1] =	stream.indirect.gather [spmem:s5], $0x80, s18, s14, $0xb8;
	[tilespmem:$0x19600] =	vst v63  }
0x174: {  	_ =	swait.ge [sflag:s17], $0x4000  }
0x175: {  	[sflag:s17] =	ssyncset.done $0x0  }
0x176: {  	[sflag:s17] =	ssyncadd.s32 $0xFFFFC000  }
0x177: {  	_ =	swait.ge [sflag:s17], $0x4000  }
0x178: {  	[sflag:s17] =	ssyncset.done $0x0  }
0x179: {  	[sflag:s17] =	ssyncadd.s32 $0xFFFFC000  }
0x17a: {  	[hbm4b:s1+s6] =	stream.linear.scatter [tilespmem:s22], [sflag:$0x3], $0x8000, $0x38;
	[tilespmem:$0x19600] =	vst v63  }
0x17b: {  	_ =	swait.ge [sflag:s31], $0x8000  }
0x17c: {  	[sflag:s31] =	ssyncset.done $0x0  }
0x17d: {  	s18 =	sadd.s32 $0x3500, s16;
	[sflag:s31] =	ssyncadd.s32 $0xFFFF8000  }
0x17e: {  	[tilespmem:s26], [sflag:$0x2] =	stream.indirect.gather [spmem:s5], $0x80, s18, s14, $0xb8;
	[tilespmem:$0x19600] =	vst v63  }
0x17f: {  	s16 =	sadd.s32 $0x3580, s16  }
0x180: {  	[tilespmem:s29], [sflag:$0x2] =	stream.indirect.gather [spmem:s5], $0x80, s16, s14, $0xb8;
	[tilespmem:$0x19600] =	vst v63  }
0x181: {  	_ =	swait.ge [sflag:s21], $0x4000  }
.Ltmp1:
0x182: {  	[sflag:s21] =	ssyncset.done $0x0;
	(pc) =	sbr.rel @p1 .LBB2_4-.Ltmp1, $4  }
0x183: {  	[sflag:s21] =	ssyncadd.s32 $0xFFFFC000  }
0x184: {  	_ =	swait.ge [sflag:s21], $0x4000  }
0x185: {  	[sflag:s21] =	ssyncset.done $0x0  }
0x186: {  	s2 =	sadd.s32 $0x2000, s2;
	s1 =	sadd.s32 $0x2000, s1;
	[sflag:s21] =	ssyncadd.s32 $0xFFFFC000  }
0x187: {  	[hbm4b:s12+s6] =	stream.linear.scatter [tilespmem:s26], [sflag:$0x4], $0x8000, $0x38;
	[tilespmem:$0x19600] =	vst v63  }
0x188: {  	s4 =	sadd.s32 $0x1, s4  }
0x189: {  	_ =	swait.ge [sflag:s30], $0x8000;
	p1 =	sne.s32 s4, s8  }
.Ltmp2:
0x18a: {  	[sflag:s30] =	ssyncset.done $0x0;
	(pc) =	sbr.rel @p1 .LBB2_1-.Ltmp2, $4  }
0x18b: {  	[sflag:s30] =	ssyncadd.s32 $0xFFFF8000  }
0x18c: {  	_ =	swait.ge [sflag:s31], $0x8000  }
0x18d: {  	[sflag:s31] =	ssyncset.done $0x0  }
0x18e: {  	[sflag:s31] =	ssyncadd.s32 $0xFFFF8000  }
0x18f: {  	_ =	sfence.sel $0x180000  }
0x190: {  	[bflag:$0x0] =	sbarrier.arrive $0xFFFF  }
0x191: {  	_ =	strace $0x90000047  }
0x192: {  	[bflag:$0x2] =	sbarrier.arrive $0xFFFF  }
0x193: {  	s0 =	rddreg [dreg:$0x7]  }
0x194: {  	s0 =	sadd.s32 @!p0 $0x100000, s0  }
0x195: {  	[sflag:s0] =	ssyncadd.tile.s32 @!p0 $0x1;
	_ =	shalt  }
.Lfunc_end2:
_tile_overlayer_lowered:
.L_overlay_start_2:
0x196: {  	(tag) =	ssettag $0x2  }
0x197: {  	s0 =	rddreg [dreg:$0x0];
	s2 =	stileid.u32  }
0x198: {  	s1 =	rddreg [dreg:$0x1];
	p0 =	sne.s32 s2, $0x0  }
0x199: {  	s3 =	rddreg [dreg:$0x2];
	[bflag:$0x3] =	sbarrier.arrive $0xFFFF;
	s2 =	simm.s32 @!p0 $0x1C05  }
0x19a: {  	[timem:s3], [sflag:s2] =	dma.local @!p0 [hbm:s0], s1  }
0x19b: {  	s0 =	simm.s32 @!p0 $0x5  }
0x19c: {  	_ =	swait.ge @!p0 [sflag:s0], s1  }
0x19d: {  	s1 =	ssub.s32 @!p0 $0x0, s1;
	[sflag:s0] =	ssyncset.done @!p0 $0x0  }
0x19e: {  	[sflag:s0] =	ssyncadd.s32 @!p0 s1  }
0x19f: {  	[bflag:$0x3] =	sbarrier.arrive $0xFFFF  }
0x1a0: {  	_ =	shalt  }

</sc_bundles>
